<compile_context>
chip_gen: v7x
topology: tpu7x:2x2x1
jax: 0.10.2.dev20260603
libtpu: 0.0.44.dev20260713+nightly
codegen_flags: <defaults>
</compile_context>

<pallas_src>
import functools

import jax
import jax.numpy as jnp
from jax import lax
from jax.experimental import pallas as pl
from jax.experimental.pallas import tpu as pltpu
from jax.experimental.pallas import tpu_sc as plsc

_N_TOTAL = 32 * 3 * 512 * 512
_BATCH = 32
_BINS = 256
_NW = 32
_PER_W = _N_TOTAL // _NW
_CROWS = 32
_CHUNK = _CROWS * 512
_NCHUNK = _PER_W // _CHUNK
_NBUF = 4

_ROWS = _N_TOTAL // 512
_COLS = 512
_BR = 4096

_INV_N = 1.0 / _N_TOTAL
_INV_LN2 = 1.4426950408889634


def _hist_sc(x3d):
    mesh = plsc.VectorSubcoreMesh(core_axis_name="c", subcore_axis_name="s")

    @functools.partial(
        pl.kernel,
        mesh=mesh,
        compiler_params=pltpu.CompilerParams(needs_layout_passes=False),
        out_type=jax.ShapeDtypeStruct((_NW * _BINS,), jnp.float32),
        scratch_types=[
            [pltpu.VMEM((_CROWS, 512), jnp.float32)] * _NBUF,
            pltpu.VMEM((_BINS * 16,), jnp.float32),
            [pltpu.SemaphoreType.DMA] * _NBUF,
        ],
    )
    def hist_kernel(x_hbm, out_hbm, bufs, hist, sems):
        cid = lax.axis_index("c")
        sid = lax.axis_index("s")
        wid = sid * 2 + cid
        cbase = wid * _NCHUNK

        zeros16 = jnp.zeros((16,), jnp.float32)
        ones16 = jnp.ones((16,), jnp.float32)
        lane16 = lax.iota(jnp.int32, 16)

        @plsc.parallel_loop(0, _BINS, unroll=8)
        def _(j):
            hist[pl.ds(j * 16, 16)] = zeros16

        def start(c, b):
            g = cbase + c
            p = lax.shift_right_logical(g, 4)
            r0 = pl.multiple_of(
                lax.shift_left(jnp.bitwise_and(g, 15), 5), _CROWS)
            pltpu.async_copy(x_hbm.at[p, pl.ds(r0, _CROWS), :], bufs[b], sems[b])

        def wait(b):
            pltpu.make_async_copy(
                x_hbm.at[0, pl.ds(0, _CROWS), :], bufs[b], sems[b]).wait()

        def process(b):
            buf = bufs[b]

            @plsc.parallel_loop(0, _CROWS * 512 // 16, unroll=8)
            def _(i):
                r = lax.shift_right_logical(i, 5)
                c0 = lax.shift_left(jnp.bitwise_and(i, 31), 4)
                x = buf[r, pl.ds(c0, 16)]
                idx = (x * 256.0).astype(jnp.int32)
                addr = jnp.bitwise_or(lax.shift_left(idx, 4), lane16)
                plsc.addupdate_scatter(hist, [addr], ones16)

        for b in range(_NBUF):
            start(b, b)

        def chunk_body(g, carry):
            for b in range(_NBUF):
                wait(b)
                process(b)
                start(_NBUF * (g + 1) + b, b)
            return carry

        lax.fori_loop(0, _NCHUNK // _NBUF - 1, chunk_body, 0)
        for b in range(_NBUF):
            wait(b)
            process(b)

        gather_base = lax.shift_left(lane16, 4)
        for g in range(16):
            acc = zeros16
            for l in range(16):
                acc = acc + plsc.load_gather(hist, [gather_base + (g * 256 + l)])
            hist[pl.ds(g * 16, 16)] = acc

        pltpu.sync_copy(
            hist.at[pl.ds(0, _BINS)], out_hbm.at[pl.ds(wid * _BINS, _BINS)])

    return hist_kernel(x3d).reshape(_NW, _BINS)


def _mse_body(o_ref, i_ref, acc_ref):
    @pl.when(pl.program_id(0) == 0)
    def _():
        acc_ref[0, 0] = 0.0

    d = o_ref[...] - i_ref[...]
    acc_ref[0, 0] += jnp.sum(d * d)


def _mse_sum(o2, i2):
    return pl.pallas_call(
        _mse_body,
        grid=(_ROWS // _BR,),
        in_specs=[
            pl.BlockSpec((_BR, _COLS), lambda i: (i, 0)),
            pl.BlockSpec((_BR, _COLS), lambda i: (i, 0)),
        ],
        out_specs=pl.BlockSpec(memory_space=pltpu.SMEM),
        out_shape=jax.ShapeDtypeStruct((1, 1), jnp.float32),
    )(o2, i2)


def _final_body(hist_ref, mse_ref, loss_ref, bpp_ref, dist_ref):
    counts = jnp.sum(hist_ref[...], axis=0, keepdims=True)
    p = counts * _INV_N
    p = jnp.clip(p, 1e-12, 1.0)
    ent = -jnp.sum(p * (jnp.log(p) * _INV_LN2))
    bpp = ent / _BATCH
    dist = mse_ref[0, 0] * _INV_N
    loss_ref[0, 0] = bpp + dist
    bpp_ref[0, 0] = bpp
    dist_ref[0, 0] = dist


def _finalize(hist_rows, mse):
    return pl.pallas_call(
        _final_body,
        in_specs=[
            pl.BlockSpec((_NW, _BINS), lambda: (0, 0)),
            pl.BlockSpec(memory_space=pltpu.SMEM),
        ],
        out_specs=[pl.BlockSpec(memory_space=pltpu.SMEM)] * 3,
        out_shape=[jax.ShapeDtypeStruct((1, 1), jnp.float32)] * 3,
    )(hist_rows, mse)


def kernel(outputs, inputs):
    hist_rows = _hist_sc(outputs.reshape(96, 512, 512))
    mse = _mse_sum(outputs.reshape(_ROWS, _COLS), inputs.reshape(_ROWS, _COLS))
    loss, bpp, dist = _finalize(hist_rows, mse)
    return (loss[0, 0], bpp[0, 0], dist[0, 0])

# --- scband reference (transcript-rebuilt; emitter-appended) ---
"""Pipeline reference for scband-bpp-distortion-loss-23751169146897 (READ-ONLY COPY).

The authoritative reference and input builder live on the scoring server;
editing this copy changes nothing except your own understanding.
"""

import jax, jax.numpy as jnp
import numpy as np

LAMBDA_BPP = 0.01
LAMBDA_DISTORTION = 1.0


def setup_inputs(seed: int = 0) -> dict:
    key = jax.random.key(seed)
    k1, k2 = jax.random.split(key)
    outputs = jax.random.uniform(k1, (32, 3, 512, 512), dtype=jnp.float32)
    inputs = jax.random.uniform(k2, (32, 3, 512, 512), dtype=jnp.float32)
    return {"outputs": outputs, "inputs": inputs}


def _calculate_bits_per_pixel(outputs):
    batch_size = outputs.shape[0]
    x = outputs.astype(jnp.float32)
    # torch.histc(x, bins=256, min=0, max=1): bin width 1/256, values at max go to last bin
    idx = jnp.clip(jnp.floor(x * 256.0).astype(jnp.int32), 0, 255)
    hist = jnp.bincount(idx.reshape(-1), length=256).astype(jnp.float32)
    hist = hist / jnp.sum(hist)
    epsilon = 1e-12
    hist = jnp.clip(hist, epsilon, 1.0)
    entropy = -jnp.sum(hist * jnp.log2(hist))
    bpp = entropy / batch_size
    return bpp


def reference(outputs, inputs):
    distortion = jnp.mean((outputs - inputs) ** 2)
    bpp = _calculate_bits_per_pixel(outputs)
    loss = bpp + LAMBDA_DISTORTION * distortion
    return (loss, bpp, distortion)

if __name__ == "__main__":
    import jax
    _d = setup_inputs()
    print(jax.jit(kernel)(*tuple(_d.values())))

</pallas_src>

<mosaic_0001>
#map = affine_map<(d0, d1) -> (0, 0, 0)>
#map1 = affine_map<(d0, d1) -> (0)>
module attributes {stable_mosaic.version = 14 : i64} {
  func.func @hist_kernel(%arg0: i32, %arg1: i32, %arg2: memref<96x512x512xf32, #tpu.memory_space<hbm>>, %arg3: memref<8192xf32, #tpu.memory_space<hbm>>, %arg4: memref<32x512xf32, #tpu.memory_space<vmem>>, %arg5: memref<32x512xf32, #tpu.memory_space<vmem>>, %arg6: memref<32x512xf32, #tpu.memory_space<vmem>>, %arg7: memref<32x512xf32, #tpu.memory_space<vmem>>, %arg8: memref<4096xf32, #tpu.memory_space<vmem>>, %arg9: memref<!tpu.dma_semaphore, #tpu.memory_space<semaphore_mem>>, %arg10: memref<!tpu.dma_semaphore, #tpu.memory_space<semaphore_mem>>, %arg11: memref<!tpu.dma_semaphore, #tpu.memory_space<semaphore_mem>>, %arg12: memref<!tpu.dma_semaphore, #tpu.memory_space<semaphore_mem>>) attributes {dimension_semantics = [#tpu.dimension_semantics<core_parallel>, #tpu.dimension_semantics<subcore_parallel>], iteration_bounds = array<i64: 2, 16>, scalar_prefetch = 0 : i64, scratch_operands = 9 : i64, tpu.core_type = #tpu.core_type<sc_vector_subcore>, window_params = [{transform_indices = #map}, {transform_indices = #map1}]} {
    %mul3A = arith.constant 2 : i32
    %mul3A_0 = arith.muli %arg1, %mul3A : i32
    %add3A = arith.addi %mul3A_0, %arg0 : i32
    %mul3A_1 = arith.constant 48 : i32
    %mul3A_2 = arith.muli %add3A, %mul3A_1 : i32
    %broadcast_in_dim3A = arith.constant 0.000000e+00 : f32
    %broadcast_in_dim3A_3 = vector.broadcast %broadcast_in_dim3A : f32 to vector<16xf32>
    %broadcast_in_dim3A_4 = arith.constant 1.000000e+00 : f32
    %broadcast_in_dim3A_5 = vector.broadcast %broadcast_in_dim3A_4 : f32 to vector<16xf32>
    %iota3A = tpu.iota {dimensions = array<i32: 0>} : vector<16xi32>
    %parallel_loop3A = arith.constant 0 : i32
    %parallel_loop3A_6 = arith.constant 256 : i32
    %parallel_loop3A_7 = arith.constant 1 : i32
    scf.for %parallel_loop3A_1430 = %parallel_loop3A to %parallel_loop3A_6 step %parallel_loop3A_7  : i32 {
      %parallel_loop3A_1431 = arith.constant 16 : i32
      %parallel_loop3A_1432 = arith.muli %parallel_loop3A_1430, %parallel_loop3A_1431 : i32
      %parallel_loop3A_1433 = arith.index_cast %parallel_loop3A_1432 : i32 to index
      %parallel_loop3A_1434 = tpu.vector_load %arg8[%parallel_loop3A_1433] {strides = array<i32>} : memref<4096xf32, #tpu.memory_space<vmem>>, vector<16xf32>,
      tpu.vector_store %arg8[%parallel_loop3A_1433], %broadcast_in_dim3A_3 {strides = array<i32>} : memref<4096xf32, #tpu.memory_space<vmem>>, vector<16xf32>,
    } {sc.loop_unroll_factor = 8 : i64, sc.parallel_access}
    %add3A_8 = arith.constant 0 : i32
    %add3A_9 = arith.addi %mul3A_2, %add3A_8 : i32
    %shift_right_logical3A = arith.constant 4 : i32
    %shift_right_logical3A_10 = arith.shrui %add3A_9, %shift_right_logical3A : i32
    %and3A = arith.constant 15 : i32
    %and3A_11 = arith.andi %add3A_9, %and3A : i32
    %shift_left3A = arith.constant 5 : i32
    %shift_left3A_12 = arith.shli %and3A_11, %shift_left3A : i32
    %multiple_of3A = tpu.assume_multiple %shift_left3A_12, 32 : i32
    %dma_start3A = arith.constant 0 : i32
    %dma_start3A_13 = tpu.memref_slice %arg2[%shift_right_logical3A_10, %multiple_of3A, %dma_start3A] : memref<96x512x512xf32, #tpu.memory_space<hbm>> -> memref<1x32x512xf32, #tpu.memory_space<hbm>>
    %dma_start3A_14 = tpu.memref_squeeze %dma_start3A_13 : memref<1x32x512xf32, #tpu.memory_space<hbm>> -> memref<32x512xf32, #tpu.memory_space<hbm>>
    %dma_start3A_15 = arith.constant 0 : i32
    %dma_start3A_16 = tpu.memref_slice %arg2[%shift_right_logical3A_10, %multiple_of3A, %dma_start3A_15] : memref<96x512x512xf32, #tpu.memory_space<hbm>> -> memref<1x32x512xf32, #tpu.memory_space<hbm>>
    %dma_start3A_17 = tpu.memref_squeeze %dma_start3A_16 : memref<1x32x512xf32, #tpu.memory_space<hbm>> -> memref<32x512xf32, #tpu.memory_space<hbm>>
    tpu.enqueue_dma source(%dma_start3A_17 : memref<32x512xf32, #tpu.memory_space<hbm>>) target(%arg4 : memref<32x512xf32, #tpu.memory_space<vmem>>) target_semaphore(%arg9 : memref<!tpu.dma_semaphore, #tpu.memory_space<semaphore_mem>>)
    %add3A_18 = arith.constant 1 : i32
    %add3A_19 = arith.addi %mul3A_2, %add3A_18 : i32
    %shift_right_logical3A_20 = arith.constant 4 : i32
    %shift_right_logical3A_21 = arith.shrui %add3A_19, %shift_right_logical3A_20 : i32
    %and3A_22 = arith.constant 15 : i32
    %and3A_23 = arith.andi %add3A_19, %and3A_22 : i32
    %shift_left3A_24 = arith.constant 5 : i32
    %shift_left3A_25 = arith.shli %and3A_23, %shift_left3A_24 : i32
    %multiple_of3A_26 = tpu.assume_multiple %shift_left3A_25, 32 : i32
    %dma_start3A_27 = arith.constant 0 : i32
    %dma_start3A_28 = tpu.memref_slice %arg2[%shift_right_logical3A_21, %multiple_of3A_26, %dma_start3A_27] : memref<96x512x512xf32, #tpu.memory_space<hbm>> -> memref<1x32x512xf32, #tpu.memory_space<hbm>>
    %dma_start3A_29 = tpu.memref_squeeze %dma_start3A_28 : memref<1x32x512xf32, #tpu.memory_space<hbm>> -> memref<32x512xf32, #tpu.memory_space<hbm>>
    %dma_start3A_30 = arith.constant 0 : i32
    %dma_start3A_31 = tpu.memref_slice %arg2[%shift_right_logical3A_21, %multiple_of3A_26, %dma_start3A_30] : memref<96x512x512xf32, #tpu.memory_space<hbm>> -> memref<1x32x512xf32, #tpu.memory_space<hbm>>
    %dma_start3A_32 = tpu.memref_squeeze %dma_start3A_31 : memref<1x32x512xf32, #tpu.memory_space<hbm>> -> memref<32x512xf32, #tpu.memory_space<hbm>>
    tpu.enqueue_dma source(%dma_start3A_32 : memref<32x512xf32, #tpu.memory_space<hbm>>) target(%arg5 : memref<32x512xf32, #tpu.memory_space<vmem>>) target_semaphore(%arg10 : memref<!tpu.dma_semaphore, #tpu.memory_space<semaphore_mem>>)
    %add3A_33 = arith.constant 2 : i32
    %add3A_34 = arith.addi %mul3A_2, %add3A_33 : i32
    %shift_right_logical3A_35 = arith.constant 4 : i32
    %shift_right_logical3A_36 = arith.shrui %add3A_34, %shift_right_logical3A_35 : i32
    %and3A_37 = arith.constant 15 : i32
    %and3A_38 = arith.andi %add3A_34, %and3A_37 : i32
    %shift_left3A_39 = arith.constant 5 : i32
    %shift_left3A_40 = arith.shli %and3A_38, %shift_left3A_39 : i32
    %multiple_of3A_41 = tpu.assume_multiple %shift_left3A_40, 32 : i32
    %dma_start3A_42 = arith.constant 0 : i32
    %dma_start3A_43 = tpu.memref_slice %arg2[%shift_right_logical3A_36, %multiple_of3A_41, %dma_start3A_42] : memref<96x512x512xf32, #tpu.memory_space<hbm>> -> memref<1x32x512xf32, #tpu.memory_space<hbm>>
    %dma_start3A_44 = tpu.memref_squeeze %dma_start3A_43 : memref<1x32x512xf32, #tpu.memory_space<hbm>> -> memref<32x512xf32, #tpu.memory_space<hbm>>
    %dma_start3A_45 = arith.constant 0 : i32
    %dma_start3A_46 = tpu.memref_slice %arg2[%shift_right_logical3A_36, %multiple_of3A_41, %dma_start3A_45] : memref<96x512x512xf32, #tpu.memory_space<hbm>> -> memref<1x32x512xf32, #tpu.memory_space<hbm>>
    %dma_start3A_47 = tpu.memref_squeeze %dma_start3A_46 : memref<1x32x512xf32, #tpu.memory_space<hbm>> -> memref<32x512xf32, #tpu.memory_space<hbm>>
    tpu.enqueue_dma source(%dma_start3A_47 : memref<32x512xf32, #tpu.memory_space<hbm>>) target(%arg6 : memref<32x512xf32, #tpu.memory_space<vmem>>) target_semaphore(%arg11 : memref<!tpu.dma_semaphore, #tpu.memory_space<semaphore_mem>>)
    %add3A_48 = arith.constant 3 : i32
    %add3A_49 = arith.addi %mul3A_2, %add3A_48 : i32
    %shift_right_logical3A_50 = arith.constant 4 : i32
    %shift_right_logical3A_51 = arith.shrui %add3A_49, %shift_right_logical3A_50 : i32
    %and3A_52 = arith.constant 15 : i32
    %and3A_53 = arith.andi %add3A_49, %and3A_52 : i32
    %shift_left3A_54 = arith.constant 5 : i32
    %shift_left3A_55 = arith.shli %and3A_53, %shift_left3A_54 : i32
    %multiple_of3A_56 = tpu.assume_multiple %shift_left3A_55, 32 : i32
    %dma_start3A_57 = arith.constant 0 : i32
    %dma_start3A_58 = tpu.memref_slice %arg2[%shift_right_logical3A_51, %multiple_of3A_56, %dma_start3A_57] : memref<96x512x512xf32, #tpu.memory_space<hbm>> -> memref<1x32x512xf32, #tpu.memory_space<hbm>>
    %dma_start3A_59 = tpu.memref_squeeze %dma_start3A_58 : memref<1x32x512xf32, #tpu.memory_space<hbm>> -> memref<32x512xf32, #tpu.memory_space<hbm>>
    %dma_start3A_60 = arith.constant 0 : i32
    %dma_start3A_61 = tpu.memref_slice %arg2[%shift_right_logical3A_51, %multiple_of3A_56, %dma_start3A_60] : memref<96x512x512xf32, #tpu.memory_space<hbm>> -> memref<1x32x512xf32, #tpu.memory_space<hbm>>
    %dma_start3A_62 = tpu.memref_squeeze %dma_start3A_61 : memref<1x32x512xf32, #tpu.memory_space<hbm>> -> memref<32x512xf32, #tpu.memory_space<hbm>>
    tpu.enqueue_dma source(%dma_start3A_62 : memref<32x512xf32, #tpu.memory_space<hbm>>) target(%arg7 : memref<32x512xf32, #tpu.memory_space<vmem>>) target_semaphore(%arg12 : memref<!tpu.dma_semaphore, #tpu.memory_space<semaphore_mem>>)
    %scan3A = arith.constant 0 : i32
    %scan3A_63 = arith.constant 0 : i32
    %scan3A_64 = arith.constant 11 : i32
    %scan3A_65 = arith.addi %scan3A_63, %scan3A_64 : i32
    %scan3A_66 = arith.constant 1 : i32
    scf.for %scan3A_1430 = %scan3A_63 to %scan3A_65 step %scan3A_66  : i32 {
      %dma_wait3A_1431 = arith.constant 0 : i32
      %dma_wait3A_1432 = arith.constant 0 : i32
      %dma_wait3A_1433 = arith.constant 0 : i32
      %dma_wait3A_1434 = tpu.memref_slice %arg2[%dma_wait3A_1431, %dma_wait3A_1432, %dma_wait3A_1433] : memref<96x512x512xf32, #tpu.memory_space<hbm>> -> memref<1x32x512xf32, #tpu.memory_space<hbm>>
      %dma_wait3A_1435 = tpu.memref_squeeze %dma_wait3A_1434 : memref<1x32x512xf32, #tpu.memory_space<hbm>> -> memref<32x512xf32, #tpu.memory_space<hbm>>
      %dma_wait3A_1436 = arith.constant 0 : i32
      %dma_wait3A_1437 = arith.constant 0 : i32
      %dma_wait3A_1438 = tpu.memref_slice %arg2[%dma_wait3A_1431, %dma_wait3A_1436, %dma_wait3A_1437] : memref<96x512x512xf32, #tpu.memory_space<hbm>> -> memref<1x32x512xf32, #tpu.memory_space<hbm>>
      %dma_wait3A_1439 = tpu.memref_squeeze %dma_wait3A_1438 : memref<1x32x512xf32, #tpu.memory_space<hbm>> -> memref<32x512xf32, #tpu.memory_space<hbm>>
      tpu.wait_dma2 semaphore(%arg9 : memref<!tpu.dma_semaphore, #tpu.memory_space<semaphore_mem>>) src(%dma_wait3A_1439 : memref<32x512xf32, #tpu.memory_space<hbm>>) dst(%arg4 : memref<32x512xf32, #tpu.memory_space<vmem>>)
      %parallel_loop3A_1440 = arith.constant 0 : i32
      %parallel_loop3A_1441 = arith.constant 1024 : i32
      %parallel_loop3A_1442 = arith.constant 1 : i32
      scf.for %parallel_loop3A_1559 = %parallel_loop3A_1440 to %parallel_loop3A_1441 step %parallel_loop3A_1442  : i32 {
        %parallel_loop3A_1560 = arith.constant 5 : i32
        %parallel_loop3A_1561 = arith.shrui %parallel_loop3A_1559, %parallel_loop3A_1560 : i32
        %parallel_loop3A_1562 = arith.constant 31 : i32
        %parallel_loop3A_1563 = arith.andi %parallel_loop3A_1559, %parallel_loop3A_1562 : i32
        %parallel_loop3A_1564 = arith.constant 4 : i32
        %parallel_loop3A_1565 = arith.shli %parallel_loop3A_1563, %parallel_loop3A_1564 : i32
        %parallel_loop3A_1566 = arith.index_cast %parallel_loop3A_1561 : i32 to index
        %parallel_loop3A_1567 = arith.index_cast %parallel_loop3A_1565 : i32 to index
        %parallel_loop3A_1568 = tpu.vector_load %arg4[%parallel_loop3A_1566, %parallel_loop3A_1567] {strides = array<i32>} : memref<32x512xf32, #tpu.memory_space<vmem>>, vector<16xf32>,
        %parallel_loop3A_1569 = arith.constant 2.560000e+02 : f32
        %parallel_loop3A_1570 = vector.broadcast %parallel_loop3A_1569 : f32 to vector<16xf32>
        %parallel_loop3A_1571 = arith.mulf %parallel_loop3A_1568, %parallel_loop3A_1570 : vector<16xf32>
        %parallel_loop3A_1572 = arith.fptosi %parallel_loop3A_1571 : vector<16xf32> to vector<16xi32>
        %parallel_loop3A_1573 = arith.constant 4 : i32
        %parallel_loop3A_1574 = vector.broadcast %parallel_loop3A_1573 : i32 to vector<16xi32>
        %parallel_loop3A_1575 = arith.shli %parallel_loop3A_1572, %parallel_loop3A_1574 : vector<16xi32>
        %parallel_loop3A_1576 = arith.ori %parallel_loop3A_1575, %iota3A : vector<16xi32>
        tpu.vector_store_idx %arg8[%parallel_loop3A_1576], %broadcast_in_dim3A_5 {add = true} : memref<4096xf32, #tpu.memory_space<vmem>>[vector<16xi32>], vector<16xf32>,
      } {sc.loop_unroll_factor = 8 : i64, sc.parallel_access}
      %add3A_1443 = arith.constant 1 : i32
      %add3A_1444 = arith.addi %scan3A_1430, %add3A_1443 : i32
      %mul3A_1445 = arith.constant 4 : i32
      %mul3A_1446 = arith.muli %mul3A_1445, %add3A_1444 : i32
      %add3A_1447 = arith.constant 0 : i32
      %add3A_1448 = arith.addi %mul3A_1446, %add3A_1447 : i32
      %add3A_1449 = arith.addi %mul3A_2, %add3A_1448 : i32
      %shift_right_logical3A_1450 = arith.constant 4 : i32
      %shift_right_logical3A_1451 = arith.shrui %add3A_1449, %shift_right_logical3A_1450 : i32
      %and3A_1452 = arith.constant 15 : i32
      %and3A_1453 = arith.andi %add3A_1449, %and3A_1452 : i32
      %shift_left3A_1454 = arith.constant 5 : i32
      %shift_left3A_1455 = arith.shli %and3A_1453, %shift_left3A_1454 : i32
      %multiple_of3A_1456 = tpu.assume_multiple %shift_left3A_1455, 32 : i32
      %dma_start3A_1457 = arith.constant 0 : i32
      %dma_start3A_1458 = tpu.memref_slice %arg2[%shift_right_logical3A_1451, %multiple_of3A_1456, %dma_start3A_1457] : memref<96x512x512xf32, #tpu.memory_space<hbm>> -> memref<1x32x512xf32, #tpu.memory_space<hbm>>
      %dma_start3A_1459 = tpu.memref_squeeze %dma_start3A_1458 : memref<1x32x512xf32, #tpu.memory_space<hbm>> -> memref<32x512xf32, #tpu.memory_space<hbm>>
      %dma_start3A_1460 = arith.constant 0 : i32
      %dma_start3A_1461 = tpu.memref_slice %arg2[%shift_right_logical3A_1451, %multiple_of3A_1456, %dma_start3A_1460] : memref<96x512x512xf32, #tpu.memory_space<hbm>> -> memref<1x32x512xf32, #tpu.memory_space<hbm>>
      %dma_start3A_1462 = tpu.memref_squeeze %dma_start3A_1461 : memref<1x32x512xf32, #tpu.memory_space<hbm>> -> memref<32x512xf32, #tpu.memory_space<hbm>>
      tpu.enqueue_dma source(%dma_start3A_1462 : memref<32x512xf32, #tpu.memory_space<hbm>>) target(%arg4 : memref<32x512xf32, #tpu.memory_space<vmem>>) target_semaphore(%arg9 : memref<!tpu.dma_semaphore, #tpu.memory_space<semaphore_mem>>)
      %dma_wait3A_1463 = arith.constant 0 : i32
      %dma_wait3A_1464 = arith.constant 0 : i32
      %dma_wait3A_1465 = arith.constant 0 : i32
      %dma_wait3A_1466 = tpu.memref_slice %arg2[%dma_wait3A_1463, %dma_wait3A_1464, %dma_wait3A_1465] : memref<96x512x512xf32, #tpu.memory_space<hbm>> -> memref<1x32x512xf32, #tpu.memory_space<hbm>>
      %dma_wait3A_1467 = tpu.memref_squeeze %dma_wait3A_1466 : memref<1x32x512xf32, #tpu.memory_space<hbm>> -> memref<32x512xf32, #tpu.memory_space<hbm>>
      %dma_wait3A_1468 = arith.constant 0 : i32
      %dma_wait3A_1469 = arith.constant 0 : i32
      %dma_wait3A_1470 = tpu.memref_slice %arg2[%dma_wait3A_1463, %dma_wait3A_1468, %dma_wait3A_1469] : memref<96x512x512xf32, #tpu.memory_space<hbm>> -> memref<1x32x512xf32, #tpu.memory_space<hbm>>
      %dma_wait3A_1471 = tpu.memref_squeeze %dma_wait3A_1470 : memref<1x32x512xf32, #tpu.memory_space<hbm>> -> memref<32x512xf32, #tpu.memory_space<hbm>>
      tpu.wait_dma2 semaphore(%arg10 : memref<!tpu.dma_semaphore, #tpu.memory_space<semaphore_mem>>) src(%dma_wait3A_1471 : memref<32x512xf32, #tpu.memory_space<hbm>>) dst(%arg5 : memref<32x512xf32, #tpu.memory_space<vmem>>)
      %parallel_loop3A_1472 = arith.constant 0 : i32
      %parallel_loop3A_1473 = arith.constant 1024 : i32
      %parallel_loop3A_1474 = arith.constant 1 : i32
      scf.for %parallel_loop3A_1559 = %parallel_loop3A_1472 to %parallel_loop3A_1473 step %parallel_loop3A_1474  : i32 {
        %parallel_loop3A_1560 = arith.constant 5 : i32
        %parallel_loop3A_1561 = arith.shrui %parallel_loop3A_1559, %parallel_loop3A_1560 : i32
        %parallel_loop3A_1562 = arith.constant 31 : i32
        %parallel_loop3A_1563 = arith.andi %parallel_loop3A_1559, %parallel_loop3A_1562 : i32
        %parallel_loop3A_1564 = arith.constant 4 : i32
        %parallel_loop3A_1565 = arith.shli %parallel_loop3A_1563, %parallel_loop3A_1564 : i32
        %parallel_loop3A_1566 = arith.index_cast %parallel_loop3A_1561 : i32 to index
        %parallel_loop3A_1567 = arith.index_cast %parallel_loop3A_1565 : i32 to index
        %parallel_loop3A_1568 = tpu.vector_load %arg5[%parallel_loop3A_1566, %parallel_loop3A_1567] {strides = array<i32>} : memref<32x512xf32, #tpu.memory_space<vmem>>, vector<16xf32>,
        %parallel_loop3A_1569 = arith.constant 2.560000e+02 : f32
        %parallel_loop3A_1570 = vector.broadcast %parallel_loop3A_1569 : f32 to vector<16xf32>
        %parallel_loop3A_1571 = arith.mulf %parallel_loop3A_1568, %parallel_loop3A_1570 : vector<16xf32>
        %parallel_loop3A_1572 = arith.fptosi %parallel_loop3A_1571 : vector<16xf32> to vector<16xi32>
        %parallel_loop3A_1573 = arith.constant 4 : i32
        %parallel_loop3A_1574 = vector.broadcast %parallel_loop3A_1573 : i32 to vector<16xi32>
        %parallel_loop3A_1575 = arith.shli %parallel_loop3A_1572, %parallel_loop3A_1574 : vector<16xi32>
        %parallel_loop3A_1576 = arith.ori %parallel_loop3A_1575, %iota3A : vector<16xi32>
        tpu.vector_store_idx %arg8[%parallel_loop3A_1576], %broadcast_in_dim3A_5 {add = true} : memref<4096xf32, #tpu.memory_space<vmem>>[vector<16xi32>], vector<16xf32>,
      } {sc.loop_unroll_factor = 8 : i64, sc.parallel_access}
      %add3A_1475 = arith.constant 1 : i32
      %add3A_1476 = arith.addi %scan3A_1430, %add3A_1475 : i32
      %mul3A_1477 = arith.constant 4 : i32
      %mul3A_1478 = arith.muli %mul3A_1477, %add3A_1476 : i32
      %add3A_1479 = arith.constant 1 : i32
      %add3A_1480 = arith.addi %mul3A_1478, %add3A_1479 : i32
      %add3A_1481 = arith.addi %mul3A_2, %add3A_1480 : i32
      %shift_right_logical3A_1482 = arith.constant 4 : i32
      %shift_right_logical3A_1483 = arith.shrui %add3A_1481, %shift_right_logical3A_1482 : i32
      %and3A_1484 = arith.constant 15 : i32
      %and3A_1485 = arith.andi %add3A_1481, %and3A_1484 : i32
      %shift_left3A_1486 = arith.constant 5 : i32
      %shift_left3A_1487 = arith.shli %and3A_1485, %shift_left3A_1486 : i32
      %multiple_of3A_1488 = tpu.assume_multiple %shift_left3A_1487, 32 : i32
      %dma_start3A_1489 = arith.constant 0 : i32
      %dma_start3A_1490 = tpu.memref_slice %arg2[%shift_right_logical3A_1483, %multiple_of3A_1488, %dma_start3A_1489] : memref<96x512x512xf32, #tpu.memory_space<hbm>> -> memref<1x32x512xf32, #tpu.memory_space<hbm>>
      %dma_start3A_1491 = tpu.memref_squeeze %dma_start3A_1490 : memref<1x32x512xf32, #tpu.memory_space<hbm>> -> memref<32x512xf32, #tpu.memory_space<hbm>>
      %dma_start3A_1492 = arith.constant 0 : i32
      %dma_start3A_1493 = tpu.memref_slice %arg2[%shift_right_logical3A_1483, %multiple_of3A_1488, %dma_start3A_1492] : memref<96x512x512xf32, #tpu.memory_space<hbm>> -> memref<1x32x512xf32, #tpu.memory_space<hbm>>
      %dma_start3A_1494 = tpu.memref_squeeze %dma_start3A_1493 : memref<1x32x512xf32, #tpu.memory_space<hbm>> -> memref<32x512xf32, #tpu.memory_space<hbm>>
      tpu.enqueue_dma source(%dma_start3A_1494 : memref<32x512xf32, #tpu.memory_space<hbm>>) target(%arg5 : memref<32x512xf32, #tpu.memory_space<vmem>>) target_semaphore(%arg10 : memref<!tpu.dma_semaphore, #tpu.memory_space<semaphore_mem>>)
      %dma_wait3A_1495 = arith.constant 0 : i32
      %dma_wait3A_1496 = arith.constant 0 : i32
      %dma_wait3A_1497 = arith.constant 0 : i32
      %dma_wait3A_1498 = tpu.memref_slice %arg2[%dma_wait3A_1495, %dma_wait3A_1496, %dma_wait3A_1497] : memref<96x512x512xf32, #tpu.memory_space<hbm>> -> memref<1x32x512xf32, #tpu.memory_space<hbm>>
      %dma_wait3A_1499 = tpu.memref_squeeze %dma_wait3A_1498 : memref<1x32x512xf32, #tpu.memory_space<hbm>> -> memref<32x512xf32, #tpu.memory_space<hbm>>
      %dma_wait3A_1500 = arith.constant 0 : i32
      %dma_wait3A_1501 = arith.constant 0 : i32
      %dma_wait3A_1502 = tpu.memref_slice %arg2[%dma_wait3A_1495, %dma_wait3A_1500, %dma_wait3A_1501] : memref<96x512x512xf32, #tpu.memory_space<hbm>> -> memref<1x32x512xf32, #tpu.memory_space<hbm>>
      %dma_wait3A_1503 = tpu.memref_squeeze %dma_wait3A_1502 : memref<1x32x512xf32, #tpu.memory_space<hbm>> -> memref<32x512xf32, #tpu.memory_space<hbm>>
      tpu.wait_dma2 semaphore(%arg11 : memref<!tpu.dma_semaphore, #tpu.memory_space<semaphore_mem>>) src(%dma_wait3A_1503 : memref<32x512xf32, #tpu.memory_space<hbm>>) dst(%arg6 : memref<32x512xf32, #tpu.memory_space<vmem>>)
      %parallel_loop3A_1504 = arith.constant 0 : i32
      %parallel_loop3A_1505 = arith.constant 1024 : i32
      %parallel_loop3A_1506 = arith.constant 1 : i32
      scf.for %parallel_loop3A_1559 = %parallel_loop3A_1504 to %parallel_loop3A_1505 step %parallel_loop3A_1506  : i32 {
        %parallel_loop3A_1560 = arith.constant 5 : i32
        %parallel_loop3A_1561 = arith.shrui %parallel_loop3A_1559, %parallel_loop3A_1560 : i32
        %parallel_loop3A_1562 = arith.constant 31 : i32
        %parallel_loop3A_1563 = arith.andi %parallel_loop3A_1559, %parallel_loop3A_1562 : i32
        %parallel_loop3A_1564 = arith.constant 4 : i32
        %parallel_loop3A_1565 = arith.shli %parallel_loop3A_1563, %parallel_loop3A_1564 : i32
        %parallel_loop3A_1566 = arith.index_cast %parallel_loop3A_1561 : i32 to index
        %parallel_loop3A_1567 = arith.index_cast %parallel_loop3A_1565 : i32 to index
        %parallel_loop3A_1568 = tpu.vector_load %arg6[%parallel_loop3A_1566, %parallel_loop3A_1567] {strides = array<i32>} : memref<32x512xf32, #tpu.memory_space<vmem>>, vector<16xf32>,
        %parallel_loop3A_1569 = arith.constant 2.560000e+02 : f32
        %parallel_loop3A_1570 = vector.broadcast %parallel_loop3A_1569 : f32 to vector<16xf32>
        %parallel_loop3A_1571 = arith.mulf %parallel_loop3A_1568, %parallel_loop3A_1570 : vector<16xf32>
        %parallel_loop3A_1572 = arith.fptosi %parallel_loop3A_1571 : vector<16xf32> to vector<16xi32>
        %parallel_loop3A_1573 = arith.constant 4 : i32
        %parallel_loop3A_1574 = vector.broadcast %parallel_loop3A_1573 : i32 to vector<16xi32>
        %parallel_loop3A_1575 = arith.shli %parallel_loop3A_1572, %parallel_loop3A_1574 : vector<16xi32>
        %parallel_loop3A_1576 = arith.ori %parallel_loop3A_1575, %iota3A : vector<16xi32>
        tpu.vector_store_idx %arg8[%parallel_loop3A_1576], %broadcast_in_dim3A_5 {add = true} : memref<4096xf32, #tpu.memory_space<vmem>>[vector<16xi32>], vector<16xf32>,
      } {sc.loop_unroll_factor = 8 : i64, sc.parallel_access}
      %add3A_1507 = arith.constant 1 : i32
      %add3A_1508 = arith.addi %scan3A_1430, %add3A_1507 : i32
      %mul3A_1509 = arith.constant 4 : i32
      %mul3A_1510 = arith.muli %mul3A_1509, %add3A_1508 : i32
      %add3A_1511 = arith.constant 2 : i32
      %add3A_1512 = arith.addi %mul3A_1510, %add3A_1511 : i32
      %add3A_1513 = arith.addi %mul3A_2, %add3A_1512 : i32
      %shift_right_logical3A_1514 = arith.constant 4 : i32
      %shift_right_logical3A_1515 = arith.shrui %add3A_1513, %shift_right_logical3A_1514 : i32
      %and3A_1516 = arith.constant 15 : i32
      %and3A_1517 = arith.andi %add3A_1513, %and3A_1516 : i32
      %shift_left3A_1518 = arith.constant 5 : i32
      %shift_left3A_1519 = arith.shli %and3A_1517, %shift_left3A_1518 : i32
      %multiple_of3A_1520 = tpu.assume_multiple %shift_left3A_1519, 32 : i32
      %dma_start3A_1521 = arith.constant 0 : i32
      %dma_start3A_1522 = tpu.memref_slice %arg2[%shift_right_logical3A_1515, %multiple_of3A_1520, %dma_start3A_1521] : memref<96x512x512xf32, #tpu.memory_space<hbm>> -> memref<1x32x512xf32, #tpu.memory_space<hbm>>
      %dma_start3A_1523 = tpu.memref_squeeze %dma_start3A_1522 : memref<1x32x512xf32, #tpu.memory_space<hbm>> -> memref<32x512xf32, #tpu.memory_space<hbm>>
      %dma_start3A_1524 = arith.constant 0 : i32
      %dma_start3A_1525 = tpu.memref_slice %arg2[%shift_right_logical3A_1515, %multiple_of3A_1520, %dma_start3A_1524] : memref<96x512x512xf32, #tpu.memory_space<hbm>> -> memref<1x32x512xf32, #tpu.memory_space<hbm>>
      %dma_start3A_1526 = tpu.memref_squeeze %dma_start3A_1525 : memref<1x32x512xf32, #tpu.memory_space<hbm>> -> memref<32x512xf32, #tpu.memory_space<hbm>>
      tpu.enqueue_dma source(%dma_start3A_1526 : memref<32x512xf32, #tpu.memory_space<hbm>>) target(%arg6 : memref<32x512xf32, #tpu.memory_space<vmem>>) target_semaphore(%arg11 : memref<!tpu.dma_semaphore, #tpu.memory_space<semaphore_mem>>)
      %dma_wait3A_1527 = arith.constant 0 : i32
      %dma_wait3A_1528 = arith.constant 0 : i32
      %dma_wait3A_1529 = arith.constant 0 : i32
      %dma_wait3A_1530 = tpu.memref_slice %arg2[%dma_wait3A_1527, %dma_wait3A_1528, %dma_wait3A_1529] : memref<96x512x512xf32, #tpu.memory_space<hbm>> -> memref<1x32x512xf32, #tpu.memory_space<hbm>>
      %dma_wait3A_1531 = tpu.memref_squeeze %dma_wait3A_1530 : memref<1x32x512xf32, #tpu.memory_space<hbm>> -> memref<32x512xf32, #tpu.memory_space<hbm>>
      %dma_wait3A_1532 = arith.constant 0 : i32
      %dma_wait3A_1533 = arith.constant 0 : i32
      %dma_wait3A_1534 = tpu.memref_slice %arg2[%dma_wait3A_1527, %dma_wait3A_1532, %dma_wait3A_1533] : memref<96x512x512xf32, #tpu.memory_space<hbm>> -> memref<1x32x512xf32, #tpu.memory_space<hbm>>
      %dma_wait3A_1535 = tpu.memref_squeeze %dma_wait3A_1534 : memref<1x32x512xf32, #tpu.memory_space<hbm>> -> memref<32x512xf32, #tpu.memory_space<hbm>>
      tpu.wait_dma2 semaphore(%arg12 : memref<!tpu.dma_semaphore, #tpu.memory_space<semaphore_mem>>) src(%dma_wait3A_1535 : memref<32x512xf32, #tpu.memory_space<hbm>>) dst(%arg7 : memref<32x512xf32, #tpu.memory_space<vmem>>)
      %parallel_loop3A_1536 = arith.constant 0 : i32
      %parallel_loop3A_1537 = arith.constant 1024 : i32
      %parallel_loop3A_1538 = arith.constant 1 : i32
      scf.for %parallel_loop3A_1559 = %parallel_loop3A_1536 to %parallel_loop3A_1537 step %parallel_loop3A_1538  : i32 {
        %parallel_loop3A_1560 = arith.constant 5 : i32
        %parallel_loop3A_1561 = arith.shrui %parallel_loop3A_1559, %parallel_loop3A_1560 : i32
        %parallel_loop3A_1562 = arith.constant 31 : i32
        %parallel_loop3A_1563 = arith.andi %parallel_loop3A_1559, %parallel_loop3A_1562 : i32
        %parallel_loop3A_1564 = arith.constant 4 : i32
        %parallel_loop3A_1565 = arith.shli %parallel_loop3A_1563, %parallel_loop3A_1564 : i32
        %parallel_loop3A_1566 = arith.index_cast %parallel_loop3A_1561 : i32 to index
        %parallel_loop3A_1567 = arith.index_cast %parallel_loop3A_1565 : i32 to index
        %parallel_loop3A_1568 = tpu.vector_load %arg7[%parallel_loop3A_1566, %parallel_loop3A_1567] {strides = array<i32>} : memref<32x512xf32, #tpu.memory_space<vmem>>, vector<16xf32>,
        %parallel_loop3A_1569 = arith.constant 2.560000e+02 : f32
        %parallel_loop3A_1570 = vector.broadcast %parallel_loop3A_1569 : f32 to vector<16xf32>
        %parallel_loop3A_1571 = arith.mulf %parallel_loop3A_1568, %parallel_loop3A_1570 : vector<16xf32>
        %parallel_loop3A_1572 = arith.fptosi %parallel_loop3A_1571 : vector<16xf32> to vector<16xi32>
        %parallel_loop3A_1573 = arith.constant 4 : i32
        %parallel_loop3A_1574 = vector.broadcast %parallel_loop3A_1573 : i32 to vector<16xi32>
        %parallel_loop3A_1575 = arith.shli %parallel_loop3A_1572, %parallel_loop3A_1574 : vector<16xi32>
        %parallel_loop3A_1576 = arith.ori %parallel_loop3A_1575, %iota3A : vector<16xi32>
        tpu.vector_store_idx %arg8[%parallel_loop3A_1576], %broadcast_in_dim3A_5 {add = true} : memref<4096xf32, #tpu.memory_space<vmem>>[vector<16xi32>], vector<16xf32>,
      } {sc.loop_unroll_factor = 8 : i64, sc.parallel_access}
      %add3A_1539 = arith.constant 1 : i32
      %add3A_1540 = arith.addi %scan3A_1430, %add3A_1539 : i32
      %mul3A_1541 = arith.constant 4 : i32
      %mul3A_1542 = arith.muli %mul3A_1541, %add3A_1540 : i32
      %add3A_1543 = arith.constant 3 : i32
      %add3A_1544 = arith.addi %mul3A_1542, %add3A_1543 : i32
      %add3A_1545 = arith.addi %mul3A_2, %add3A_1544 : i32
      %shift_right_logical3A_1546 = arith.constant 4 : i32
      %shift_right_logical3A_1547 = arith.shrui %add3A_1545, %shift_right_logical3A_1546 : i32
      %and3A_1548 = arith.constant 15 : i32
      %and3A_1549 = arith.andi %add3A_1545, %and3A_1548 : i32
      %shift_left3A_1550 = arith.constant 5 : i32
      %shift_left3A_1551 = arith.shli %and3A_1549, %shift_left3A_1550 : i32
      %multiple_of3A_1552 = tpu.assume_multiple %shift_left3A_1551, 32 : i32
      %dma_start3A_1553 = arith.constant 0 : i32
      %dma_start3A_1554 = tpu.memref_slice %arg2[%shift_right_logical3A_1547, %multiple_of3A_1552, %dma_start3A_1553] : memref<96x512x512xf32, #tpu.memory_space<hbm>> -> memref<1x32x512xf32, #tpu.memory_space<hbm>>
      %dma_start3A_1555 = tpu.memref_squeeze %dma_start3A_1554 : memref<1x32x512xf32, #tpu.memory_space<hbm>> -> memref<32x512xf32, #tpu.memory_space<hbm>>
      %dma_start3A_1556 = arith.constant 0 : i32
      %dma_start3A_1557 = tpu.memref_slice %arg2[%shift_right_logical3A_1547, %multiple_of3A_1552, %dma_start3A_1556] : memref<96x512x512xf32, #tpu.memory_space<hbm>> -> memref<1x32x512xf32, #tpu.memory_space<hbm>>
      %dma_start3A_1558 = tpu.memref_squeeze %dma_start3A_1557 : memref<1x32x512xf32, #tpu.memory_space<hbm>> -> memref<32x512xf32, #tpu.memory_space<hbm>>
      tpu.enqueue_dma source(%dma_start3A_1558 : memref<32x512xf32, #tpu.memory_space<hbm>>) target(%arg7 : memref<32x512xf32, #tpu.memory_space<vmem>>) target_semaphore(%arg12 : memref<!tpu.dma_semaphore, #tpu.memory_space<semaphore_mem>>)
    }
    %scan3A_67 = arith.constant 11 : i32
    %dma_wait3A = arith.constant 0 : i32
    %dma_wait3A_68 = arith.constant 0 : i32
    %dma_wait3A_69 = arith.constant 0 : i32
    %dma_wait3A_70 = tpu.memref_slice %arg2[%dma_wait3A, %dma_wait3A_68, %dma_wait3A_69] : memref<96x512x512xf32, #tpu.memory_space<hbm>> -> memref<1x32x512xf32, #tpu.memory_space<hbm>>
    %dma_wait3A_71 = tpu.memref_squeeze %dma_wait3A_70 : memref<1x32x512xf32, #tpu.memory_space<hbm>> -> memref<32x512xf32, #tpu.memory_space<hbm>>
    %dma_wait3A_72 = arith.constant 0 : i32
    %dma_wait3A_73 = arith.constant 0 : i32
    %dma_wait3A_74 = tpu.memref_slice %arg2[%dma_wait3A, %dma_wait3A_72, %dma_wait3A_73] : memref<96x512x512xf32, #tpu.memory_space<hbm>> -> memref<1x32x512xf32, #tpu.memory_space<hbm>>
    %dma_wait3A_75 = tpu.memref_squeeze %dma_wait3A_74 : memref<1x32x512xf32, #tpu.memory_space<hbm>> -> memref<32x512xf32, #tpu.memory_space<hbm>>
    tpu.wait_dma2 semaphore(%arg9 : memref<!tpu.dma_semaphore, #tpu.memory_space<semaphore_mem>>) src(%dma_wait3A_75 : memref<32x512xf32, #tpu.memory_space<hbm>>) dst(%arg4 : memref<32x512xf32, #tpu.memory_space<vmem>>)
    %parallel_loop3A_76 = arith.constant 0 : i32
    %parallel_loop3A_77 = arith.constant 1024 : i32
    %parallel_loop3A_78 = arith.constant 1 : i32
    scf.for %parallel_loop3A_1430 = %parallel_loop3A_76 to %parallel_loop3A_77 step %parallel_loop3A_78  : i32 {
      %parallel_loop3A_1431 = arith.constant 5 : i32
      %parallel_loop3A_1432 = arith.shrui %parallel_loop3A_1430, %parallel_loop3A_1431 : i32
      %parallel_loop3A_1433 = arith.constant 31 : i32
      %parallel_loop3A_1434 = arith.andi %parallel_loop3A_1430, %parallel_loop3A_1433 : i32
      %parallel_loop3A_1435 = arith.constant 4 : i32
      %parallel_loop3A_1436 = arith.shli %parallel_loop3A_1434, %parallel_loop3A_1435 : i32
      %parallel_loop3A_1437 = arith.index_cast %parallel_loop3A_1432 : i32 to index
      %parallel_loop3A_1438 = arith.index_cast %parallel_loop3A_1436 : i32 to index
      %parallel_loop3A_1439 = tpu.vector_load %arg4[%parallel_loop3A_1437, %parallel_loop3A_1438] {strides = array<i32>} : memref<32x512xf32, #tpu.memory_space<vmem>>, vector<16xf32>,
      %parallel_loop3A_1440 = arith.constant 2.560000e+02 : f32
      %parallel_loop3A_1441 = vector.broadcast %parallel_loop3A_1440 : f32 to vector<16xf32>
      %parallel_loop3A_1442 = arith.mulf %parallel_loop3A_1439, %parallel_loop3A_1441 : vector<16xf32>
      %parallel_loop3A_1443 = arith.fptosi %parallel_loop3A_1442 : vector<16xf32> to vector<16xi32>
      %parallel_loop3A_1444 = arith.constant 4 : i32
      %parallel_loop3A_1445 = vector.broadcast %parallel_loop3A_1444 : i32 to vector<16xi32>
      %parallel_loop3A_1446 = arith.shli %parallel_loop3A_1443, %parallel_loop3A_1445 : vector<16xi32>
      %parallel_loop3A_1447 = arith.ori %parallel_loop3A_1446, %iota3A : vector<16xi32>
      tpu.vector_store_idx %arg8[%parallel_loop3A_1447], %broadcast_in_dim3A_5 {add = true} : memref<4096xf32, #tpu.memory_space<vmem>>[vector<16xi32>], vector<16xf32>,
    } {sc.loop_unroll_factor = 8 : i64, sc.parallel_access}
    %dma_wait3A_79 = arith.constant 0 : i32
    %dma_wait3A_80 = arith.constant 0 : i32
    %dma_wait3A_81 = arith.constant 0 : i32
    %dma_wait3A_82 = tpu.memref_slice %arg2[%dma_wait3A_79, %dma_wait3A_80, %dma_wait3A_81] : memref<96x512x512xf32, #tpu.memory_space<hbm>> -> memref<1x32x512xf32, #tpu.memory_space<hbm>>
    %dma_wait3A_83 = tpu.memref_squeeze %dma_wait3A_82 : memref<1x32x512xf32, #tpu.memory_space<hbm>> -> memref<32x512xf32, #tpu.memory_space<hbm>>
    %dma_wait3A_84 = arith.constant 0 : i32
    %dma_wait3A_85 = arith.constant 0 : i32
    %dma_wait3A_86 = tpu.memref_slice %arg2[%dma_wait3A_79, %dma_wait3A_84, %dma_wait3A_85] : memref<96x512x512xf32, #tpu.memory_space<hbm>> -> memref<1x32x512xf32, #tpu.memory_space<hbm>>
    %dma_wait3A_87 = tpu.memref_squeeze %dma_wait3A_86 : memref<1x32x512xf32, #tpu.memory_space<hbm>> -> memref<32x512xf32, #tpu.memory_space<hbm>>
    tpu.wait_dma2 semaphore(%arg10 : memref<!tpu.dma_semaphore, #tpu.memory_space<semaphore_mem>>) src(%dma_wait3A_87 : memref<32x512xf32, #tpu.memory_space<hbm>>) dst(%arg5 : memref<32x512xf32, #tpu.memory_space<vmem>>)
    %parallel_loop3A_88 = arith.constant 0 : i32
    %parallel_loop3A_89 = arith.constant 1024 : i32
    %parallel_loop3A_90 = arith.constant 1 : i32
    scf.for %parallel_loop3A_1430 = %parallel_loop3A_88 to %parallel_loop3A_89 step %parallel_loop3A_90  : i32 {
      %parallel_loop3A_1431 = arith.constant 5 : i32
      %parallel_loop3A_1432 = arith.shrui %parallel_loop3A_1430, %parallel_loop3A_1431 : i32
      %parallel_loop3A_1433 = arith.constant 31 : i32
      %parallel_loop3A_1434 = arith.andi %parallel_loop3A_1430, %parallel_loop3A_1433 : i32
      %parallel_loop3A_1435 = arith.constant 4 : i32
      %parallel_loop3A_1436 = arith.shli %parallel_loop3A_1434, %parallel_loop3A_1435 : i32
      %parallel_loop3A_1437 = arith.index_cast %parallel_loop3A_1432 : i32 to index
      %parallel_loop3A_1438 = arith.index_cast %parallel_loop3A_1436 : i32 to index
      %parallel_loop3A_1439 = tpu.vector_load %arg5[%parallel_loop3A_1437, %parallel_loop3A_1438] {strides = array<i32>} : memref<32x512xf32, #tpu.memory_space<vmem>>, vector<16xf32>,
      %parallel_loop3A_1440 = arith.constant 2.560000e+02 : f32
      %parallel_loop3A_1441 = vector.broadcast %parallel_loop3A_1440 : f32 to vector<16xf32>
      %parallel_loop3A_1442 = arith.mulf %parallel_loop3A_1439, %parallel_loop3A_1441 : vector<16xf32>
      %parallel_loop3A_1443 = arith.fptosi %parallel_loop3A_1442 : vector<16xf32> to vector<16xi32>
      %parallel_loop3A_1444 = arith.constant 4 : i32
      %parallel_loop3A_1445 = vector.broadcast %parallel_loop3A_1444 : i32 to vector<16xi32>
      %parallel_loop3A_1446 = arith.shli %parallel_loop3A_1443, %parallel_loop3A_1445 : vector<16xi32>
      %parallel_loop3A_1447 = arith.ori %parallel_loop3A_1446, %iota3A : vector<16xi32>
      tpu.vector_store_idx %arg8[%parallel_loop3A_1447], %broadcast_in_dim3A_5 {add = true} : memref<4096xf32, #tpu.memory_space<vmem>>[vector<16xi32>], vector<16xf32>,
    } {sc.loop_unroll_factor = 8 : i64, sc.parallel_access}
    %dma_wait3A_91 = arith.constant 0 : i32
    %dma_wait3A_92 = arith.constant 0 : i32
    %dma_wait3A_93 = arith.constant 0 : i32
    %dma_wait3A_94 = tpu.memref_slice %arg2[%dma_wait3A_91, %dma_wait3A_92, %dma_wait3A_93] : memref<96x512x512xf32, #tpu.memory_space<hbm>> -> memref<1x32x512xf32, #tpu.memory_space<hbm>>
    %dma_wait3A_95 = tpu.memref_squeeze %dma_wait3A_94 : memref<1x32x512xf32, #tpu.memory_space<hbm>> -> memref<32x512xf32, #tpu.memory_space<hbm>>
    %dma_wait3A_96 = arith.constant 0 : i32
    %dma_wait3A_97 = arith.constant 0 : i32
    %dma_wait3A_98 = tpu.memref_slice %arg2[%dma_wait3A_91, %dma_wait3A_96, %dma_wait3A_97] : memref<96x512x512xf32, #tpu.memory_space<hbm>> -> memref<1x32x512xf32, #tpu.memory_space<hbm>>
    %dma_wait3A_99 = tpu.memref_squeeze %dma_wait3A_98 : memref<1x32x512xf32, #tpu.memory_space<hbm>> -> memref<32x512xf32, #tpu.memory_space<hbm>>
    tpu.wait_dma2 semaphore(%arg11 : memref<!tpu.dma_semaphore, #tpu.memory_space<semaphore_mem>>) src(%dma_wait3A_99 : memref<32x512xf32, #tpu.memory_space<hbm>>) dst(%arg6 : memref<32x512xf32, #tpu.memory_space<vmem>>)
    %parallel_loop3A_100 = arith.constant 0 : i32
    %parallel_loop3A_101 = arith.constant 1024 : i32
    %parallel_loop3A_102 = arith.constant 1 : i32
    scf.for %parallel_loop3A_1430 = %parallel_loop3A_100 to %parallel_loop3A_101 step %parallel_loop3A_102  : i32 {
      %parallel_loop3A_1431 = arith.constant 5 : i32
      %parallel_loop3A_1432 = arith.shrui %parallel_loop3A_1430, %parallel_loop3A_1431 : i32
      %parallel_loop3A_1433 = arith.constant 31 : i32
      %parallel_loop3A_1434 = arith.andi %parallel_loop3A_1430, %parallel_loop3A_1433 : i32
      %parallel_loop3A_1435 = arith.constant 4 : i32
      %parallel_loop3A_1436 = arith.shli %parallel_loop3A_1434, %parallel_loop3A_1435 : i32
      %parallel_loop3A_1437 = arith.index_cast %parallel_loop3A_1432 : i32 to index
      %parallel_loop3A_1438 = arith.index_cast %parallel_loop3A_1436 : i32 to index
      %parallel_loop3A_1439 = tpu.vector_load %arg6[%parallel_loop3A_1437, %parallel_loop3A_1438] {strides = array<i32>} : memref<32x512xf32, #tpu.memory_space<vmem>>, vector<16xf32>,
      %parallel_loop3A_1440 = arith.constant 2.560000e+02 : f32
      %parallel_loop3A_1441 = vector.broadcast %parallel_loop3A_1440 : f32 to vector<16xf32>
      %parallel_loop3A_1442 = arith.mulf %parallel_loop3A_1439, %parallel_loop3A_1441 : vector<16xf32>
      %parallel_loop3A_1443 = arith.fptosi %parallel_loop3A_1442 : vector<16xf32> to vector<16xi32>
      %parallel_loop3A_1444 = arith.constant 4 : i32
      %parallel_loop3A_1445 = vector.broadcast %parallel_loop3A_1444 : i32 to vector<16xi32>
      %parallel_loop3A_1446 = arith.shli %parallel_loop3A_1443, %parallel_loop3A_1445 : vector<16xi32>
      %parallel_loop3A_1447 = arith.ori %parallel_loop3A_1446, %iota3A : vector<16xi32>
      tpu.vector_store_idx %arg8[%parallel_loop3A_1447], %broadcast_in_dim3A_5 {add = true} : memref<4096xf32, #tpu.memory_space<vmem>>[vector<16xi32>], vector<16xf32>,
    } {sc.loop_unroll_factor = 8 : i64, sc.parallel_access}
    %dma_wait3A_103 = arith.constant 0 : i32
    %dma_wait3A_104 = arith.constant 0 : i32
    %dma_wait3A_105 = arith.constant 0 : i32
    %dma_wait3A_106 = tpu.memref_slice %arg2[%dma_wait3A_103, %dma_wait3A_104, %dma_wait3A_105] : memref<96x512x512xf32, #tpu.memory_space<hbm>> -> memref<1x32x512xf32, #tpu.memory_space<hbm>>
    %dma_wait3A_107 = tpu.memref_squeeze %dma_wait3A_106 : memref<1x32x512xf32, #tpu.memory_space<hbm>> -> memref<32x512xf32, #tpu.memory_space<hbm>>
    %dma_wait3A_108 = arith.constant 0 : i32
    %dma_wait3A_109 = arith.constant 0 : i32
    %dma_wait3A_110 = tpu.memref_slice %arg2[%dma_wait3A_103, %dma_wait3A_108, %dma_wait3A_109] : memref<96x512x512xf32, #tpu.memory_space<hbm>> -> memref<1x32x512xf32, #tpu.memory_space<hbm>>
    %dma_wait3A_111 = tpu.memref_squeeze %dma_wait3A_110 : memref<1x32x512xf32, #tpu.memory_space<hbm>> -> memref<32x512xf32, #tpu.memory_space<hbm>>
    tpu.wait_dma2 semaphore(%arg12 : memref<!tpu.dma_semaphore, #tpu.memory_space<semaphore_mem>>) src(%dma_wait3A_111 : memref<32x512xf32, #tpu.memory_space<hbm>>) dst(%arg7 : memref<32x512xf32, #tpu.memory_space<vmem>>)
    %parallel_loop3A_112 = arith.constant 0 : i32
    %parallel_loop3A_113 = arith.constant 1024 : i32
    %parallel_loop3A_114 = arith.constant 1 : i32
    scf.for %parallel_loop3A_1430 = %parallel_loop3A_112 to %parallel_loop3A_113 step %parallel_loop3A_114  : i32 {
      %parallel_loop3A_1431 = arith.constant 5 : i32
      %parallel_loop3A_1432 = arith.shrui %parallel_loop3A_1430, %parallel_loop3A_1431 : i32
      %parallel_loop3A_1433 = arith.constant 31 : i32
      %parallel_loop3A_1434 = arith.andi %parallel_loop3A_1430, %parallel_loop3A_1433 : i32
      %parallel_loop3A_1435 = arith.constant 4 : i32
      %parallel_loop3A_1436 = arith.shli %parallel_loop3A_1434, %parallel_loop3A_1435 : i32
      %parallel_loop3A_1437 = arith.index_cast %parallel_loop3A_1432 : i32 to index
      %parallel_loop3A_1438 = arith.index_cast %parallel_loop3A_1436 : i32 to index
      %parallel_loop3A_1439 = tpu.vector_load %arg7[%parallel_loop3A_1437, %parallel_loop3A_1438] {strides = array<i32>} : memref<32x512xf32, #tpu.memory_space<vmem>>, vector<16xf32>,
      %parallel_loop3A_1440 = arith.constant 2.560000e+02 : f32
      %parallel_loop3A_1441 = vector.broadcast %parallel_loop3A_1440 : f32 to vector<16xf32>
      %parallel_loop3A_1442 = arith.mulf %parallel_loop3A_1439, %parallel_loop3A_1441 : vector<16xf32>
      %parallel_loop3A_1443 = arith.fptosi %parallel_loop3A_1442 : vector<16xf32> to vector<16xi32>
      %parallel_loop3A_1444 = arith.constant 4 : i32
      %parallel_loop3A_1445 = vector.broadcast %parallel_loop3A_1444 : i32 to vector<16xi32>
      %parallel_loop3A_1446 = arith.shli %parallel_loop3A_1443, %parallel_loop3A_1445 : vector<16xi32>
      %parallel_loop3A_1447 = arith.ori %parallel_loop3A_1446, %iota3A : vector<16xi32>
      tpu.vector_store_idx %arg8[%parallel_loop3A_1447], %broadcast_in_dim3A_5 {add = true} : memref<4096xf32, #tpu.memory_space<vmem>>[vector<16xi32>], vector<16xf32>,
    } {sc.loop_unroll_factor = 8 : i64, sc.parallel_access}
    %shift_left3A_115 = arith.constant 4 : i32
    %shift_left3A_116 = vector.broadcast %shift_left3A_115 : i32 to vector<16xi32>
    %shift_left3A_117 = arith.shli %iota3A, %shift_left3A_116 : vector<16xi32>
    %add3A_118 = arith.constant 0 : i32
    %add3A_119 = vector.broadcast %add3A_118 : i32 to vector<16xi32>
    %add3A_120 = arith.addi %shift_left3A_117, %add3A_119 : vector<16xi32>
    %gather3A = tpu.vector_load_idx %arg8[%add3A_120] : memref<4096xf32, #tpu.memory_space<vmem>>[vector<16xi32>], vector<16xf32>,
    %add3A_121 = arith.addf %broadcast_in_dim3A_3, %gather3A : vector<16xf32>
    %add3A_122 = arith.constant 1 : i32
    %add3A_123 = vector.broadcast %add3A_122 : i32 to vector<16xi32>
    %add3A_124 = arith.addi %shift_left3A_117, %add3A_123 : vector<16xi32>
    %gather3A_125 = tpu.vector_load_idx %arg8[%add3A_124] : memref<4096xf32, #tpu.memory_space<vmem>>[vector<16xi32>], vector<16xf32>,
    %add3A_126 = arith.addf %add3A_121, %gather3A_125 : vector<16xf32>
    %add3A_127 = arith.constant 2 : i32
    %add3A_128 = vector.broadcast %add3A_127 : i32 to vector<16xi32>
    %add3A_129 = arith.addi %shift_left3A_117, %add3A_128 : vector<16xi32>
    %gather3A_130 = tpu.vector_load_idx %arg8[%add3A_129] : memref<4096xf32, #tpu.memory_space<vmem>>[vector<16xi32>], vector<16xf32>,
    %add3A_131 = arith.addf %add3A_126, %gather3A_130 : vector<16xf32>
    %add3A_132 = arith.constant 3 : i32
    %add3A_133 = vector.broadcast %add3A_132 : i32 to vector<16xi32>
    %add3A_134 = arith.addi %shift_left3A_117, %add3A_133 : vector<16xi32>
    %gather3A_135 = tpu.vector_load_idx %arg8[%add3A_134] : memref<4096xf32, #tpu.memory_space<vmem>>[vector<16xi32>], vector<16xf32>,
    %add3A_136 = arith.addf %add3A_131, %gather3A_135 : vector<16xf32>
    %add3A_137 = arith.constant 4 : i32
    %add3A_138 = vector.broadcast %add3A_137 : i32 to vector<16xi32>
    %add3A_139 = arith.addi %shift_left3A_117, %add3A_138 : vector<16xi32>
    %gather3A_140 = tpu.vector_load_idx %arg8[%add3A_139] : memref<4096xf32, #tpu.memory_space<vmem>>[vector<16xi32>], vector<16xf32>,
    %add3A_141 = arith.addf %add3A_136, %gather3A_140 : vector<16xf32>
    %add3A_142 = arith.constant 5 : i32
    %add3A_143 = vector.broadcast %add3A_142 : i32 to vector<16xi32>
    %add3A_144 = arith.addi %shift_left3A_117, %add3A_143 : vector<16xi32>
    %gather3A_145 = tpu.vector_load_idx %arg8[%add3A_144] : memref<4096xf32, #tpu.memory_space<vmem>>[vector<16xi32>], vector<16xf32>,
    %add3A_146 = arith.addf %add3A_141, %gather3A_145 : vector<16xf32>
    %add3A_147 = arith.constant 6 : i32
    %add3A_148 = vector.broadcast %add3A_147 : i32 to vector<16xi32>
    %add3A_149 = arith.addi %shift_left3A_117, %add3A_148 : vector<16xi32>
    %gather3A_150 = tpu.vector_load_idx %arg8[%add3A_149] : memref<4096xf32, #tpu.memory_space<vmem>>[vector<16xi32>], vector<16xf32>,
    %add3A_151 = arith.addf %add3A_146, %gather3A_150 : vector<16xf32>
    %add3A_152 = arith.constant 7 : i32
    %add3A_153 = vector.broadcast %add3A_152 : i32 to vector<16xi32>
    %add3A_154 = arith.addi %shift_left3A_117, %add3A_153 : vector<16xi32>
    %gather3A_155 = tpu.vector_load_idx %arg8[%add3A_154] : memref<4096xf32, #tpu.memory_space<vmem>>[vector<16xi32>], vector<16xf32>,
    %add3A_156 = arith.addf %add3A_151, %gather3A_155 : vector<16xf32>
    %add3A_157 = arith.constant 8 : i32
    %add3A_158 = vector.broadcast %add3A_157 : i32 to vector<16xi32>
    %add3A_159 = arith.addi %shift_left3A_117, %add3A_158 : vector<16xi32>
    %gather3A_160 = tpu.vector_load_idx %arg8[%add3A_159] : memref<4096xf32, #tpu.memory_space<vmem>>[vector<16xi32>], vector<16xf32>,
    %add3A_161 = arith.addf %add3A_156, %gather3A_160 : vector<16xf32>
    %add3A_162 = arith.constant 9 : i32
    %add3A_163 = vector.broadcast %add3A_162 : i32 to vector<16xi32>
    %add3A_164 = arith.addi %shift_left3A_117, %add3A_163 : vector<16xi32>
    %gather3A_165 = tpu.vector_load_idx %arg8[%add3A_164] : memref<4096xf32, #tpu.memory_space<vmem>>[vector<16xi32>], vector<16xf32>,
    %add3A_166 = arith.addf %add3A_161, %gather3A_165 : vector<16xf32>
    %add3A_167 = arith.constant 10 : i32
    %add3A_168 = vector.broadcast %add3A_167 : i32 to vector<16xi32>
    %add3A_169 = arith.addi %shift_left3A_117, %add3A_168 : vector<16xi32>
    %gather3A_170 = tpu.vector_load_idx %arg8[%add3A_169] : memref<4096xf32, #tpu.memory_space<vmem>>[vector<16xi32>], vector<16xf32>,
    %add3A_171 = arith.addf %add3A_166, %gather3A_170 : vector<16xf32>
    %add3A_172 = arith.constant 11 : i32
    %add3A_173 = vector.broadcast %add3A_172 : i32 to vector<16xi32>
    %add3A_174 = arith.addi %shift_left3A_117, %add3A_173 : vector<16xi32>
    %gather3A_175 = tpu.vector_load_idx %arg8[%add3A_174] : memref<4096xf32, #tpu.memory_space<vmem>>[vector<16xi32>], vector<16xf32>,
    %add3A_176 = arith.addf %add3A_171, %gather3A_175 : vector<16xf32>
    %add3A_177 = arith.constant 12 : i32
    %add3A_178 = vector.broadcast %add3A_177 : i32 to vector<16xi32>
    %add3A_179 = arith.addi %shift_left3A_117, %add3A_178 : vector<16xi32>
    %gather3A_180 = tpu.vector_load_idx %arg8[%add3A_179] : memref<4096xf32, #tpu.memory_space<vmem>>[vector<16xi32>], vector<16xf32>,
    %add3A_181 = arith.addf %add3A_176, %gather3A_180 : vector<16xf32>
    %add3A_182 = arith.constant 13 : i32
    %add3A_183 = vector.broadcast %add3A_182 : i32 to vector<16xi32>
    %add3A_184 = arith.addi %shift_left3A_117, %add3A_183 : vector<16xi32>
    %gather3A_185 = tpu.vector_load_idx %arg8[%add3A_184] : memref<4096xf32, #tpu.memory_space<vmem>>[vector<16xi32>], vector<16xf32>,
    %add3A_186 = arith.addf %add3A_181, %gather3A_185 : vector<16xf32>
    %add3A_187 = arith.constant 14 : i32
    %add3A_188 = vector.broadcast %add3A_187 : i32 to vector<16xi32>
    %add3A_189 = arith.addi %shift_left3A_117, %add3A_188 : vector<16xi32>
    %gather3A_190 = tpu.vector_load_idx %arg8[%add3A_189] : memref<4096xf32, #tpu.memory_space<vmem>>[vector<16xi32>], vector<16xf32>,
    %add3A_191 = arith.addf %add3A_186, %gather3A_190 : vector<16xf32>
    %add3A_192 = arith.constant 15 : i32
    %add3A_193 = vector.broadcast %add3A_192 : i32 to vector<16xi32>
    %add3A_194 = arith.addi %shift_left3A_117, %add3A_193 : vector<16xi32>
    %gather3A_195 = tpu.vector_load_idx %arg8[%add3A_194] : memref<4096xf32, #tpu.memory_space<vmem>>[vector<16xi32>], vector<16xf32>,
    %add3A_196 = arith.addf %add3A_191, %gather3A_195 : vector<16xf32>
    %swap3A = arith.constant 0 : index
    %swap3A_197 = tpu.vector_load %arg8[%swap3A] {strides = array<i32>} : memref<4096xf32, #tpu.memory_space<vmem>>, vector<16xf32>,
    tpu.vector_store %arg8[%swap3A], %add3A_196 {strides = array<i32>} : memref<4096xf32, #tpu.memory_space<vmem>>, vector<16xf32>,
    %add3A_198 = arith.constant 256 : i32
    %add3A_199 = vector.broadcast %add3A_198 : i32 to vector<16xi32>
    %add3A_200 = arith.addi %shift_left3A_117, %add3A_199 : vector<16xi32>
    %gather3A_201 = tpu.vector_load_idx %arg8[%add3A_200] : memref<4096xf32, #tpu.memory_space<vmem>>[vector<16xi32>], vector<16xf32>,
    %add3A_202 = arith.addf %broadcast_in_dim3A_3, %gather3A_201 : vector<16xf32>
    %add3A_203 = arith.constant 257 : i32
    %add3A_204 = vector.broadcast %add3A_203 : i32 to vector<16xi32>
    %add3A_205 = arith.addi %shift_left3A_117, %add3A_204 : vector<16xi32>
    %gather3A_206 = tpu.vector_load_idx %arg8[%add3A_205] : memref<4096xf32, #tpu.memory_space<vmem>>[vector<16xi32>], vector<16xf32>,
    %add3A_207 = arith.addf %add3A_202, %gather3A_206 : vector<16xf32>
    %add3A_208 = arith.constant 258 : i32
    %add3A_209 = vector.broadcast %add3A_208 : i32 to vector<16xi32>
    %add3A_210 = arith.addi %shift_left3A_117, %add3A_209 : vector<16xi32>
    %gather3A_211 = tpu.vector_load_idx %arg8[%add3A_210] : memref<4096xf32, #tpu.memory_space<vmem>>[vector<16xi32>], vector<16xf32>,
    %add3A_212 = arith.addf %add3A_207, %gather3A_211 : vector<16xf32>
    %add3A_213 = arith.constant 259 : i32
    %add3A_214 = vector.broadcast %add3A_213 : i32 to vector<16xi32>
    %add3A_215 = arith.addi %shift_left3A_117, %add3A_214 : vector<16xi32>
    %gather3A_216 = tpu.vector_load_idx %arg8[%add3A_215] : memref<4096xf32, #tpu.memory_space<vmem>>[vector<16xi32>], vector<16xf32>,
    %add3A_217 = arith.addf %add3A_212, %gather3A_216 : vector<16xf32>
    %add3A_218 = arith.constant 260 : i32
    %add3A_219 = vector.broadcast %add3A_218 : i32 to vector<16xi32>
    %add3A_220 = arith.addi %shift_left3A_117, %add3A_219 : vector<16xi32>
    %gather3A_221 = tpu.vector_load_idx %arg8[%add3A_220] : memref<4096xf32, #tpu.memory_space<vmem>>[vector<16xi32>], vector<16xf32>,
    %add3A_222 = arith.addf %add3A_217, %gather3A_221 : vector<16xf32>
    %add3A_223 = arith.constant 261 : i32
    %add3A_224 = vector.broadcast %add3A_223 : i32 to vector<16xi32>
    %add3A_225 = arith.addi %shift_left3A_117, %add3A_224 : vector<16xi32>
    %gather3A_226 = tpu.vector_load_idx %arg8[%add3A_225] : memref<4096xf32, #tpu.memory_space<vmem>>[vector<16xi32>], vector<16xf32>,
    %add3A_227 = arith.addf %add3A_222, %gather3A_226 : vector<16xf32>
    %add3A_228 = arith.constant 262 : i32
    %add3A_229 = vector.broadcast %add3A_228 : i32 to vector<16xi32>
    %add3A_230 = arith.addi %shift_left3A_117, %add3A_229 : vector<16xi32>
    %gather3A_231 = tpu.vector_load_idx %arg8[%add3A_230] : memref<4096xf32, #tpu.memory_space<vmem>>[vector<16xi32>], vector<16xf32>,
    %add3A_232 = arith.addf %add3A_227, %gather3A_231 : vector<16xf32>
    %add3A_233 = arith.constant 263 : i32
    %add3A_234 = vector.broadcast %add3A_233 : i32 to vector<16xi32>
    %add3A_235 = arith.addi %shift_left3A_117, %add3A_234 : vector<16xi32>
    %gather3A_236 = tpu.vector_load_idx %arg8[%add3A_235] : memref<4096xf32, #tpu.memory_space<vmem>>[vector<16xi32>], vector<16xf32>,
    %add3A_237 = arith.addf %add3A_232, %gather3A_236 : vector<16xf32>
    %add3A_238 = arith.constant 264 : i32
    %add3A_239 = vector.broadcast %add3A_238 : i32 to vector<16xi32>
    %add3A_240 = arith.addi %shift_left3A_117, %add3A_239 : vector<16xi32>
    %gather3A_241 = tpu.vector_load_idx %arg8[%add3A_240] : memref<4096xf32, #tpu.memory_space<vmem>>[vector<16xi32>], vector<16xf32>,
    %add3A_242 = arith.addf %add3A_237, %gather3A_241 : vector<16xf32>
    %add3A_243 = arith.constant 265 : i32
    %add3A_244 = vector.broadcast %add3A_243 : i32 to vector<16xi32>
    %add3A_245 = arith.addi %shift_left3A_117, %add3A_244 : vector<16xi32>
    %gather3A_246 = tpu.vector_load_idx %arg8[%add3A_245] : memref<4096xf32, #tpu.memory_space<vmem>>[vector<16xi32>], vector<16xf32>,
    %add3A_247 = arith.addf %add3A_242, %gather3A_246 : vector<16xf32>
    %add3A_248 = arith.constant 266 : i32
    %add3A_249 = vector.broadcast %add3A_248 : i32 to vector<16xi32>
    %add3A_250 = arith.addi %shift_left3A_117, %add3A_249 : vector<16xi32>
    %gather3A_251 = tpu.vector_load_idx %arg8[%add3A_250] : memref<4096xf32, #tpu.memory_space<vmem>>[vector<16xi32>], vector<16xf32>,
    %add3A_252 = arith.addf %add3A_247, %gather3A_251 : vector<16xf32>
    %add3A_253 = arith.constant 267 : i32
    %add3A_254 = vector.broadcast %add3A_253 : i32 to vector<16xi32>
    %add3A_255 = arith.addi %shift_left3A_117, %add3A_254 : vector<16xi32>
    %gather3A_256 = tpu.vector_load_idx %arg8[%add3A_255] : memref<4096xf32, #tpu.memory_space<vmem>>[vector<16xi32>], vector<16xf32>,
    %add3A_257 = arith.addf %add3A_252, %gather3A_256 : vector<16xf32>
    %add3A_258 = arith.constant 268 : i32
    %add3A_259 = vector.broadcast %add3A_258 : i32 to vector<16xi32>
    %add3A_260 = arith.addi %shift_left3A_117, %add3A_259 : vector<16xi32>
    %gather3A_261 = tpu.vector_load_idx %arg8[%add3A_260] : memref<4096xf32, #tpu.memory_space<vmem>>[vector<16xi32>], vector<16xf32>,
    %add3A_262 = arith.addf %add3A_257, %gather3A_261 : vector<16xf32>
    %add3A_263 = arith.constant 269 : i32
    %add3A_264 = vector.broadcast %add3A_263 : i32 to vector<16xi32>
    %add3A_265 = arith.addi %shift_left3A_117, %add3A_264 : vector<16xi32>
    %gather3A_266 = tpu.vector_load_idx %arg8[%add3A_265] : memref<4096xf32, #tpu.memory_space<vmem>>[vector<16xi32>], vector<16xf32>,
    %add3A_267 = arith.addf %add3A_262, %gather3A_266 : vector<16xf32>
    %add3A_268 = arith.constant 270 : i32
    %add3A_269 = vector.broadcast %add3A_268 : i32 to vector<16xi32>
    %add3A_270 = arith.addi %shift_left3A_117, %add3A_269 : vector<16xi32>
    %gather3A_271 = tpu.vector_load_idx %arg8[%add3A_270] : memref<4096xf32, #tpu.memory_space<vmem>>[vector<16xi32>], vector<16xf32>,
    %add3A_272 = arith.addf %add3A_267, %gather3A_271 : vector<16xf32>
    %add3A_273 = arith.constant 271 : i32
    %add3A_274 = vector.broadcast %add3A_273 : i32 to vector<16xi32>
    %add3A_275 = arith.addi %shift_left3A_117, %add3A_274 : vector<16xi32>
    %gather3A_276 = tpu.vector_load_idx %arg8[%add3A_275] : memref<4096xf32, #tpu.memory_space<vmem>>[vector<16xi32>], vector<16xf32>,
    %add3A_277 = arith.addf %add3A_272, %gather3A_276 : vector<16xf32>
    %swap3A_278 = arith.constant 16 : index
    %swap3A_279 = tpu.vector_load %arg8[%swap3A_278] {strides = array<i32>} : memref<4096xf32, #tpu.memory_space<vmem>>, vector<16xf32>,
    tpu.vector_store %arg8[%swap3A_278], %add3A_277 {strides = array<i32>} : memref<4096xf32, #tpu.memory_space<vmem>>, vector<16xf32>,
    %add3A_280 = arith.constant 512 : i32
    %add3A_281 = vector.broadcast %add3A_280 : i32 to vector<16xi32>
    %add3A_282 = arith.addi %shift_left3A_117, %add3A_281 : vector<16xi32>
    %gather3A_283 = tpu.vector_load_idx %arg8[%add3A_282] : memref<4096xf32, #tpu.memory_space<vmem>>[vector<16xi32>], vector<16xf32>,
    %add3A_284 = arith.addf %broadcast_in_dim3A_3, %gather3A_283 : vector<16xf32>
    %add3A_285 = arith.constant 513 : i32
    %add3A_286 = vector.broadcast %add3A_285 : i32 to vector<16xi32>
    %add3A_287 = arith.addi %shift_left3A_117, %add3A_286 : vector<16xi32>
    %gather3A_288 = tpu.vector_load_idx %arg8[%add3A_287] : memref<4096xf32, #tpu.memory_space<vmem>>[vector<16xi32>], vector<16xf32>,
    %add3A_289 = arith.addf %add3A_284, %gather3A_288 : vector<16xf32>
    %add3A_290 = arith.constant 514 : i32
    %add3A_291 = vector.broadcast %add3A_290 : i32 to vector<16xi32>
    %add3A_292 = arith.addi %shift_left3A_117, %add3A_291 : vector<16xi32>
    %gather3A_293 = tpu.vector_load_idx %arg8[%add3A_292] : memref<4096xf32, #tpu.memory_space<vmem>>[vector<16xi32>], vector<16xf32>,
    %add3A_294 = arith.addf %add3A_289, %gather3A_293 : vector<16xf32>
    %add3A_295 = arith.constant 515 : i32
    %add3A_296 = vector.broadcast %add3A_295 : i32 to vector<16xi32>
    %add3A_297 = arith.addi %shift_left3A_117, %add3A_296 : vector<16xi32>
    %gather3A_298 = tpu.vector_load_idx %arg8[%add3A_297] : memref<4096xf32, #tpu.memory_space<vmem>>[vector<16xi32>], vector<16xf32>,
    %add3A_299 = arith.addf %add3A_294, %gather3A_298 : vector<16xf32>
    %add3A_300 = arith.constant 516 : i32
    %add3A_301 = vector.broadcast %add3A_300 : i32 to vector<16xi32>
    %add3A_302 = arith.addi %shift_left3A_117, %add3A_301 : vector<16xi32>
    %gather3A_303 = tpu.vector_load_idx %arg8[%add3A_302] : memref<4096xf32, #tpu.memory_space<vmem>>[vector<16xi32>], vector<16xf32>,
    %add3A_304 = arith.addf %add3A_299, %gather3A_303 : vector<16xf32>
    %add3A_305 = arith.constant 517 : i32
    %add3A_306 = vector.broadcast %add3A_305 : i32 to vector<16xi32>
    %add3A_307 = arith.addi %shift_left3A_117, %add3A_306 : vector<16xi32>
    %gather3A_308 = tpu.vector_load_idx %arg8[%add3A_307] : memref<4096xf32, #tpu.memory_space<vmem>>[vector<16xi32>], vector<16xf32>,
    %add3A_309 = arith.addf %add3A_304, %gather3A_308 : vector<16xf32>
    %add3A_310 = arith.constant 518 : i32
    %add3A_311 = vector.broadcast %add3A_310 : i32 to vector<16xi32>
    %add3A_312 = arith.addi %shift_left3A_117, %add3A_311 : vector<16xi32>
    %gather3A_313 = tpu.vector_load_idx %arg8[%add3A_312] : memref<4096xf32, #tpu.memory_space<vmem>>[vector<16xi32>], vector<16xf32>,
    %add3A_314 = arith.addf %add3A_309, %gather3A_313 : vector<16xf32>
    %add3A_315 = arith.constant 519 : i32
    %add3A_316 = vector.broadcast %add3A_315 : i32 to vector<16xi32>
    %add3A_317 = arith.addi %shift_left3A_117, %add3A_316 : vector<16xi32>
    %gather3A_318 = tpu.vector_load_idx %arg8[%add3A_317] : memref<4096xf32, #tpu.memory_space<vmem>>[vector<16xi32>], vector<16xf32>,
    %add3A_319 = arith.addf %add3A_314, %gather3A_318 : vector<16xf32>
    %add3A_320 = arith.constant 520 : i32
    %add3A_321 = vector.broadcast %add3A_320 : i32 to vector<16xi32>
    %add3A_322 = arith.addi %shift_left3A_117, %add3A_321 : vector<16xi32>
    %gather3A_323 = tpu.vector_load_idx %arg8[%add3A_322] : memref<4096xf32, #tpu.memory_space<vmem>>[vector<16xi32>], vector<16xf32>,
    %add3A_324 = arith.addf %add3A_319, %gather3A_323 : vector<16xf32>
    %add3A_325 = arith.constant 521 : i32
    %add3A_326 = vector.broadcast %add3A_325 : i32 to vector<16xi32>
    %add3A_327 = arith.addi %shift_left3A_117, %add3A_326 : vector<16xi32>
    %gather3A_328 = tpu.vector_load_idx %arg8[%add3A_327] : memref<4096xf32, #tpu.memory_space<vmem>>[vector<16xi32>], vector<16xf32>,
    %add3A_329 = arith.addf %add3A_324, %gather3A_328 : vector<16xf32>
    %add3A_330 = arith.constant 522 : i32
    %add3A_331 = vector.broadcast %add3A_330 : i32 to vector<16xi32>
    %add3A_332 = arith.addi %shift_left3A_117, %add3A_331 : vector<16xi32>
    %gather3A_333 = tpu.vector_load_idx %arg8[%add3A_332] : memref<4096xf32, #tpu.memory_space<vmem>>[vector<16xi32>], vector<16xf32>,
    %add3A_334 = arith.addf %add3A_329, %gather3A_333 : vector<16xf32>
    %add3A_335 = arith.constant 523 : i32
    %add3A_336 = vector.broadcast %add3A_335 : i32 to vector<16xi32>
    %add3A_337 = arith.addi %shift_left3A_117, %add3A_336 : vector<16xi32>
    %gather3A_338 = tpu.vector_load_idx %arg8[%add3A_337] : memref<4096xf32, #tpu.memory_space<vmem>>[vector<16xi32>], vector<16xf32>,
    %add3A_339 = arith.addf %add3A_334, %gather3A_338 : vector<16xf32>
    %add3A_340 = arith.constant 524 : i32
    %add3A_341 = vector.broadcast %add3A_340 : i32 to vector<16xi32>
    %add3A_342 = arith.addi %shift_left3A_117, %add3A_341 : vector<16xi32>
    %gather3A_343 = tpu.vector_load_idx %arg8[%add3A_342] : memref<4096xf32, #tpu.memory_space<vmem>>[vector<16xi32>], vector<16xf32>,
    %add3A_344 = arith.addf %add3A_339, %gather3A_343 : vector<16xf32>
    %add3A_345 = arith.constant 525 : i32
    %add3A_346 = vector.broadcast %add3A_345 : i32 to vector<16xi32>
    %add3A_347 = arith.addi %shift_left3A_117, %add3A_346 : vector<16xi32>
    %gather3A_348 = tpu.vector_load_idx %arg8[%add3A_347] : memref<4096xf32, #tpu.memory_space<vmem>>[vector<16xi32>], vector<16xf32>,
    %add3A_349 = arith.addf %add3A_344, %gather3A_348 : vector<16xf32>
    %add3A_350 = arith.constant 526 : i32
    %add3A_351 = vector.broadcast %add3A_350 : i32 to vector<16xi32>
    %add3A_352 = arith.addi %shift_left3A_117, %add3A_351 : vector<16xi32>
    %gather3A_353 = tpu.vector_load_idx %arg8[%add3A_352] : memref<4096xf32, #tpu.memory_space<vmem>>[vector<16xi32>], vector<16xf32>,
    %add3A_354 = arith.addf %add3A_349, %gather3A_353 : vector<16xf32>
    %add3A_355 = arith.constant 527 : i32
    %add3A_356 = vector.broadcast %add3A_355 : i32 to vector<16xi32>
    %add3A_357 = arith.addi %shift_left3A_117, %add3A_356 : vector<16xi32>
    %gather3A_358 = tpu.vector_load_idx %arg8[%add3A_357] : memref<4096xf32, #tpu.memory_space<vmem>>[vector<16xi32>], vector<16xf32>,
    %add3A_359 = arith.addf %add3A_354, %gather3A_358 : vector<16xf32>
    %swap3A_360 = arith.constant 32 : index
    %swap3A_361 = tpu.vector_load %arg8[%swap3A_360] {strides = array<i32>} : memref<4096xf32, #tpu.memory_space<vmem>>, vector<16xf32>,
    tpu.vector_store %arg8[%swap3A_360], %add3A_359 {strides = array<i32>} : memref<4096xf32, #tpu.memory_space<vmem>>, vector<16xf32>,
    %add3A_362 = arith.constant 768 : i32
    %add3A_363 = vector.broadcast %add3A_362 : i32 to vector<16xi32>
    %add3A_364 = arith.addi %shift_left3A_117, %add3A_363 : vector<16xi32>
    %gather3A_365 = tpu.vector_load_idx %arg8[%add3A_364] : memref<4096xf32, #tpu.memory_space<vmem>>[vector<16xi32>], vector<16xf32>,
    %add3A_366 = arith.addf %broadcast_in_dim3A_3, %gather3A_365 : vector<16xf32>
    %add3A_367 = arith.constant 769 : i32
    %add3A_368 = vector.broadcast %add3A_367 : i32 to vector<16xi32>
    %add3A_369 = arith.addi %shift_left3A_117, %add3A_368 : vector<16xi32>
    %gather3A_370 = tpu.vector_load_idx %arg8[%add3A_369] : memref<4096xf32, #tpu.memory_space<vmem>>[vector<16xi32>], vector<16xf32>,
    %add3A_371 = arith.addf %add3A_366, %gather3A_370 : vector<16xf32>
    %add3A_372 = arith.constant 770 : i32
    %add3A_373 = vector.broadcast %add3A_372 : i32 to vector<16xi32>
    %add3A_374 = arith.addi %shift_left3A_117, %add3A_373 : vector<16xi32>
    %gather3A_375 = tpu.vector_load_idx %arg8[%add3A_374] : memref<4096xf32, #tpu.memory_space<vmem>>[vector<16xi32>], vector<16xf32>,
    %add3A_376 = arith.addf %add3A_371, %gather3A_375 : vector<16xf32>
    %add3A_377 = arith.constant 771 : i32
    %add3A_378 = vector.broadcast %add3A_377 : i32 to vector<16xi32>
    %add3A_379 = arith.addi %shift_left3A_117, %add3A_378 : vector<16xi32>
    %gather3A_380 = tpu.vector_load_idx %arg8[%add3A_379] : memref<4096xf32, #tpu.memory_space<vmem>>[vector<16xi32>], vector<16xf32>,
    %add3A_381 = arith.addf %add3A_376, %gather3A_380 : vector<16xf32>
    %add3A_382 = arith.constant 772 : i32
    %add3A_383 = vector.broadcast %add3A_382 : i32 to vector<16xi32>
    %add3A_384 = arith.addi %shift_left3A_117, %add3A_383 : vector<16xi32>
    %gather3A_385 = tpu.vector_load_idx %arg8[%add3A_384] : memref<4096xf32, #tpu.memory_space<vmem>>[vector<16xi32>], vector<16xf32>,
    %add3A_386 = arith.addf %add3A_381, %gather3A_385 : vector<16xf32>
    %add3A_387 = arith.constant 773 : i32
    %add3A_388 = vector.broadcast %add3A_387 : i32 to vector<16xi32>
    %add3A_389 = arith.addi %shift_left3A_117, %add3A_388 : vector<16xi32>
    %gather3A_390 = tpu.vector_load_idx %arg8[%add3A_389] : memref<4096xf32, #tpu.memory_space<vmem>>[vector<16xi32>], vector<16xf32>,
    %add3A_391 = arith.addf %add3A_386, %gather3A_390 : vector<16xf32>
    %add3A_392 = arith.constant 774 : i32
    %add3A_393 = vector.broadcast %add3A_392 : i32 to vector<16xi32>
    %add3A_394 = arith.addi %shift_left3A_117, %add3A_393 : vector<16xi32>
    %gather3A_395 = tpu.vector_load_idx %arg8[%add3A_394] : memref<4096xf32, #tpu.memory_space<vmem>>[vector<16xi32>], vector<16xf32>,
    %add3A_396 = arith.addf %add3A_391, %gather3A_395 : vector<16xf32>
    %add3A_397 = arith.constant 775 : i32
    %add3A_398 = vector.broadcast %add3A_397 : i32 to vector<16xi32>
    %add3A_399 = arith.addi %shift_left3A_117, %add3A_398 : vector<16xi32>
    %gather3A_400 = tpu.vector_load_idx %arg8[%add3A_399] : memref<4096xf32, #tpu.memory_space<vmem>>[vector<16xi32>], vector<16xf32>,
    %add3A_401 = arith.addf %add3A_396, %gather3A_400 : vector<16xf32>
    %add3A_402 = arith.constant 776 : i32
    %add3A_403 = vector.broadcast %add3A_402 : i32 to vector<16xi32>
    %add3A_404 = arith.addi %shift_left3A_117, %add3A_403 : vector<16xi32>
    %gather3A_405 = tpu.vector_load_idx %arg8[%add3A_404] : memref<4096xf32, #tpu.memory_space<vmem>>[vector<16xi32>], vector<16xf32>,
    %add3A_406 = arith.addf %add3A_401, %gather3A_405 : vector<16xf32>
    %add3A_407 = arith.constant 777 : i32
    %add3A_408 = vector.broadcast %add3A_407 : i32 to vector<16xi32>
    %add3A_409 = arith.addi %shift_left3A_117, %add3A_408 : vector<16xi32>
    %gather3A_410 = tpu.vector_load_idx %arg8[%add3A_409] : memref<4096xf32, #tpu.memory_space<vmem>>[vector<16xi32>], vector<16xf32>,
    %add3A_411 = arith.addf %add3A_406, %gather3A_410 : vector<16xf32>
    %add3A_412 = arith.constant 778 : i32
    %add3A_413 = vector.broadcast %add3A_412 : i32 to vector<16xi32>
    %add3A_414 = arith.addi %shift_left3A_117, %add3A_413 : vector<16xi32>
    %gather3A_415 = tpu.vector_load_idx %arg8[%add3A_414] : memref<4096xf32, #tpu.memory_space<vmem>>[vector<16xi32>], vector<16xf32>,
    %add3A_416 = arith.addf %add3A_411, %gather3A_415 : vector<16xf32>
    %add3A_417 = arith.constant 779 : i32
    %add3A_418 = vector.broadcast %add3A_417 : i32 to vector<16xi32>
    %add3A_419 = arith.addi %shift_left3A_117, %add3A_418 : vector<16xi32>
    %gather3A_420 = tpu.vector_load_idx %arg8[%add3A_419] : memref<4096xf32, #tpu.memory_space<vmem>>[vector<16xi32>], vector<16xf32>,
    %add3A_421 = arith.addf %add3A_416, %gather3A_420 : vector<16xf32>
    %add3A_422 = arith.constant 780 : i32
    %add3A_423 = vector.broadcast %add3A_422 : i32 to vector<16xi32>
    %add3A_424 = arith.addi %shift_left3A_117, %add3A_423 : vector<16xi32>
    %gather3A_425 = tpu.vector_load_idx %arg8[%add3A_424] : memref<4096xf32, #tpu.memory_space<vmem>>[vector<16xi32>], vector<16xf32>,
    %add3A_426 = arith.addf %add3A_421, %gather3A_425 : vector<16xf32>
    %add3A_427 = arith.constant 781 : i32
    %add3A_428 = vector.broadcast %add3A_427 : i32 to vector<16xi32>
    %add3A_429 = arith.addi %shift_left3A_117, %add3A_428 : vector<16xi32>
    %gather3A_430 = tpu.vector_load_idx %arg8[%add3A_429] : memref<4096xf32, #tpu.memory_space<vmem>>[vector<16xi32>], vector<16xf32>,
    %add3A_431 = arith.addf %add3A_426, %gather3A_430 : vector<16xf32>
    %add3A_432 = arith.constant 782 : i32
    %add3A_433 = vector.broadcast %add3A_432 : i32 to vector<16xi32>
    %add3A_434 = arith.addi %shift_left3A_117, %add3A_433 : vector<16xi32>
    %gather3A_435 = tpu.vector_load_idx %arg8[%add3A_434] : memref<4096xf32, #tpu.memory_space<vmem>>[vector<16xi32>], vector<16xf32>,
    %add3A_436 = arith.addf %add3A_431, %gather3A_435 : vector<16xf32>
    %add3A_437 = arith.constant 783 : i32
    %add3A_438 = vector.broadcast %add3A_437 : i32 to vector<16xi32>
    %add3A_439 = arith.addi %shift_left3A_117, %add3A_438 : vector<16xi32>
    %gather3A_440 = tpu.vector_load_idx %arg8[%add3A_439] : memref<4096xf32, #tpu.memory_space<vmem>>[vector<16xi32>], vector<16xf32>,
    %add3A_441 = arith.addf %add3A_436, %gather3A_440 : vector<16xf32>
    %swap3A_442 = arith.constant 48 : index
    %swap3A_443 = tpu.vector_load %arg8[%swap3A_442] {strides = array<i32>} : memref<4096xf32, #tpu.memory_space<vmem>>, vector<16xf32>,
    tpu.vector_store %arg8[%swap3A_442], %add3A_441 {strides = array<i32>} : memref<4096xf32, #tpu.memory_space<vmem>>, vector<16xf32>,
    %add3A_444 = arith.constant 1024 : i32
    %add3A_445 = vector.broadcast %add3A_444 : i32 to vector<16xi32>
    %add3A_446 = arith.addi %shift_left3A_117, %add3A_445 : vector<16xi32>
    %gather3A_447 = tpu.vector_load_idx %arg8[%add3A_446] : memref<4096xf32, #tpu.memory_space<vmem>>[vector<16xi32>], vector<16xf32>,
    %add3A_448 = arith.addf %broadcast_in_dim3A_3, %gather3A_447 : vector<16xf32>
    %add3A_449 = arith.constant 1025 : i32
    %add3A_450 = vector.broadcast %add3A_449 : i32 to vector<16xi32>
    %add3A_451 = arith.addi %shift_left3A_117, %add3A_450 : vector<16xi32>
    %gather3A_452 = tpu.vector_load_idx %arg8[%add3A_451] : memref<4096xf32, #tpu.memory_space<vmem>>[vector<16xi32>], vector<16xf32>,
    %add3A_453 = arith.addf %add3A_448, %gather3A_452 : vector<16xf32>
    %add3A_454 = arith.constant 1026 : i32
    %add3A_455 = vector.broadcast %add3A_454 : i32 to vector<16xi32>
    %add3A_456 = arith.addi %shift_left3A_117, %add3A_455 : vector<16xi32>
    %gather3A_457 = tpu.vector_load_idx %arg8[%add3A_456] : memref<4096xf32, #tpu.memory_space<vmem>>[vector<16xi32>], vector<16xf32>,
    %add3A_458 = arith.addf %add3A_453, %gather3A_457 : vector<16xf32>
    %add3A_459 = arith.constant 1027 : i32
    %add3A_460 = vector.broadcast %add3A_459 : i32 to vector<16xi32>
    %add3A_461 = arith.addi %shift_left3A_117, %add3A_460 : vector<16xi32>
    %gather3A_462 = tpu.vector_load_idx %arg8[%add3A_461] : memref<4096xf32, #tpu.memory_space<vmem>>[vector<16xi32>], vector<16xf32>,
    %add3A_463 = arith.addf %add3A_458, %gather3A_462 : vector<16xf32>
    %add3A_464 = arith.constant 1028 : i32
    %add3A_465 = vector.broadcast %add3A_464 : i32 to vector<16xi32>
    %add3A_466 = arith.addi %shift_left3A_117, %add3A_465 : vector<16xi32>
    %gather3A_467 = tpu.vector_load_idx %arg8[%add3A_466] : memref<4096xf32, #tpu.memory_space<vmem>>[vector<16xi32>], vector<16xf32>,
    %add3A_468 = arith.addf %add3A_463, %gather3A_467 : vector<16xf32>
    %add3A_469 = arith.constant 1029 : i32
    %add3A_470 = vector.broadcast %add3A_469 : i32 to vector<16xi32>
    %add3A_471 = arith.addi %shift_left3A_117, %add3A_470 : vector<16xi32>
    %gather3A_472 = tpu.vector_load_idx %arg8[%add3A_471] : memref<4096xf32, #tpu.memory_space<vmem>>[vector<16xi32>], vector<16xf32>,
    %add3A_473 = arith.addf %add3A_468, %gather3A_472 : vector<16xf32>
    %add3A_474 = arith.constant 1030 : i32
    %add3A_475 = vector.broadcast %add3A_474 : i32 to vector<16xi32>
    %add3A_476 = arith.addi %shift_left3A_117, %add3A_475 : vector<16xi32>
    %gather3A_477 = tpu.vector_load_idx %arg8[%add3A_476] : memref<4096xf32, #tpu.memory_space<vmem>>[vector<16xi32>], vector<16xf32>,
    %add3A_478 = arith.addf %add3A_473, %gather3A_477 : vector<16xf32>
    %add3A_479 = arith.constant 1031 : i32
    %add3A_480 = vector.broadcast %add3A_479 : i32 to vector<16xi32>
    %add3A_481 = arith.addi %shift_left3A_117, %add3A_480 : vector<16xi32>
    %gather3A_482 = tpu.vector_load_idx %arg8[%add3A_481] : memref<4096xf32, #tpu.memory_space<vmem>>[vector<16xi32>], vector<16xf32>,
    %add3A_483 = arith.addf %add3A_478, %gather3A_482 : vector<16xf32>
    %add3A_484 = arith.constant 1032 : i32
    %add3A_485 = vector.broadcast %add3A_484 : i32 to vector<16xi32>
    %add3A_486 = arith.addi %shift_left3A_117, %add3A_485 : vector<16xi32>
    %gather3A_487 = tpu.vector_load_idx %arg8[%add3A_486] : memref<4096xf32, #tpu.memory_space<vmem>>[vector<16xi32>], vector<16xf32>,
    %add3A_488 = arith.addf %add3A_483, %gather3A_487 : vector<16xf32>
    %add3A_489 = arith.constant 1033 : i32
    %add3A_490 = vector.broadcast %add3A_489 : i32 to vector<16xi32>
    %add3A_491 = arith.addi %shift_left3A_117, %add3A_490 : vector<16xi32>
    %gather3A_492 = tpu.vector_load_idx %arg8[%add3A_491] : memref<4096xf32, #tpu.memory_space<vmem>>[vector<16xi32>], vector<16xf32>,
    %add3A_493 = arith.addf %add3A_488, %gather3A_492 : vector<16xf32>
    %add3A_494 = arith.constant 1034 : i32
    %add3A_495 = vector.broadcast %add3A_494 : i32 to vector<16xi32>
    %add3A_496 = arith.addi %shift_left3A_117, %add3A_495 : vector<16xi32>
    %gather3A_497 = tpu.vector_load_idx %arg8[%add3A_496] : memref<4096xf32, #tpu.memory_space<vmem>>[vector<16xi32>], vector<16xf32>,
    %add3A_498 = arith.addf %add3A_493, %gather3A_497 : vector<16xf32>
    %add3A_499 = arith.constant 1035 : i32
    %add3A_500 = vector.broadcast %add3A_499 : i32 to vector<16xi32>
    %add3A_501 = arith.addi %shift_left3A_117, %add3A_500 : vector<16xi32>
    %gather3A_502 = tpu.vector_load_idx %arg8[%add3A_501] : memref<4096xf32, #tpu.memory_space<vmem>>[vector<16xi32>], vector<16xf32>,
    %add3A_503 = arith.addf %add3A_498, %gather3A_502 : vector<16xf32>
    %add3A_504 = arith.constant 1036 : i32
    %add3A_505 = vector.broadcast %add3A_504 : i32 to vector<16xi32>
    %add3A_506 = arith.addi %shift_left3A_117, %add3A_505 : vector<16xi32>
    %gather3A_507 = tpu.vector_load_idx %arg8[%add3A_506] : memref<4096xf32, #tpu.memory_space<vmem>>[vector<16xi32>], vector<16xf32>,
    %add3A_508 = arith.addf %add3A_503, %gather3A_507 : vector<16xf32>
    %add3A_509 = arith.constant 1037 : i32
    %add3A_510 = vector.broadcast %add3A_509 : i32 to vector<16xi32>
    %add3A_511 = arith.addi %shift_left3A_117, %add3A_510 : vector<16xi32>
    %gather3A_512 = tpu.vector_load_idx %arg8[%add3A_511] : memref<4096xf32, #tpu.memory_space<vmem>>[vector<16xi32>], vector<16xf32>,
    %add3A_513 = arith.addf %add3A_508, %gather3A_512 : vector<16xf32>
    %add3A_514 = arith.constant 1038 : i32
    %add3A_515 = vector.broadcast %add3A_514 : i32 to vector<16xi32>
    %add3A_516 = arith.addi %shift_left3A_117, %add3A_515 : vector<16xi32>
    %gather3A_517 = tpu.vector_load_idx %arg8[%add3A_516] : memref<4096xf32, #tpu.memory_space<vmem>>[vector<16xi32>], vector<16xf32>,
    %add3A_518 = arith.addf %add3A_513, %gather3A_517 : vector<16xf32>
    %add3A_519 = arith.constant 1039 : i32
    %add3A_520 = vector.broadcast %add3A_519 : i32 to vector<16xi32>
    %add3A_521 = arith.addi %shift_left3A_117, %add3A_520 : vector<16xi32>
    %gather3A_522 = tpu.vector_load_idx %arg8[%add3A_521] : memref<4096xf32, #tpu.memory_space<vmem>>[vector<16xi32>], vector<16xf32>,
    %add3A_523 = arith.addf %add3A_518, %gather3A_522 : vector<16xf32>
    %swap3A_524 = arith.constant 64 : index
    %swap3A_525 = tpu.vector_load %arg8[%swap3A_524] {strides = array<i32>} : memref<4096xf32, #tpu.memory_space<vmem>>, vector<16xf32>,
    tpu.vector_store %arg8[%swap3A_524], %add3A_523 {strides = array<i32>} : memref<4096xf32, #tpu.memory_space<vmem>>, vector<16xf32>,
    %add3A_526 = arith.constant 1280 : i32
    %add3A_527 = vector.broadcast %add3A_526 : i32 to vector<16xi32>
    %add3A_528 = arith.addi %shift_left3A_117, %add3A_527 : vector<16xi32>
    %gather3A_529 = tpu.vector_load_idx %arg8[%add3A_528] : memref<4096xf32, #tpu.memory_space<vmem>>[vector<16xi32>], vector<16xf32>,
    %add3A_530 = arith.addf %broadcast_in_dim3A_3, %gather3A_529 : vector<16xf32>
    %add3A_531 = arith.constant 1281 : i32
    %add3A_532 = vector.broadcast %add3A_531 : i32 to vector<16xi32>
    %add3A_533 = arith.addi %shift_left3A_117, %add3A_532 : vector<16xi32>
    %gather3A_534 = tpu.vector_load_idx %arg8[%add3A_533] : memref<4096xf32, #tpu.memory_space<vmem>>[vector<16xi32>], vector<16xf32>,
    %add3A_535 = arith.addf %add3A_530, %gather3A_534 : vector<16xf32>
    %add3A_536 = arith.constant 1282 : i32
    %add3A_537 = vector.broadcast %add3A_536 : i32 to vector<16xi32>
    %add3A_538 = arith.addi %shift_left3A_117, %add3A_537 : vector<16xi32>
    %gather3A_539 = tpu.vector_load_idx %arg8[%add3A_538] : memref<4096xf32, #tpu.memory_space<vmem>>[vector<16xi32>], vector<16xf32>,
    %add3A_540 = arith.addf %add3A_535, %gather3A_539 : vector<16xf32>
    %add3A_541 = arith.constant 1283 : i32
    %add3A_542 = vector.broadcast %add3A_541 : i32 to vector<16xi32>
    %add3A_543 = arith.addi %shift_left3A_117, %add3A_542 : vector<16xi32>
    %gather3A_544 = tpu.vector_load_idx %arg8[%add3A_543] : memref<4096xf32, #tpu.memory_space<vmem>>[vector<16xi32>], vector<16xf32>,
    %add3A_545 = arith.addf %add3A_540, %gather3A_544 : vector<16xf32>
    %add3A_546 = arith.constant 1284 : i32
    %add3A_547 = vector.broadcast %add3A_546 : i32 to vector<16xi32>
    %add3A_548 = arith.addi %shift_left3A_117, %add3A_547 : vector<16xi32>
    %gather3A_549 = tpu.vector_load_idx %arg8[%add3A_548] : memref<4096xf32, #tpu.memory_space<vmem>>[vector<16xi32>], vector<16xf32>,
    %add3A_550 = arith.addf %add3A_545, %gather3A_549 : vector<16xf32>
    %add3A_551 = arith.constant 1285 : i32
    %add3A_552 = vector.broadcast %add3A_551 : i32 to vector<16xi32>
    %add3A_553 = arith.addi %shift_left3A_117, %add3A_552 : vector<16xi32>
    %gather3A_554 = tpu.vector_load_idx %arg8[%add3A_553] : memref<4096xf32, #tpu.memory_space<vmem>>[vector<16xi32>], vector<16xf32>,
    %add3A_555 = arith.addf %add3A_550, %gather3A_554 : vector<16xf32>
    %add3A_556 = arith.constant 1286 : i32
    %add3A_557 = vector.broadcast %add3A_556 : i32 to vector<16xi32>
    %add3A_558 = arith.addi %shift_left3A_117, %add3A_557 : vector<16xi32>
    %gather3A_559 = tpu.vector_load_idx %arg8[%add3A_558] : memref<4096xf32, #tpu.memory_space<vmem>>[vector<16xi32>], vector<16xf32>,
    %add3A_560 = arith.addf %add3A_555, %gather3A_559 : vector<16xf32>
    %add3A_561 = arith.constant 1287 : i32
    %add3A_562 = vector.broadcast %add3A_561 : i32 to vector<16xi32>
    %add3A_563 = arith.addi %shift_left3A_117, %add3A_562 : vector<16xi32>
    %gather3A_564 = tpu.vector_load_idx %arg8[%add3A_563] : memref<4096xf32, #tpu.memory_space<vmem>>[vector<16xi32>], vector<16xf32>,
    %add3A_565 = arith.addf %add3A_560, %gather3A_564 : vector<16xf32>
    %add3A_566 = arith.constant 1288 : i32
    %add3A_567 = vector.broadcast %add3A_566 : i32 to vector<16xi32>
    %add3A_568 = arith.addi %shift_left3A_117, %add3A_567 : vector<16xi32>
    %gather3A_569 = tpu.vector_load_idx %arg8[%add3A_568] : memref<4096xf32, #tpu.memory_space<vmem>>[vector<16xi32>], vector<16xf32>,
    %add3A_570 = arith.addf %add3A_565, %gather3A_569 : vector<16xf32>
    %add3A_571 = arith.constant 1289 : i32
    %add3A_572 = vector.broadcast %add3A_571 : i32 to vector<16xi32>
    %add3A_573 = arith.addi %shift_left3A_117, %add3A_572 : vector<16xi32>
    %gather3A_574 = tpu.vector_load_idx %arg8[%add3A_573] : memref<4096xf32, #tpu.memory_space<vmem>>[vector<16xi32>], vector<16xf32>,
    %add3A_575 = arith.addf %add3A_570, %gather3A_574 : vector<16xf32>
    %add3A_576 = arith.constant 1290 : i32
    %add3A_577 = vector.broadcast %add3A_576 : i32 to vector<16xi32>
    %add3A_578 = arith.addi %shift_left3A_117, %add3A_577 : vector<16xi32>
    %gather3A_579 = tpu.vector_load_idx %arg8[%add3A_578] : memref<4096xf32, #tpu.memory_space<vmem>>[vector<16xi32>], vector<16xf32>,
    %add3A_580 = arith.addf %add3A_575, %gather3A_579 : vector<16xf32>
    %add3A_581 = arith.constant 1291 : i32
    %add3A_582 = vector.broadcast %add3A_581 : i32 to vector<16xi32>
    %add3A_583 = arith.addi %shift_left3A_117, %add3A_582 : vector<16xi32>
    %gather3A_584 = tpu.vector_load_idx %arg8[%add3A_583] : memref<4096xf32, #tpu.memory_space<vmem>>[vector<16xi32>], vector<16xf32>,
    %add3A_585 = arith.addf %add3A_580, %gather3A_584 : vector<16xf32>
    %add3A_586 = arith.constant 1292 : i32
    %add3A_587 = vector.broadcast %add3A_586 : i32 to vector<16xi32>
    %add3A_588 = arith.addi %shift_left3A_117, %add3A_587 : vector<16xi32>
    %gather3A_589 = tpu.vector_load_idx %arg8[%add3A_588] : memref<4096xf32, #tpu.memory_space<vmem>>[vector<16xi32>], vector<16xf32>,
    %add3A_590 = arith.addf %add3A_585, %gather3A_589 : vector<16xf32>
    %add3A_591 = arith.constant 1293 : i32
    %add3A_592 = vector.broadcast %add3A_591 : i32 to vector<16xi32>
    %add3A_593 = arith.addi %shift_left3A_117, %add3A_592 : vector<16xi32>
    %gather3A_594 = tpu.vector_load_idx %arg8[%add3A_593] : memref<4096xf32, #tpu.memory_space<vmem>>[vector<16xi32>], vector<16xf32>,
    %add3A_595 = arith.addf %add3A_590, %gather3A_594 : vector<16xf32>
    %add3A_596 = arith.constant 1294 : i32
    %add3A_597 = vector.broadcast %add3A_596 : i32 to vector<16xi32>
    %add3A_598 = arith.addi %shift_left3A_117, %add3A_597 : vector<16xi32>
    %gather3A_599 = tpu.vector_load_idx %arg8[%add3A_598] : memref<4096xf32, #tpu.memory_space<vmem>>[vector<16xi32>], vector<16xf32>,
    %add3A_600 = arith.addf %add3A_595, %gather3A_599 : vector<16xf32>
    %add3A_601 = arith.constant 1295 : i32
    %add3A_602 = vector.broadcast %add3A_601 : i32 to vector<16xi32>
    %add3A_603 = arith.addi %shift_left3A_117, %add3A_602 : vector<16xi32>
    %gather3A_604 = tpu.vector_load_idx %arg8[%add3A_603] : memref<4096xf32, #tpu.memory_space<vmem>>[vector<16xi32>], vector<16xf32>,
    %add3A_605 = arith.addf %add3A_600, %gather3A_604 : vector<16xf32>
    %swap3A_606 = arith.constant 80 : index
    %swap3A_607 = tpu.vector_load %arg8[%swap3A_606] {strides = array<i32>} : memref<4096xf32, #tpu.memory_space<vmem>>, vector<16xf32>,
    tpu.vector_store %arg8[%swap3A_606], %add3A_605 {strides = array<i32>} : memref<4096xf32, #tpu.memory_space<vmem>>, vector<16xf32>,
    %add3A_608 = arith.constant 1536 : i32
    %add3A_609 = vector.broadcast %add3A_608 : i32 to vector<16xi32>
    %add3A_610 = arith.addi %shift_left3A_117, %add3A_609 : vector<16xi32>
    %gather3A_611 = tpu.vector_load_idx %arg8[%add3A_610] : memref<4096xf32, #tpu.memory_space<vmem>>[vector<16xi32>], vector<16xf32>,
    %add3A_612 = arith.addf %broadcast_in_dim3A_3, %gather3A_611 : vector<16xf32>
    %add3A_613 = arith.constant 1537 : i32
    %add3A_614 = vector.broadcast %add3A_613 : i32 to vector<16xi32>
    %add3A_615 = arith.addi %shift_left3A_117, %add3A_614 : vector<16xi32>
    %gather3A_616 = tpu.vector_load_idx %arg8[%add3A_615] : memref<4096xf32, #tpu.memory_space<vmem>>[vector<16xi32>], vector<16xf32>,
    %add3A_617 = arith.addf %add3A_612, %gather3A_616 : vector<16xf32>
    %add3A_618 = arith.constant 1538 : i32
    %add3A_619 = vector.broadcast %add3A_618 : i32 to vector<16xi32>
    %add3A_620 = arith.addi %shift_left3A_117, %add3A_619 : vector<16xi32>
    %gather3A_621 = tpu.vector_load_idx %arg8[%add3A_620] : memref<4096xf32, #tpu.memory_space<vmem>>[vector<16xi32>], vector<16xf32>,
    %add3A_622 = arith.addf %add3A_617, %gather3A_621 : vector<16xf32>
    %add3A_623 = arith.constant 1539 : i32
    %add3A_624 = vector.broadcast %add3A_623 : i32 to vector<16xi32>
    %add3A_625 = arith.addi %shift_left3A_117, %add3A_624 : vector<16xi32>
    %gather3A_626 = tpu.vector_load_idx %arg8[%add3A_625] : memref<4096xf32, #tpu.memory_space<vmem>>[vector<16xi32>], vector<16xf32>,
    %add3A_627 = arith.addf %add3A_622, %gather3A_626 : vector<16xf32>
    %add3A_628 = arith.constant 1540 : i32
    %add3A_629 = vector.broadcast %add3A_628 : i32 to vector<16xi32>
    %add3A_630 = arith.addi %shift_left3A_117, %add3A_629 : vector<16xi32>
    %gather3A_631 = tpu.vector_load_idx %arg8[%add3A_630] : memref<4096xf32, #tpu.memory_space<vmem>>[vector<16xi32>], vector<16xf32>,
    %add3A_632 = arith.addf %add3A_627, %gather3A_631 : vector<16xf32>
    %add3A_633 = arith.constant 1541 : i32
    %add3A_634 = vector.broadcast %add3A_633 : i32 to vector<16xi32>
    %add3A_635 = arith.addi %shift_left3A_117, %add3A_634 : vector<16xi32>
    %gather3A_636 = tpu.vector_load_idx %arg8[%add3A_635] : memref<4096xf32, #tpu.memory_space<vmem>>[vector<16xi32>], vector<16xf32>,
    %add3A_637 = arith.addf %add3A_632, %gather3A_636 : vector<16xf32>
    %add3A_638 = arith.constant 1542 : i32
    %add3A_639 = vector.broadcast %add3A_638 : i32 to vector<16xi32>
    %add3A_640 = arith.addi %shift_left3A_117, %add3A_639 : vector<16xi32>
    %gather3A_641 = tpu.vector_load_idx %arg8[%add3A_640] : memref<4096xf32, #tpu.memory_space<vmem>>[vector<16xi32>], vector<16xf32>,
    %add3A_642 = arith.addf %add3A_637, %gather3A_641 : vector<16xf32>
    %add3A_643 = arith.constant 1543 : i32
    %add3A_644 = vector.broadcast %add3A_643 : i32 to vector<16xi32>
    %add3A_645 = arith.addi %shift_left3A_117, %add3A_644 : vector<16xi32>
    %gather3A_646 = tpu.vector_load_idx %arg8[%add3A_645] : memref<4096xf32, #tpu.memory_space<vmem>>[vector<16xi32>], vector<16xf32>,
    %add3A_647 = arith.addf %add3A_642, %gather3A_646 : vector<16xf32>
    %add3A_648 = arith.constant 1544 : i32
    %add3A_649 = vector.broadcast %add3A_648 : i32 to vector<16xi32>
    %add3A_650 = arith.addi %shift_left3A_117, %add3A_649 : vector<16xi32>
    %gather3A_651 = tpu.vector_load_idx %arg8[%add3A_650] : memref<4096xf32, #tpu.memory_space<vmem>>[vector<16xi32>], vector<16xf32>,
    %add3A_652 = arith.addf %add3A_647, %gather3A_651 : vector<16xf32>
    %add3A_653 = arith.constant 1545 : i32
    %add3A_654 = vector.broadcast %add3A_653 : i32 to vector<16xi32>
    %add3A_655 = arith.addi %shift_left3A_117, %add3A_654 : vector<16xi32>
    %gather3A_656 = tpu.vector_load_idx %arg8[%add3A_655] : memref<4096xf32, #tpu.memory_space<vmem>>[vector<16xi32>], vector<16xf32>,
    %add3A_657 = arith.addf %add3A_652, %gather3A_656 : vector<16xf32>
    %add3A_658 = arith.constant 1546 : i32
    %add3A_659 = vector.broadcast %add3A_658 : i32 to vector<16xi32>
    %add3A_660 = arith.addi %shift_left3A_117, %add3A_659 : vector<16xi32>
    %gather3A_661 = tpu.vector_load_idx %arg8[%add3A_660] : memref<4096xf32, #tpu.memory_space<vmem>>[vector<16xi32>], vector<16xf32>,
    %add3A_662 = arith.addf %add3A_657, %gather3A_661 : vector<16xf32>
    %add3A_663 = arith.constant 1547 : i32
    %add3A_664 = vector.broadcast %add3A_663 : i32 to vector<16xi32>
    %add3A_665 = arith.addi %shift_left3A_117, %add3A_664 : vector<16xi32>
    %gather3A_666 = tpu.vector_load_idx %arg8[%add3A_665] : memref<4096xf32, #tpu.memory_space<vmem>>[vector<16xi32>], vector<16xf32>,
    %add3A_667 = arith.addf %add3A_662, %gather3A_666 : vector<16xf32>
    %add3A_668 = arith.constant 1548 : i32
    %add3A_669 = vector.broadcast %add3A_668 : i32 to vector<16xi32>
    %add3A_670 = arith.addi %shift_left3A_117, %add3A_669 : vector<16xi32>
    %gather3A_671 = tpu.vector_load_idx %arg8[%add3A_670] : memref<4096xf32, #tpu.memory_space<vmem>>[vector<16xi32>], vector<16xf32>,
    %add3A_672 = arith.addf %add3A_667, %gather3A_671 : vector<16xf32>
    %add3A_673 = arith.constant 1549 : i32
    %add3A_674 = vector.broadcast %add3A_673 : i32 to vector<16xi32>
    %add3A_675 = arith.addi %shift_left3A_117, %add3A_674 : vector<16xi32>
    %gather3A_676 = tpu.vector_load_idx %arg8[%add3A_675] : memref<4096xf32, #tpu.memory_space<vmem>>[vector<16xi32>], vector<16xf32>,
    %add3A_677 = arith.addf %add3A_672, %gather3A_676 : vector<16xf32>
    %add3A_678 = arith.constant 1550 : i32
    %add3A_679 = vector.broadcast %add3A_678 : i32 to vector<16xi32>
    %add3A_680 = arith.addi %shift_left3A_117, %add3A_679 : vector<16xi32>
    %gather3A_681 = tpu.vector_load_idx %arg8[%add3A_680] : memref<4096xf32, #tpu.memory_space<vmem>>[vector<16xi32>], vector<16xf32>,
    %add3A_682 = arith.addf %add3A_677, %gather3A_681 : vector<16xf32>
    %add3A_683 = arith.constant 1551 : i32
    %add3A_684 = vector.broadcast %add3A_683 : i32 to vector<16xi32>
    %add3A_685 = arith.addi %shift_left3A_117, %add3A_684 : vector<16xi32>
    %gather3A_686 = tpu.vector_load_idx %arg8[%add3A_685] : memref<4096xf32, #tpu.memory_space<vmem>>[vector<16xi32>], vector<16xf32>,
    %add3A_687 = arith.addf %add3A_682, %gather3A_686 : vector<16xf32>
    %swap3A_688 = arith.constant 96 : index
    %swap3A_689 = tpu.vector_load %arg8[%swap3A_688] {strides = array<i32>} : memref<4096xf32, #tpu.memory_space<vmem>>, vector<16xf32>,
    tpu.vector_store %arg8[%swap3A_688], %add3A_687 {strides = array<i32>} : memref<4096xf32, #tpu.memory_space<vmem>>, vector<16xf32>,
    %add3A_690 = arith.constant 1792 : i32
    %add3A_691 = vector.broadcast %add3A_690 : i32 to vector<16xi32>
    %add3A_692 = arith.addi %shift_left3A_117, %add3A_691 : vector<16xi32>
    %gather3A_693 = tpu.vector_load_idx %arg8[%add3A_692] : memref<4096xf32, #tpu.memory_space<vmem>>[vector<16xi32>], vector<16xf32>,
    %add3A_694 = arith.addf %broadcast_in_dim3A_3, %gather3A_693 : vector<16xf32>
    %add3A_695 = arith.constant 1793 : i32
    %add3A_696 = vector.broadcast %add3A_695 : i32 to vector<16xi32>
    %add3A_697 = arith.addi %shift_left3A_117, %add3A_696 : vector<16xi32>
    %gather3A_698 = tpu.vector_load_idx %arg8[%add3A_697] : memref<4096xf32, #tpu.memory_space<vmem>>[vector<16xi32>], vector<16xf32>,
    %add3A_699 = arith.addf %add3A_694, %gather3A_698 : vector<16xf32>
    %add3A_700 = arith.constant 1794 : i32
    %add3A_701 = vector.broadcast %add3A_700 : i32 to vector<16xi32>
    %add3A_702 = arith.addi %shift_left3A_117, %add3A_701 : vector<16xi32>
    %gather3A_703 = tpu.vector_load_idx %arg8[%add3A_702] : memref<4096xf32, #tpu.memory_space<vmem>>[vector<16xi32>], vector<16xf32>,
    %add3A_704 = arith.addf %add3A_699, %gather3A_703 : vector<16xf32>
    %add3A_705 = arith.constant 1795 : i32
    %add3A_706 = vector.broadcast %add3A_705 : i32 to vector<16xi32>
    %add3A_707 = arith.addi %shift_left3A_117, %add3A_706 : vector<16xi32>
    %gather3A_708 = tpu.vector_load_idx %arg8[%add3A_707] : memref<4096xf32, #tpu.memory_space<vmem>>[vector<16xi32>], vector<16xf32>,
    %add3A_709 = arith.addf %add3A_704, %gather3A_708 : vector<16xf32>
    %add3A_710 = arith.constant 1796 : i32
    %add3A_711 = vector.broadcast %add3A_710 : i32 to vector<16xi32>
    %add3A_712 = arith.addi %shift_left3A_117, %add3A_711 : vector<16xi32>
    %gather3A_713 = tpu.vector_load_idx %arg8[%add3A_712] : memref<4096xf32, #tpu.memory_space<vmem>>[vector<16xi32>], vector<16xf32>,
    %add3A_714 = arith.addf %add3A_709, %gather3A_713 : vector<16xf32>
    %add3A_715 = arith.constant 1797 : i32
    %add3A_716 = vector.broadcast %add3A_715 : i32 to vector<16xi32>
    %add3A_717 = arith.addi %shift_left3A_117, %add3A_716 : vector<16xi32>
    %gather3A_718 = tpu.vector_load_idx %arg8[%add3A_717] : memref<4096xf32, #tpu.memory_space<vmem>>[vector<16xi32>], vector<16xf32>,
    %add3A_719 = arith.addf %add3A_714, %gather3A_718 : vector<16xf32>
    %add3A_720 = arith.constant 1798 : i32
    %add3A_721 = vector.broadcast %add3A_720 : i32 to vector<16xi32>
    %add3A_722 = arith.addi %shift_left3A_117, %add3A_721 : vector<16xi32>
    %gather3A_723 = tpu.vector_load_idx %arg8[%add3A_722] : memref<4096xf32, #tpu.memory_space<vmem>>[vector<16xi32>], vector<16xf32>,
    %add3A_724 = arith.addf %add3A_719, %gather3A_723 : vector<16xf32>
    %add3A_725 = arith.constant 1799 : i32
    %add3A_726 = vector.broadcast %add3A_725 : i32 to vector<16xi32>
    %add3A_727 = arith.addi %shift_left3A_117, %add3A_726 : vector<16xi32>
    %gather3A_728 = tpu.vector_load_idx %arg8[%add3A_727] : memref<4096xf32, #tpu.memory_space<vmem>>[vector<16xi32>], vector<16xf32>,
    %add3A_729 = arith.addf %add3A_724, %gather3A_728 : vector<16xf32>
    %add3A_730 = arith.constant 1800 : i32
    %add3A_731 = vector.broadcast %add3A_730 : i32 to vector<16xi32>
    %add3A_732 = arith.addi %shift_left3A_117, %add3A_731 : vector<16xi32>
    %gather3A_733 = tpu.vector_load_idx %arg8[%add3A_732] : memref<4096xf32, #tpu.memory_space<vmem>>[vector<16xi32>], vector<16xf32>,
    %add3A_734 = arith.addf %add3A_729, %gather3A_733 : vector<16xf32>
    %add3A_735 = arith.constant 1801 : i32
    %add3A_736 = vector.broadcast %add3A_735 : i32 to vector<16xi32>
    %add3A_737 = arith.addi %shift_left3A_117, %add3A_736 : vector<16xi32>
    %gather3A_738 = tpu.vector_load_idx %arg8[%add3A_737] : memref<4096xf32, #tpu.memory_space<vmem>>[vector<16xi32>], vector<16xf32>,
    %add3A_739 = arith.addf %add3A_734, %gather3A_738 : vector<16xf32>
    %add3A_740 = arith.constant 1802 : i32
    %add3A_741 = vector.broadcast %add3A_740 : i32 to vector<16xi32>
    %add3A_742 = arith.addi %shift_left3A_117, %add3A_741 : vector<16xi32>
    %gather3A_743 = tpu.vector_load_idx %arg8[%add3A_742] : memref<4096xf32, #tpu.memory_space<vmem>>[vector<16xi32>], vector<16xf32>,
    %add3A_744 = arith.addf %add3A_739, %gather3A_743 : vector<16xf32>
    %add3A_745 = arith.constant 1803 : i32
    %add3A_746 = vector.broadcast %add3A_745 : i32 to vector<16xi32>
    %add3A_747 = arith.addi %shift_left3A_117, %add3A_746 : vector<16xi32>
    %gather3A_748 = tpu.vector_load_idx %arg8[%add3A_747] : memref<4096xf32, #tpu.memory_space<vmem>>[vector<16xi32>], vector<16xf32>,
    %add3A_749 = arith.addf %add3A_744, %gather3A_748 : vector<16xf32>
    %add3A_750 = arith.constant 1804 : i32
    %add3A_751 = vector.broadcast %add3A_750 : i32 to vector<16xi32>
    %add3A_752 = arith.addi %shift_left3A_117, %add3A_751 : vector<16xi32>
    %gather3A_753 = tpu.vector_load_idx %arg8[%add3A_752] : memref<4096xf32, #tpu.memory_space<vmem>>[vector<16xi32>], vector<16xf32>,
    %add3A_754 = arith.addf %add3A_749, %gather3A_753 : vector<16xf32>
    %add3A_755 = arith.constant 1805 : i32
    %add3A_756 = vector.broadcast %add3A_755 : i32 to vector<16xi32>
    %add3A_757 = arith.addi %shift_left3A_117, %add3A_756 : vector<16xi32>
    %gather3A_758 = tpu.vector_load_idx %arg8[%add3A_757] : memref<4096xf32, #tpu.memory_space<vmem>>[vector<16xi32>], vector<16xf32>,
    %add3A_759 = arith.addf %add3A_754, %gather3A_758 : vector<16xf32>
    %add3A_760 = arith.constant 1806 : i32
    %add3A_761 = vector.broadcast %add3A_760 : i32 to vector<16xi32>
    %add3A_762 = arith.addi %shift_left3A_117, %add3A_761 : vector<16xi32>
    %gather3A_763 = tpu.vector_load_idx %arg8[%add3A_762] : memref<4096xf32, #tpu.memory_space<vmem>>[vector<16xi32>], vector<16xf32>,
    %add3A_764 = arith.addf %add3A_759, %gather3A_763 : vector<16xf32>
    %add3A_765 = arith.constant 1807 : i32
    %add3A_766 = vector.broadcast %add3A_765 : i32 to vector<16xi32>
    %add3A_767 = arith.addi %shift_left3A_117, %add3A_766 : vector<16xi32>
    %gather3A_768 = tpu.vector_load_idx %arg8[%add3A_767] : memref<4096xf32, #tpu.memory_space<vmem>>[vector<16xi32>], vector<16xf32>,
    %add3A_769 = arith.addf %add3A_764, %gather3A_768 : vector<16xf32>
    %swap3A_770 = arith.constant 112 : index
    %swap3A_771 = tpu.vector_load %arg8[%swap3A_770] {strides = array<i32>} : memref<4096xf32, #tpu.memory_space<vmem>>, vector<16xf32>,
    tpu.vector_store %arg8[%swap3A_770], %add3A_769 {strides = array<i32>} : memref<4096xf32, #tpu.memory_space<vmem>>, vector<16xf32>,
    %add3A_772 = arith.constant 2048 : i32
    %add3A_773 = vector.broadcast %add3A_772 : i32 to vector<16xi32>
    %add3A_774 = arith.addi %shift_left3A_117, %add3A_773 : vector<16xi32>
    %gather3A_775 = tpu.vector_load_idx %arg8[%add3A_774] : memref<4096xf32, #tpu.memory_space<vmem>>[vector<16xi32>], vector<16xf32>,
    %add3A_776 = arith.addf %broadcast_in_dim3A_3, %gather3A_775 : vector<16xf32>
    %add3A_777 = arith.constant 2049 : i32
    %add3A_778 = vector.broadcast %add3A_777 : i32 to vector<16xi32>
    %add3A_779 = arith.addi %shift_left3A_117, %add3A_778 : vector<16xi32>
    %gather3A_780 = tpu.vector_load_idx %arg8[%add3A_779] : memref<4096xf32, #tpu.memory_space<vmem>>[vector<16xi32>], vector<16xf32>,
    %add3A_781 = arith.addf %add3A_776, %gather3A_780 : vector<16xf32>
    %add3A_782 = arith.constant 2050 : i32
    %add3A_783 = vector.broadcast %add3A_782 : i32 to vector<16xi32>
    %add3A_784 = arith.addi %shift_left3A_117, %add3A_783 : vector<16xi32>
    %gather3A_785 = tpu.vector_load_idx %arg8[%add3A_784] : memref<4096xf32, #tpu.memory_space<vmem>>[vector<16xi32>], vector<16xf32>,
    %add3A_786 = arith.addf %add3A_781, %gather3A_785 : vector<16xf32>
    %add3A_787 = arith.constant 2051 : i32
    %add3A_788 = vector.broadcast %add3A_787 : i32 to vector<16xi32>
    %add3A_789 = arith.addi %shift_left3A_117, %add3A_788 : vector<16xi32>
    %gather3A_790 = tpu.vector_load_idx %arg8[%add3A_789] : memref<4096xf32, #tpu.memory_space<vmem>>[vector<16xi32>], vector<16xf32>,
    %add3A_791 = arith.addf %add3A_786, %gather3A_790 : vector<16xf32>
    %add3A_792 = arith.constant 2052 : i32
    %add3A_793 = vector.broadcast %add3A_792 : i32 to vector<16xi32>
    %add3A_794 = arith.addi %shift_left3A_117, %add3A_793 : vector<16xi32>
    %gather3A_795 = tpu.vector_load_idx %arg8[%add3A_794] : memref<4096xf32, #tpu.memory_space<vmem>>[vector<16xi32>], vector<16xf32>,
    %add3A_796 = arith.addf %add3A_791, %gather3A_795 : vector<16xf32>
    %add3A_797 = arith.constant 2053 : i32
    %add3A_798 = vector.broadcast %add3A_797 : i32 to vector<16xi32>
    %add3A_799 = arith.addi %shift_left3A_117, %add3A_798 : vector<16xi32>
    %gather3A_800 = tpu.vector_load_idx %arg8[%add3A_799] : memref<4096xf32, #tpu.memory_space<vmem>>[vector<16xi32>], vector<16xf32>,
    %add3A_801 = arith.addf %add3A_796, %gather3A_800 : vector<16xf32>
    %add3A_802 = arith.constant 2054 : i32
    %add3A_803 = vector.broadcast %add3A_802 : i32 to vector<16xi32>
    %add3A_804 = arith.addi %shift_left3A_117, %add3A_803 : vector<16xi32>
    %gather3A_805 = tpu.vector_load_idx %arg8[%add3A_804] : memref<4096xf32, #tpu.memory_space<vmem>>[vector<16xi32>], vector<16xf32>,
    %add3A_806 = arith.addf %add3A_801, %gather3A_805 : vector<16xf32>
    %add3A_807 = arith.constant 2055 : i32
    %add3A_808 = vector.broadcast %add3A_807 : i32 to vector<16xi32>
    %add3A_809 = arith.addi %shift_left3A_117, %add3A_808 : vector<16xi32>
    %gather3A_810 = tpu.vector_load_idx %arg8[%add3A_809] : memref<4096xf32, #tpu.memory_space<vmem>>[vector<16xi32>], vector<16xf32>,
    %add3A_811 = arith.addf %add3A_806, %gather3A_810 : vector<16xf32>
    %add3A_812 = arith.constant 2056 : i32
    %add3A_813 = vector.broadcast %add3A_812 : i32 to vector<16xi32>
    %add3A_814 = arith.addi %shift_left3A_117, %add3A_813 : vector<16xi32>
    %gather3A_815 = tpu.vector_load_idx %arg8[%add3A_814] : memref<4096xf32, #tpu.memory_space<vmem>>[vector<16xi32>], vector<16xf32>,
    %add3A_816 = arith.addf %add3A_811, %gather3A_815 : vector<16xf32>
    %add3A_817 = arith.constant 2057 : i32
    %add3A_818 = vector.broadcast %add3A_817 : i32 to vector<16xi32>
    %add3A_819 = arith.addi %shift_left3A_117, %add3A_818 : vector<16xi32>
    %gather3A_820 = tpu.vector_load_idx %arg8[%add3A_819] : memref<4096xf32, #tpu.memory_space<vmem>>[vector<16xi32>], vector<16xf32>,
    %add3A_821 = arith.addf %add3A_816, %gather3A_820 : vector<16xf32>
    %add3A_822 = arith.constant 2058 : i32
    %add3A_823 = vector.broadcast %add3A_822 : i32 to vector<16xi32>
    %add3A_824 = arith.addi %shift_left3A_117, %add3A_823 : vector<16xi32>
    %gather3A_825 = tpu.vector_load_idx %arg8[%add3A_824] : memref<4096xf32, #tpu.memory_space<vmem>>[vector<16xi32>], vector<16xf32>,
    %add3A_826 = arith.addf %add3A_821, %gather3A_825 : vector<16xf32>
    %add3A_827 = arith.constant 2059 : i32
    %add3A_828 = vector.broadcast %add3A_827 : i32 to vector<16xi32>
    %add3A_829 = arith.addi %shift_left3A_117, %add3A_828 : vector<16xi32>
    %gather3A_830 = tpu.vector_load_idx %arg8[%add3A_829] : memref<4096xf32, #tpu.memory_space<vmem>>[vector<16xi32>], vector<16xf32>,
    %add3A_831 = arith.addf %add3A_826, %gather3A_830 : vector<16xf32>
    %add3A_832 = arith.constant 2060 : i32
    %add3A_833 = vector.broadcast %add3A_832 : i32 to vector<16xi32>
    %add3A_834 = arith.addi %shift_left3A_117, %add3A_833 : vector<16xi32>
    %gather3A_835 = tpu.vector_load_idx %arg8[%add3A_834] : memref<4096xf32, #tpu.memory_space<vmem>>[vector<16xi32>], vector<16xf32>,
    %add3A_836 = arith.addf %add3A_831, %gather3A_835 : vector<16xf32>
    %add3A_837 = arith.constant 2061 : i32
    %add3A_838 = vector.broadcast %add3A_837 : i32 to vector<16xi32>
    %add3A_839 = arith.addi %shift_left3A_117, %add3A_838 : vector<16xi32>
    %gather3A_840 = tpu.vector_load_idx %arg8[%add3A_839] : memref<4096xf32, #tpu.memory_space<vmem>>[vector<16xi32>], vector<16xf32>,
    %add3A_841 = arith.addf %add3A_836, %gather3A_840 : vector<16xf32>
    %add3A_842 = arith.constant 2062 : i32
    %add3A_843 = vector.broadcast %add3A_842 : i32 to vector<16xi32>
    %add3A_844 = arith.addi %shift_left3A_117, %add3A_843 : vector<16xi32>
    %gather3A_845 = tpu.vector_load_idx %arg8[%add3A_844] : memref<4096xf32, #tpu.memory_space<vmem>>[vector<16xi32>], vector<16xf32>,
    %add3A_846 = arith.addf %add3A_841, %gather3A_845 : vector<16xf32>
    %add3A_847 = arith.constant 2063 : i32
    %add3A_848 = vector.broadcast %add3A_847 : i32 to vector<16xi32>
    %add3A_849 = arith.addi %shift_left3A_117, %add3A_848 : vector<16xi32>
    %gather3A_850 = tpu.vector_load_idx %arg8[%add3A_849] : memref<4096xf32, #tpu.memory_space<vmem>>[vector<16xi32>], vector<16xf32>,
    %add3A_851 = arith.addf %add3A_846, %gather3A_850 : vector<16xf32>
    %swap3A_852 = arith.constant 128 : index
    %swap3A_853 = tpu.vector_load %arg8[%swap3A_852] {strides = array<i32>} : memref<4096xf32, #tpu.memory_space<vmem>>, vector<16xf32>,
    tpu.vector_store %arg8[%swap3A_852], %add3A_851 {strides = array<i32>} : memref<4096xf32, #tpu.memory_space<vmem>>, vector<16xf32>,
    %add3A_854 = arith.constant 2304 : i32
    %add3A_855 = vector.broadcast %add3A_854 : i32 to vector<16xi32>
    %add3A_856 = arith.addi %shift_left3A_117, %add3A_855 : vector<16xi32>
    %gather3A_857 = tpu.vector_load_idx %arg8[%add3A_856] : memref<4096xf32, #tpu.memory_space<vmem>>[vector<16xi32>], vector<16xf32>,
    %add3A_858 = arith.addf %broadcast_in_dim3A_3, %gather3A_857 : vector<16xf32>
    %add3A_859 = arith.constant 2305 : i32
    %add3A_860 = vector.broadcast %add3A_859 : i32 to vector<16xi32>
    %add3A_861 = arith.addi %shift_left3A_117, %add3A_860 : vector<16xi32>
    %gather3A_862 = tpu.vector_load_idx %arg8[%add3A_861] : memref<4096xf32, #tpu.memory_space<vmem>>[vector<16xi32>], vector<16xf32>,
    %add3A_863 = arith.addf %add3A_858, %gather3A_862 : vector<16xf32>
    %add3A_864 = arith.constant 2306 : i32
    %add3A_865 = vector.broadcast %add3A_864 : i32 to vector<16xi32>
    %add3A_866 = arith.addi %shift_left3A_117, %add3A_865 : vector<16xi32>
    %gather3A_867 = tpu.vector_load_idx %arg8[%add3A_866] : memref<4096xf32, #tpu.memory_space<vmem>>[vector<16xi32>], vector<16xf32>,
    %add3A_868 = arith.addf %add3A_863, %gather3A_867 : vector<16xf32>
    %add3A_869 = arith.constant 2307 : i32
    %add3A_870 = vector.broadcast %add3A_869 : i32 to vector<16xi32>
    %add3A_871 = arith.addi %shift_left3A_117, %add3A_870 : vector<16xi32>
    %gather3A_872 = tpu.vector_load_idx %arg8[%add3A_871] : memref<4096xf32, #tpu.memory_space<vmem>>[vector<16xi32>], vector<16xf32>,
    %add3A_873 = arith.addf %add3A_868, %gather3A_872 : vector<16xf32>
    %add3A_874 = arith.constant 2308 : i32
    %add3A_875 = vector.broadcast %add3A_874 : i32 to vector<16xi32>
    %add3A_876 = arith.addi %shift_left3A_117, %add3A_875 : vector<16xi32>
    %gather3A_877 = tpu.vector_load_idx %arg8[%add3A_876] : memref<4096xf32, #tpu.memory_space<vmem>>[vector<16xi32>], vector<16xf32>,
    %add3A_878 = arith.addf %add3A_873, %gather3A_877 : vector<16xf32>
    %add3A_879 = arith.constant 2309 : i32
    %add3A_880 = vector.broadcast %add3A_879 : i32 to vector<16xi32>
    %add3A_881 = arith.addi %shift_left3A_117, %add3A_880 : vector<16xi32>
    %gather3A_882 = tpu.vector_load_idx %arg8[%add3A_881] : memref<4096xf32, #tpu.memory_space<vmem>>[vector<16xi32>], vector<16xf32>,
    %add3A_883 = arith.addf %add3A_878, %gather3A_882 : vector<16xf32>
    %add3A_884 = arith.constant 2310 : i32
    %add3A_885 = vector.broadcast %add3A_884 : i32 to vector<16xi32>
    %add3A_886 = arith.addi %shift_left3A_117, %add3A_885 : vector<16xi32>
    %gather3A_887 = tpu.vector_load_idx %arg8[%add3A_886] : memref<4096xf32, #tpu.memory_space<vmem>>[vector<16xi32>], vector<16xf32>,
    %add3A_888 = arith.addf %add3A_883, %gather3A_887 : vector<16xf32>
    %add3A_889 = arith.constant 2311 : i32
    %add3A_890 = vector.broadcast %add3A_889 : i32 to vector<16xi32>
    %add3A_891 = arith.addi %shift_left3A_117, %add3A_890 : vector<16xi32>
    %gather3A_892 = tpu.vector_load_idx %arg8[%add3A_891] : memref<4096xf32, #tpu.memory_space<vmem>>[vector<16xi32>], vector<16xf32>,
    %add3A_893 = arith.addf %add3A_888, %gather3A_892 : vector<16xf32>
    %add3A_894 = arith.constant 2312 : i32
    %add3A_895 = vector.broadcast %add3A_894 : i32 to vector<16xi32>
    %add3A_896 = arith.addi %shift_left3A_117, %add3A_895 : vector<16xi32>
    %gather3A_897 = tpu.vector_load_idx %arg8[%add3A_896] : memref<4096xf32, #tpu.memory_space<vmem>>[vector<16xi32>], vector<16xf32>,
    %add3A_898 = arith.addf %add3A_893, %gather3A_897 : vector<16xf32>
    %add3A_899 = arith.constant 2313 : i32
    %add3A_900 = vector.broadcast %add3A_899 : i32 to vector<16xi32>
    %add3A_901 = arith.addi %shift_left3A_117, %add3A_900 : vector<16xi32>
    %gather3A_902 = tpu.vector_load_idx %arg8[%add3A_901] : memref<4096xf32, #tpu.memory_space<vmem>>[vector<16xi32>], vector<16xf32>,
    %add3A_903 = arith.addf %add3A_898, %gather3A_902 : vector<16xf32>
    %add3A_904 = arith.constant 2314 : i32
    %add3A_905 = vector.broadcast %add3A_904 : i32 to vector<16xi32>
    %add3A_906 = arith.addi %shift_left3A_117, %add3A_905 : vector<16xi32>
    %gather3A_907 = tpu.vector_load_idx %arg8[%add3A_906] : memref<4096xf32, #tpu.memory_space<vmem>>[vector<16xi32>], vector<16xf32>,
    %add3A_908 = arith.addf %add3A_903, %gather3A_907 : vector<16xf32>
    %add3A_909 = arith.constant 2315 : i32
    %add3A_910 = vector.broadcast %add3A_909 : i32 to vector<16xi32>
    %add3A_911 = arith.addi %shift_left3A_117, %add3A_910 : vector<16xi32>
    %gather3A_912 = tpu.vector_load_idx %arg8[%add3A_911] : memref<4096xf32, #tpu.memory_space<vmem>>[vector<16xi32>], vector<16xf32>,
    %add3A_913 = arith.addf %add3A_908, %gather3A_912 : vector<16xf32>
    %add3A_914 = arith.constant 2316 : i32
    %add3A_915 = vector.broadcast %add3A_914 : i32 to vector<16xi32>
    %add3A_916 = arith.addi %shift_left3A_117, %add3A_915 : vector<16xi32>
    %gather3A_917 = tpu.vector_load_idx %arg8[%add3A_916] : memref<4096xf32, #tpu.memory_space<vmem>>[vector<16xi32>], vector<16xf32>,
    %add3A_918 = arith.addf %add3A_913, %gather3A_917 : vector<16xf32>
    %add3A_919 = arith.constant 2317 : i32
    %add3A_920 = vector.broadcast %add3A_919 : i32 to vector<16xi32>
    %add3A_921 = arith.addi %shift_left3A_117, %add3A_920 : vector<16xi32>
    %gather3A_922 = tpu.vector_load_idx %arg8[%add3A_921] : memref<4096xf32, #tpu.memory_space<vmem>>[vector<16xi32>], vector<16xf32>,
    %add3A_923 = arith.addf %add3A_918, %gather3A_922 : vector<16xf32>
    %add3A_924 = arith.constant 2318 : i32
    %add3A_925 = vector.broadcast %add3A_924 : i32 to vector<16xi32>
    %add3A_926 = arith.addi %shift_left3A_117, %add3A_925 : vector<16xi32>
    %gather3A_927 = tpu.vector_load_idx %arg8[%add3A_926] : memref<4096xf32, #tpu.memory_space<vmem>>[vector<16xi32>], vector<16xf32>,
    %add3A_928 = arith.addf %add3A_923, %gather3A_927 : vector<16xf32>
    %add3A_929 = arith.constant 2319 : i32
    %add3A_930 = vector.broadcast %add3A_929 : i32 to vector<16xi32>
    %add3A_931 = arith.addi %shift_left3A_117, %add3A_930 : vector<16xi32>
    %gather3A_932 = tpu.vector_load_idx %arg8[%add3A_931] : memref<4096xf32, #tpu.memory_space<vmem>>[vector<16xi32>], vector<16xf32>,
    %add3A_933 = arith.addf %add3A_928, %gather3A_932 : vector<16xf32>
    %swap3A_934 = arith.constant 144 : index
    %swap3A_935 = tpu.vector_load %arg8[%swap3A_934] {strides = array<i32>} : memref<4096xf32, #tpu.memory_space<vmem>>, vector<16xf32>,
    tpu.vector_store %arg8[%swap3A_934], %add3A_933 {strides = array<i32>} : memref<4096xf32, #tpu.memory_space<vmem>>, vector<16xf32>,
    %add3A_936 = arith.constant 2560 : i32
    %add3A_937 = vector.broadcast %add3A_936 : i32 to vector<16xi32>
    %add3A_938 = arith.addi %shift_left3A_117, %add3A_937 : vector<16xi32>
    %gather3A_939 = tpu.vector_load_idx %arg8[%add3A_938] : memref<4096xf32, #tpu.memory_space<vmem>>[vector<16xi32>], vector<16xf32>,
    %add3A_940 = arith.addf %broadcast_in_dim3A_3, %gather3A_939 : vector<16xf32>
    %add3A_941 = arith.constant 2561 : i32
    %add3A_942 = vector.broadcast %add3A_941 : i32 to vector<16xi32>
    %add3A_943 = arith.addi %shift_left3A_117, %add3A_942 : vector<16xi32>
    %gather3A_944 = tpu.vector_load_idx %arg8[%add3A_943] : memref<4096xf32, #tpu.memory_space<vmem>>[vector<16xi32>], vector<16xf32>,
    %add3A_945 = arith.addf %add3A_940, %gather3A_944 : vector<16xf32>
    %add3A_946 = arith.constant 2562 : i32
    %add3A_947 = vector.broadcast %add3A_946 : i32 to vector<16xi32>
    %add3A_948 = arith.addi %shift_left3A_117, %add3A_947 : vector<16xi32>
    %gather3A_949 = tpu.vector_load_idx %arg8[%add3A_948] : memref<4096xf32, #tpu.memory_space<vmem>>[vector<16xi32>], vector<16xf32>,
    %add3A_950 = arith.addf %add3A_945, %gather3A_949 : vector<16xf32>
    %add3A_951 = arith.constant 2563 : i32
    %add3A_952 = vector.broadcast %add3A_951 : i32 to vector<16xi32>
    %add3A_953 = arith.addi %shift_left3A_117, %add3A_952 : vector<16xi32>
    %gather3A_954 = tpu.vector_load_idx %arg8[%add3A_953] : memref<4096xf32, #tpu.memory_space<vmem>>[vector<16xi32>], vector<16xf32>,
    %add3A_955 = arith.addf %add3A_950, %gather3A_954 : vector<16xf32>
    %add3A_956 = arith.constant 2564 : i32
    %add3A_957 = vector.broadcast %add3A_956 : i32 to vector<16xi32>
    %add3A_958 = arith.addi %shift_left3A_117, %add3A_957 : vector<16xi32>
    %gather3A_959 = tpu.vector_load_idx %arg8[%add3A_958] : memref<4096xf32, #tpu.memory_space<vmem>>[vector<16xi32>], vector<16xf32>,
    %add3A_960 = arith.addf %add3A_955, %gather3A_959 : vector<16xf32>
    %add3A_961 = arith.constant 2565 : i32
    %add3A_962 = vector.broadcast %add3A_961 : i32 to vector<16xi32>
    %add3A_963 = arith.addi %shift_left3A_117, %add3A_962 : vector<16xi32>
    %gather3A_964 = tpu.vector_load_idx %arg8[%add3A_963] : memref<4096xf32, #tpu.memory_space<vmem>>[vector<16xi32>], vector<16xf32>,
    %add3A_965 = arith.addf %add3A_960, %gather3A_964 : vector<16xf32>
    %add3A_966 = arith.constant 2566 : i32
    %add3A_967 = vector.broadcast %add3A_966 : i32 to vector<16xi32>
    %add3A_968 = arith.addi %shift_left3A_117, %add3A_967 : vector<16xi32>
    %gather3A_969 = tpu.vector_load_idx %arg8[%add3A_968] : memref<4096xf32, #tpu.memory_space<vmem>>[vector<16xi32>], vector<16xf32>,
    %add3A_970 = arith.addf %add3A_965, %gather3A_969 : vector<16xf32>
    %add3A_971 = arith.constant 2567 : i32
    %add3A_972 = vector.broadcast %add3A_971 : i32 to vector<16xi32>
    %add3A_973 = arith.addi %shift_left3A_117, %add3A_972 : vector<16xi32>
    %gather3A_974 = tpu.vector_load_idx %arg8[%add3A_973] : memref<4096xf32, #tpu.memory_space<vmem>>[vector<16xi32>], vector<16xf32>,
    %add3A_975 = arith.addf %add3A_970, %gather3A_974 : vector<16xf32>
    %add3A_976 = arith.constant 2568 : i32
    %add3A_977 = vector.broadcast %add3A_976 : i32 to vector<16xi32>
    %add3A_978 = arith.addi %shift_left3A_117, %add3A_977 : vector<16xi32>
    %gather3A_979 = tpu.vector_load_idx %arg8[%add3A_978] : memref<4096xf32, #tpu.memory_space<vmem>>[vector<16xi32>], vector<16xf32>,
    %add3A_980 = arith.addf %add3A_975, %gather3A_979 : vector<16xf32>
    %add3A_981 = arith.constant 2569 : i32
    %add3A_982 = vector.broadcast %add3A_981 : i32 to vector<16xi32>
    %add3A_983 = arith.addi %shift_left3A_117, %add3A_982 : vector<16xi32>
    %gather3A_984 = tpu.vector_load_idx %arg8[%add3A_983] : memref<4096xf32, #tpu.memory_space<vmem>>[vector<16xi32>], vector<16xf32>,
    %add3A_985 = arith.addf %add3A_980, %gather3A_984 : vector<16xf32>
    %add3A_986 = arith.constant 2570 : i32
    %add3A_987 = vector.broadcast %add3A_986 : i32 to vector<16xi32>
    %add3A_988 = arith.addi %shift_left3A_117, %add3A_987 : vector<16xi32>
    %gather3A_989 = tpu.vector_load_idx %arg8[%add3A_988] : memref<4096xf32, #tpu.memory_space<vmem>>[vector<16xi32>], vector<16xf32>,
    %add3A_990 = arith.addf %add3A_985, %gather3A_989 : vector<16xf32>
    %add3A_991 = arith.constant 2571 : i32
    %add3A_992 = vector.broadcast %add3A_991 : i32 to vector<16xi32>
    %add3A_993 = arith.addi %shift_left3A_117, %add3A_992 : vector<16xi32>
    %gather3A_994 = tpu.vector_load_idx %arg8[%add3A_993] : memref<4096xf32, #tpu.memory_space<vmem>>[vector<16xi32>], vector<16xf32>,
    %add3A_995 = arith.addf %add3A_990, %gather3A_994 : vector<16xf32>
    %add3A_996 = arith.constant 2572 : i32
    %add3A_997 = vector.broadcast %add3A_996 : i32 to vector<16xi32>
    %add3A_998 = arith.addi %shift_left3A_117, %add3A_997 : vector<16xi32>
    %gather3A_999 = tpu.vector_load_idx %arg8[%add3A_998] : memref<4096xf32, #tpu.memory_space<vmem>>[vector<16xi32>], vector<16xf32>,
    %add3A_1000 = arith.addf %add3A_995, %gather3A_999 : vector<16xf32>
    %add3A_1001 = arith.constant 2573 : i32
    %add3A_1002 = vector.broadcast %add3A_1001 : i32 to vector<16xi32>
    %add3A_1003 = arith.addi %shift_left3A_117, %add3A_1002 : vector<16xi32>
    %gather3A_1004 = tpu.vector_load_idx %arg8[%add3A_1003] : memref<4096xf32, #tpu.memory_space<vmem>>[vector<16xi32>], vector<16xf32>,
    %add3A_1005 = arith.addf %add3A_1000, %gather3A_1004 : vector<16xf32>
    %add3A_1006 = arith.constant 2574 : i32
    %add3A_1007 = vector.broadcast %add3A_1006 : i32 to vector<16xi32>
    %add3A_1008 = arith.addi %shift_left3A_117, %add3A_1007 : vector<16xi32>
    %gather3A_1009 = tpu.vector_load_idx %arg8[%add3A_1008] : memref<4096xf32, #tpu.memory_space<vmem>>[vector<16xi32>], vector<16xf32>,
    %add3A_1010 = arith.addf %add3A_1005, %gather3A_1009 : vector<16xf32>
    %add3A_1011 = arith.constant 2575 : i32
    %add3A_1012 = vector.broadcast %add3A_1011 : i32 to vector<16xi32>
    %add3A_1013 = arith.addi %shift_left3A_117, %add3A_1012 : vector<16xi32>
    %gather3A_1014 = tpu.vector_load_idx %arg8[%add3A_1013] : memref<4096xf32, #tpu.memory_space<vmem>>[vector<16xi32>], vector<16xf32>,
    %add3A_1015 = arith.addf %add3A_1010, %gather3A_1014 : vector<16xf32>
    %swap3A_1016 = arith.constant 160 : index
    %swap3A_1017 = tpu.vector_load %arg8[%swap3A_1016] {strides = array<i32>} : memref<4096xf32, #tpu.memory_space<vmem>>, vector<16xf32>,
    tpu.vector_store %arg8[%swap3A_1016], %add3A_1015 {strides = array<i32>} : memref<4096xf32, #tpu.memory_space<vmem>>, vector<16xf32>,
    %add3A_1018 = arith.constant 2816 : i32
    %add3A_1019 = vector.broadcast %add3A_1018 : i32 to vector<16xi32>
    %add3A_1020 = arith.addi %shift_left3A_117, %add3A_1019 : vector<16xi32>
    %gather3A_1021 = tpu.vector_load_idx %arg8[%add3A_1020] : memref<4096xf32, #tpu.memory_space<vmem>>[vector<16xi32>], vector<16xf32>,
    %add3A_1022 = arith.addf %broadcast_in_dim3A_3, %gather3A_1021 : vector<16xf32>
    %add3A_1023 = arith.constant 2817 : i32
    %add3A_1024 = vector.broadcast %add3A_1023 : i32 to vector<16xi32>
    %add3A_1025 = arith.addi %shift_left3A_117, %add3A_1024 : vector<16xi32>
    %gather3A_1026 = tpu.vector_load_idx %arg8[%add3A_1025] : memref<4096xf32, #tpu.memory_space<vmem>>[vector<16xi32>], vector<16xf32>,
    %add3A_1027 = arith.addf %add3A_1022, %gather3A_1026 : vector<16xf32>
    %add3A_1028 = arith.constant 2818 : i32
    %add3A_1029 = vector.broadcast %add3A_1028 : i32 to vector<16xi32>
    %add3A_1030 = arith.addi %shift_left3A_117, %add3A_1029 : vector<16xi32>
    %gather3A_1031 = tpu.vector_load_idx %arg8[%add3A_1030] : memref<4096xf32, #tpu.memory_space<vmem>>[vector<16xi32>], vector<16xf32>,
    %add3A_1032 = arith.addf %add3A_1027, %gather3A_1031 : vector<16xf32>
    %add3A_1033 = arith.constant 2819 : i32
    %add3A_1034 = vector.broadcast %add3A_1033 : i32 to vector<16xi32>
    %add3A_1035 = arith.addi %shift_left3A_117, %add3A_1034 : vector<16xi32>
    %gather3A_1036 = tpu.vector_load_idx %arg8[%add3A_1035] : memref<4096xf32, #tpu.memory_space<vmem>>[vector<16xi32>], vector<16xf32>,
    %add3A_1037 = arith.addf %add3A_1032, %gather3A_1036 : vector<16xf32>
    %add3A_1038 = arith.constant 2820 : i32
    %add3A_1039 = vector.broadcast %add3A_1038 : i32 to vector<16xi32>
    %add3A_1040 = arith.addi %shift_left3A_117, %add3A_1039 : vector<16xi32>
    %gather3A_1041 = tpu.vector_load_idx %arg8[%add3A_1040] : memref<4096xf32, #tpu.memory_space<vmem>>[vector<16xi32>], vector<16xf32>,
    %add3A_1042 = arith.addf %add3A_1037, %gather3A_1041 : vector<16xf32>
    %add3A_1043 = arith.constant 2821 : i32
    %add3A_1044 = vector.broadcast %add3A_1043 : i32 to vector<16xi32>
    %add3A_1045 = arith.addi %shift_left3A_117, %add3A_1044 : vector<16xi32>
    %gather3A_1046 = tpu.vector_load_idx %arg8[%add3A_1045] : memref<4096xf32, #tpu.memory_space<vmem>>[vector<16xi32>], vector<16xf32>,
    %add3A_1047 = arith.addf %add3A_1042, %gather3A_1046 : vector<16xf32>
    %add3A_1048 = arith.constant 2822 : i32
    %add3A_1049 = vector.broadcast %add3A_1048 : i32 to vector<16xi32>
    %add3A_1050 = arith.addi %shift_left3A_117, %add3A_1049 : vector<16xi32>
    %gather3A_1051 = tpu.vector_load_idx %arg8[%add3A_1050] : memref<4096xf32, #tpu.memory_space<vmem>>[vector<16xi32>], vector<16xf32>,
    %add3A_1052 = arith.addf %add3A_1047, %gather3A_1051 : vector<16xf32>
    %add3A_1053 = arith.constant 2823 : i32
    %add3A_1054 = vector.broadcast %add3A_1053 : i32 to vector<16xi32>
    %add3A_1055 = arith.addi %shift_left3A_117, %add3A_1054 : vector<16xi32>
    %gather3A_1056 = tpu.vector_load_idx %arg8[%add3A_1055] : memref<4096xf32, #tpu.memory_space<vmem>>[vector<16xi32>], vector<16xf32>,
    %add3A_1057 = arith.addf %add3A_1052, %gather3A_1056 : vector<16xf32>
    %add3A_1058 = arith.constant 2824 : i32
    %add3A_1059 = vector.broadcast %add3A_1058 : i32 to vector<16xi32>
    %add3A_1060 = arith.addi %shift_left3A_117, %add3A_1059 : vector<16xi32>
    %gather3A_1061 = tpu.vector_load_idx %arg8[%add3A_1060] : memref<4096xf32, #tpu.memory_space<vmem>>[vector<16xi32>], vector<16xf32>,
    %add3A_1062 = arith.addf %add3A_1057, %gather3A_1061 : vector<16xf32>
    %add3A_1063 = arith.constant 2825 : i32
    %add3A_1064 = vector.broadcast %add3A_1063 : i32 to vector<16xi32>
    %add3A_1065 = arith.addi %shift_left3A_117, %add3A_1064 : vector<16xi32>
    %gather3A_1066 = tpu.vector_load_idx %arg8[%add3A_1065] : memref<4096xf32, #tpu.memory_space<vmem>>[vector<16xi32>], vector<16xf32>,
    %add3A_1067 = arith.addf %add3A_1062, %gather3A_1066 : vector<16xf32>
    %add3A_1068 = arith.constant 2826 : i32
    %add3A_1069 = vector.broadcast %add3A_1068 : i32 to vector<16xi32>
    %add3A_1070 = arith.addi %shift_left3A_117, %add3A_1069 : vector<16xi32>
    %gather3A_1071 = tpu.vector_load_idx %arg8[%add3A_1070] : memref<4096xf32, #tpu.memory_space<vmem>>[vector<16xi32>], vector<16xf32>,
    %add3A_1072 = arith.addf %add3A_1067, %gather3A_1071 : vector<16xf32>
    %add3A_1073 = arith.constant 2827 : i32
    %add3A_1074 = vector.broadcast %add3A_1073 : i32 to vector<16xi32>
    %add3A_1075 = arith.addi %shift_left3A_117, %add3A_1074 : vector<16xi32>
    %gather3A_1076 = tpu.vector_load_idx %arg8[%add3A_1075] : memref<4096xf32, #tpu.memory_space<vmem>>[vector<16xi32>], vector<16xf32>,
    %add3A_1077 = arith.addf %add3A_1072, %gather3A_1076 : vector<16xf32>
    %add3A_1078 = arith.constant 2828 : i32
    %add3A_1079 = vector.broadcast %add3A_1078 : i32 to vector<16xi32>
    %add3A_1080 = arith.addi %shift_left3A_117, %add3A_1079 : vector<16xi32>
    %gather3A_1081 = tpu.vector_load_idx %arg8[%add3A_1080] : memref<4096xf32, #tpu.memory_space<vmem>>[vector<16xi32>], vector<16xf32>,
    %add3A_1082 = arith.addf %add3A_1077, %gather3A_1081 : vector<16xf32>
    %add3A_1083 = arith.constant 2829 : i32
    %add3A_1084 = vector.broadcast %add3A_1083 : i32 to vector<16xi32>
    %add3A_1085 = arith.addi %shift_left3A_117, %add3A_1084 : vector<16xi32>
    %gather3A_1086 = tpu.vector_load_idx %arg8[%add3A_1085] : memref<4096xf32, #tpu.memory_space<vmem>>[vector<16xi32>], vector<16xf32>,
    %add3A_1087 = arith.addf %add3A_1082, %gather3A_1086 : vector<16xf32>
    %add3A_1088 = arith.constant 2830 : i32
    %add3A_1089 = vector.broadcast %add3A_1088 : i32 to vector<16xi32>
    %add3A_1090 = arith.addi %shift_left3A_117, %add3A_1089 : vector<16xi32>
    %gather3A_1091 = tpu.vector_load_idx %arg8[%add3A_1090] : memref<4096xf32, #tpu.memory_space<vmem>>[vector<16xi32>], vector<16xf32>,
    %add3A_1092 = arith.addf %add3A_1087, %gather3A_1091 : vector<16xf32>
    %add3A_1093 = arith.constant 2831 : i32
    %add3A_1094 = vector.broadcast %add3A_1093 : i32 to vector<16xi32>
    %add3A_1095 = arith.addi %shift_left3A_117, %add3A_1094 : vector<16xi32>
    %gather3A_1096 = tpu.vector_load_idx %arg8[%add3A_1095] : memref<4096xf32, #tpu.memory_space<vmem>>[vector<16xi32>], vector<16xf32>,
    %add3A_1097 = arith.addf %add3A_1092, %gather3A_1096 : vector<16xf32>
    %swap3A_1098 = arith.constant 176 : index
    %swap3A_1099 = tpu.vector_load %arg8[%swap3A_1098] {strides = array<i32>} : memref<4096xf32, #tpu.memory_space<vmem>>, vector<16xf32>,
    tpu.vector_store %arg8[%swap3A_1098], %add3A_1097 {strides = array<i32>} : memref<4096xf32, #tpu.memory_space<vmem>>, vector<16xf32>,
    %add3A_1100 = arith.constant 3072 : i32
    %add3A_1101 = vector.broadcast %add3A_1100 : i32 to vector<16xi32>
    %add3A_1102 = arith.addi %shift_left3A_117, %add3A_1101 : vector<16xi32>
    %gather3A_1103 = tpu.vector_load_idx %arg8[%add3A_1102] : memref<4096xf32, #tpu.memory_space<vmem>>[vector<16xi32>], vector<16xf32>,
    %add3A_1104 = arith.addf %broadcast_in_dim3A_3, %gather3A_1103 : vector<16xf32>
    %add3A_1105 = arith.constant 3073 : i32
    %add3A_1106 = vector.broadcast %add3A_1105 : i32 to vector<16xi32>
    %add3A_1107 = arith.addi %shift_left3A_117, %add3A_1106 : vector<16xi32>
    %gather3A_1108 = tpu.vector_load_idx %arg8[%add3A_1107] : memref<4096xf32, #tpu.memory_space<vmem>>[vector<16xi32>], vector<16xf32>,
    %add3A_1109 = arith.addf %add3A_1104, %gather3A_1108 : vector<16xf32>
    %add3A_1110 = arith.constant 3074 : i32
    %add3A_1111 = vector.broadcast %add3A_1110 : i32 to vector<16xi32>
    %add3A_1112 = arith.addi %shift_left3A_117, %add3A_1111 : vector<16xi32>
    %gather3A_1113 = tpu.vector_load_idx %arg8[%add3A_1112] : memref<4096xf32, #tpu.memory_space<vmem>>[vector<16xi32>], vector<16xf32>,
    %add3A_1114 = arith.addf %add3A_1109, %gather3A_1113 : vector<16xf32>
    %add3A_1115 = arith.constant 3075 : i32
    %add3A_1116 = vector.broadcast %add3A_1115 : i32 to vector<16xi32>
    %add3A_1117 = arith.addi %shift_left3A_117, %add3A_1116 : vector<16xi32>
    %gather3A_1118 = tpu.vector_load_idx %arg8[%add3A_1117] : memref<4096xf32, #tpu.memory_space<vmem>>[vector<16xi32>], vector<16xf32>,
    %add3A_1119 = arith.addf %add3A_1114, %gather3A_1118 : vector<16xf32>
    %add3A_1120 = arith.constant 3076 : i32
    %add3A_1121 = vector.broadcast %add3A_1120 : i32 to vector<16xi32>
    %add3A_1122 = arith.addi %shift_left3A_117, %add3A_1121 : vector<16xi32>
    %gather3A_1123 = tpu.vector_load_idx %arg8[%add3A_1122] : memref<4096xf32, #tpu.memory_space<vmem>>[vector<16xi32>], vector<16xf32>,
    %add3A_1124 = arith.addf %add3A_1119, %gather3A_1123 : vector<16xf32>
    %add3A_1125 = arith.constant 3077 : i32
    %add3A_1126 = vector.broadcast %add3A_1125 : i32 to vector<16xi32>
    %add3A_1127 = arith.addi %shift_left3A_117, %add3A_1126 : vector<16xi32>
    %gather3A_1128 = tpu.vector_load_idx %arg8[%add3A_1127] : memref<4096xf32, #tpu.memory_space<vmem>>[vector<16xi32>], vector<16xf32>,
    %add3A_1129 = arith.addf %add3A_1124, %gather3A_1128 : vector<16xf32>
    %add3A_1130 = arith.constant 3078 : i32
    %add3A_1131 = vector.broadcast %add3A_1130 : i32 to vector<16xi32>
    %add3A_1132 = arith.addi %shift_left3A_117, %add3A_1131 : vector<16xi32>
    %gather3A_1133 = tpu.vector_load_idx %arg8[%add3A_1132] : memref<4096xf32, #tpu.memory_space<vmem>>[vector<16xi32>], vector<16xf32>,
    %add3A_1134 = arith.addf %add3A_1129, %gather3A_1133 : vector<16xf32>
    %add3A_1135 = arith.constant 3079 : i32
    %add3A_1136 = vector.broadcast %add3A_1135 : i32 to vector<16xi32>
    %add3A_1137 = arith.addi %shift_left3A_117, %add3A_1136 : vector<16xi32>
    %gather3A_1138 = tpu.vector_load_idx %arg8[%add3A_1137] : memref<4096xf32, #tpu.memory_space<vmem>>[vector<16xi32>], vector<16xf32>,
    %add3A_1139 = arith.addf %add3A_1134, %gather3A_1138 : vector<16xf32>
    %add3A_1140 = arith.constant 3080 : i32
    %add3A_1141 = vector.broadcast %add3A_1140 : i32 to vector<16xi32>
    %add3A_1142 = arith.addi %shift_left3A_117, %add3A_1141 : vector<16xi32>
    %gather3A_1143 = tpu.vector_load_idx %arg8[%add3A_1142] : memref<4096xf32, #tpu.memory_space<vmem>>[vector<16xi32>], vector<16xf32>,
    %add3A_1144 = arith.addf %add3A_1139, %gather3A_1143 : vector<16xf32>
    %add3A_1145 = arith.constant 3081 : i32
    %add3A_1146 = vector.broadcast %add3A_1145 : i32 to vector<16xi32>
    %add3A_1147 = arith.addi %shift_left3A_117, %add3A_1146 : vector<16xi32>
    %gather3A_1148 = tpu.vector_load_idx %arg8[%add3A_1147] : memref<4096xf32, #tpu.memory_space<vmem>>[vector<16xi32>], vector<16xf32>,
    %add3A_1149 = arith.addf %add3A_1144, %gather3A_1148 : vector<16xf32>
    %add3A_1150 = arith.constant 3082 : i32
    %add3A_1151 = vector.broadcast %add3A_1150 : i32 to vector<16xi32>
    %add3A_1152 = arith.addi %shift_left3A_117, %add3A_1151 : vector<16xi32>
    %gather3A_1153 = tpu.vector_load_idx %arg8[%add3A_1152] : memref<4096xf32, #tpu.memory_space<vmem>>[vector<16xi32>], vector<16xf32>,
    %add3A_1154 = arith.addf %add3A_1149, %gather3A_1153 : vector<16xf32>
    %add3A_1155 = arith.constant 3083 : i32
    %add3A_1156 = vector.broadcast %add3A_1155 : i32 to vector<16xi32>
    %add3A_1157 = arith.addi %shift_left3A_117, %add3A_1156 : vector<16xi32>
    %gather3A_1158 = tpu.vector_load_idx %arg8[%add3A_1157] : memref<4096xf32, #tpu.memory_space<vmem>>[vector<16xi32>], vector<16xf32>,
    %add3A_1159 = arith.addf %add3A_1154, %gather3A_1158 : vector<16xf32>
    %add3A_1160 = arith.constant 3084 : i32
    %add3A_1161 = vector.broadcast %add3A_1160 : i32 to vector<16xi32>
    %add3A_1162 = arith.addi %shift_left3A_117, %add3A_1161 : vector<16xi32>
    %gather3A_1163 = tpu.vector_load_idx %arg8[%add3A_1162] : memref<4096xf32, #tpu.memory_space<vmem>>[vector<16xi32>], vector<16xf32>,
    %add3A_1164 = arith.addf %add3A_1159, %gather3A_1163 : vector<16xf32>
    %add3A_1165 = arith.constant 3085 : i32
    %add3A_1166 = vector.broadcast %add3A_1165 : i32 to vector<16xi32>
    %add3A_1167 = arith.addi %shift_left3A_117, %add3A_1166 : vector<16xi32>
    %gather3A_1168 = tpu.vector_load_idx %arg8[%add3A_1167] : memref<4096xf32, #tpu.memory_space<vmem>>[vector<16xi32>], vector<16xf32>,
    %add3A_1169 = arith.addf %add3A_1164, %gather3A_1168 : vector<16xf32>
    %add3A_1170 = arith.constant 3086 : i32
    %add3A_1171 = vector.broadcast %add3A_1170 : i32 to vector<16xi32>
    %add3A_1172 = arith.addi %shift_left3A_117, %add3A_1171 : vector<16xi32>
    %gather3A_1173 = tpu.vector_load_idx %arg8[%add3A_1172] : memref<4096xf32, #tpu.memory_space<vmem>>[vector<16xi32>], vector<16xf32>,
    %add3A_1174 = arith.addf %add3A_1169, %gather3A_1173 : vector<16xf32>
    %add3A_1175 = arith.constant 3087 : i32
    %add3A_1176 = vector.broadcast %add3A_1175 : i32 to vector<16xi32>
    %add3A_1177 = arith.addi %shift_left3A_117, %add3A_1176 : vector<16xi32>
    %gather3A_1178 = tpu.vector_load_idx %arg8[%add3A_1177] : memref<4096xf32, #tpu.memory_space<vmem>>[vector<16xi32>], vector<16xf32>,
    %add3A_1179 = arith.addf %add3A_1174, %gather3A_1178 : vector<16xf32>
    %swap3A_1180 = arith.constant 192 : index
    %swap3A_1181 = tpu.vector_load %arg8[%swap3A_1180] {strides = array<i32>} : memref<4096xf32, #tpu.memory_space<vmem>>, vector<16xf32>,
    tpu.vector_store %arg8[%swap3A_1180], %add3A_1179 {strides = array<i32>} : memref<4096xf32, #tpu.memory_space<vmem>>, vector<16xf32>,
    %add3A_1182 = arith.constant 3328 : i32
    %add3A_1183 = vector.broadcast %add3A_1182 : i32 to vector<16xi32>
    %add3A_1184 = arith.addi %shift_left3A_117, %add3A_1183 : vector<16xi32>
    %gather3A_1185 = tpu.vector_load_idx %arg8[%add3A_1184] : memref<4096xf32, #tpu.memory_space<vmem>>[vector<16xi32>], vector<16xf32>,
    %add3A_1186 = arith.addf %broadcast_in_dim3A_3, %gather3A_1185 : vector<16xf32>
    %add3A_1187 = arith.constant 3329 : i32
    %add3A_1188 = vector.broadcast %add3A_1187 : i32 to vector<16xi32>
    %add3A_1189 = arith.addi %shift_left3A_117, %add3A_1188 : vector<16xi32>
    %gather3A_1190 = tpu.vector_load_idx %arg8[%add3A_1189] : memref<4096xf32, #tpu.memory_space<vmem>>[vector<16xi32>], vector<16xf32>,
    %add3A_1191 = arith.addf %add3A_1186, %gather3A_1190 : vector<16xf32>
    %add3A_1192 = arith.constant 3330 : i32
    %add3A_1193 = vector.broadcast %add3A_1192 : i32 to vector<16xi32>
    %add3A_1194 = arith.addi %shift_left3A_117, %add3A_1193 : vector<16xi32>
    %gather3A_1195 = tpu.vector_load_idx %arg8[%add3A_1194] : memref<4096xf32, #tpu.memory_space<vmem>>[vector<16xi32>], vector<16xf32>,
    %add3A_1196 = arith.addf %add3A_1191, %gather3A_1195 : vector<16xf32>
    %add3A_1197 = arith.constant 3331 : i32
    %add3A_1198 = vector.broadcast %add3A_1197 : i32 to vector<16xi32>
    %add3A_1199 = arith.addi %shift_left3A_117, %add3A_1198 : vector<16xi32>
    %gather3A_1200 = tpu.vector_load_idx %arg8[%add3A_1199] : memref<4096xf32, #tpu.memory_space<vmem>>[vector<16xi32>], vector<16xf32>,
    %add3A_1201 = arith.addf %add3A_1196, %gather3A_1200 : vector<16xf32>
    %add3A_1202 = arith.constant 3332 : i32
    %add3A_1203 = vector.broadcast %add3A_1202 : i32 to vector<16xi32>
    %add3A_1204 = arith.addi %shift_left3A_117, %add3A_1203 : vector<16xi32>
    %gather3A_1205 = tpu.vector_load_idx %arg8[%add3A_1204] : memref<4096xf32, #tpu.memory_space<vmem>>[vector<16xi32>], vector<16xf32>,
    %add3A_1206 = arith.addf %add3A_1201, %gather3A_1205 : vector<16xf32>
    %add3A_1207 = arith.constant 3333 : i32
    %add3A_1208 = vector.broadcast %add3A_1207 : i32 to vector<16xi32>
    %add3A_1209 = arith.addi %shift_left3A_117, %add3A_1208 : vector<16xi32>
    %gather3A_1210 = tpu.vector_load_idx %arg8[%add3A_1209] : memref<4096xf32, #tpu.memory_space<vmem>>[vector<16xi32>], vector<16xf32>,
    %add3A_1211 = arith.addf %add3A_1206, %gather3A_1210 : vector<16xf32>
    %add3A_1212 = arith.constant 3334 : i32
    %add3A_1213 = vector.broadcast %add3A_1212 : i32 to vector<16xi32>
    %add3A_1214 = arith.addi %shift_left3A_117, %add3A_1213 : vector<16xi32>
    %gather3A_1215 = tpu.vector_load_idx %arg8[%add3A_1214] : memref<4096xf32, #tpu.memory_space<vmem>>[vector<16xi32>], vector<16xf32>,
    %add3A_1216 = arith.addf %add3A_1211, %gather3A_1215 : vector<16xf32>
    %add3A_1217 = arith.constant 3335 : i32
    %add3A_1218 = vector.broadcast %add3A_1217 : i32 to vector<16xi32>
    %add3A_1219 = arith.addi %shift_left3A_117, %add3A_1218 : vector<16xi32>
    %gather3A_1220 = tpu.vector_load_idx %arg8[%add3A_1219] : memref<4096xf32, #tpu.memory_space<vmem>>[vector<16xi32>], vector<16xf32>,
    %add3A_1221 = arith.addf %add3A_1216, %gather3A_1220 : vector<16xf32>
    %add3A_1222 = arith.constant 3336 : i32
    %add3A_1223 = vector.broadcast %add3A_1222 : i32 to vector<16xi32>
    %add3A_1224 = arith.addi %shift_left3A_117, %add3A_1223 : vector<16xi32>
    %gather3A_1225 = tpu.vector_load_idx %arg8[%add3A_1224] : memref<4096xf32, #tpu.memory_space<vmem>>[vector<16xi32>], vector<16xf32>,
    %add3A_1226 = arith.addf %add3A_1221, %gather3A_1225 : vector<16xf32>
    %add3A_1227 = arith.constant 3337 : i32
    %add3A_1228 = vector.broadcast %add3A_1227 : i32 to vector<16xi32>
    %add3A_1229 = arith.addi %shift_left3A_117, %add3A_1228 : vector<16xi32>
    %gather3A_1230 = tpu.vector_load_idx %arg8[%add3A_1229] : memref<4096xf32, #tpu.memory_space<vmem>>[vector<16xi32>], vector<16xf32>,
    %add3A_1231 = arith.addf %add3A_1226, %gather3A_1230 : vector<16xf32>
    %add3A_1232 = arith.constant 3338 : i32
    %add3A_1233 = vector.broadcast %add3A_1232 : i32 to vector<16xi32>
    %add3A_1234 = arith.addi %shift_left3A_117, %add3A_1233 : vector<16xi32>
    %gather3A_1235 = tpu.vector_load_idx %arg8[%add3A_1234] : memref<4096xf32, #tpu.memory_space<vmem>>[vector<16xi32>], vector<16xf32>,
    %add3A_1236 = arith.addf %add3A_1231, %gather3A_1235 : vector<16xf32>
    %add3A_1237 = arith.constant 3339 : i32
    %add3A_1238 = vector.broadcast %add3A_1237 : i32 to vector<16xi32>
    %add3A_1239 = arith.addi %shift_left3A_117, %add3A_1238 : vector<16xi32>
    %gather3A_1240 = tpu.vector_load_idx %arg8[%add3A_1239] : memref<4096xf32, #tpu.memory_space<vmem>>[vector<16xi32>], vector<16xf32>,
    %add3A_1241 = arith.addf %add3A_1236, %gather3A_1240 : vector<16xf32>
    %add3A_1242 = arith.constant 3340 : i32
    %add3A_1243 = vector.broadcast %add3A_1242 : i32 to vector<16xi32>
    %add3A_1244 = arith.addi %shift_left3A_117, %add3A_1243 : vector<16xi32>
    %gather3A_1245 = tpu.vector_load_idx %arg8[%add3A_1244] : memref<4096xf32, #tpu.memory_space<vmem>>[vector<16xi32>], vector<16xf32>,
    %add3A_1246 = arith.addf %add3A_1241, %gather3A_1245 : vector<16xf32>
    %add3A_1247 = arith.constant 3341 : i32
    %add3A_1248 = vector.broadcast %add3A_1247 : i32 to vector<16xi32>
    %add3A_1249 = arith.addi %shift_left3A_117, %add3A_1248 : vector<16xi32>
    %gather3A_1250 = tpu.vector_load_idx %arg8[%add3A_1249] : memref<4096xf32, #tpu.memory_space<vmem>>[vector<16xi32>], vector<16xf32>,
    %add3A_1251 = arith.addf %add3A_1246, %gather3A_1250 : vector<16xf32>
    %add3A_1252 = arith.constant 3342 : i32
    %add3A_1253 = vector.broadcast %add3A_1252 : i32 to vector<16xi32>
    %add3A_1254 = arith.addi %shift_left3A_117, %add3A_1253 : vector<16xi32>
    %gather3A_1255 = tpu.vector_load_idx %arg8[%add3A_1254] : memref<4096xf32, #tpu.memory_space<vmem>>[vector<16xi32>], vector<16xf32>,
    %add3A_1256 = arith.addf %add3A_1251, %gather3A_1255 : vector<16xf32>
    %add3A_1257 = arith.constant 3343 : i32
    %add3A_1258 = vector.broadcast %add3A_1257 : i32 to vector<16xi32>
    %add3A_1259 = arith.addi %shift_left3A_117, %add3A_1258 : vector<16xi32>
    %gather3A_1260 = tpu.vector_load_idx %arg8[%add3A_1259] : memref<4096xf32, #tpu.memory_space<vmem>>[vector<16xi32>], vector<16xf32>,
    %add3A_1261 = arith.addf %add3A_1256, %gather3A_1260 : vector<16xf32>
    %swap3A_1262 = arith.constant 208 : index
    %swap3A_1263 = tpu.vector_load %arg8[%swap3A_1262] {strides = array<i32>} : memref<4096xf32, #tpu.memory_space<vmem>>, vector<16xf32>,
    tpu.vector_store %arg8[%swap3A_1262], %add3A_1261 {strides = array<i32>} : memref<4096xf32, #tpu.memory_space<vmem>>, vector<16xf32>,
    %add3A_1264 = arith.constant 3584 : i32
    %add3A_1265 = vector.broadcast %add3A_1264 : i32 to vector<16xi32>
    %add3A_1266 = arith.addi %shift_left3A_117, %add3A_1265 : vector<16xi32>
    %gather3A_1267 = tpu.vector_load_idx %arg8[%add3A_1266] : memref<4096xf32, #tpu.memory_space<vmem>>[vector<16xi32>], vector<16xf32>,
    %add3A_1268 = arith.addf %broadcast_in_dim3A_3, %gather3A_1267 : vector<16xf32>
    %add3A_1269 = arith.constant 3585 : i32
    %add3A_1270 = vector.broadcast %add3A_1269 : i32 to vector<16xi32>
    %add3A_1271 = arith.addi %shift_left3A_117, %add3A_1270 : vector<16xi32>
    %gather3A_1272 = tpu.vector_load_idx %arg8[%add3A_1271] : memref<4096xf32, #tpu.memory_space<vmem>>[vector<16xi32>], vector<16xf32>,
    %add3A_1273 = arith.addf %add3A_1268, %gather3A_1272 : vector<16xf32>
    %add3A_1274 = arith.constant 3586 : i32
    %add3A_1275 = vector.broadcast %add3A_1274 : i32 to vector<16xi32>
    %add3A_1276 = arith.addi %shift_left3A_117, %add3A_1275 : vector<16xi32>
    %gather3A_1277 = tpu.vector_load_idx %arg8[%add3A_1276] : memref<4096xf32, #tpu.memory_space<vmem>>[vector<16xi32>], vector<16xf32>,
    %add3A_1278 = arith.addf %add3A_1273, %gather3A_1277 : vector<16xf32>
    %add3A_1279 = arith.constant 3587 : i32
    %add3A_1280 = vector.broadcast %add3A_1279 : i32 to vector<16xi32>
    %add3A_1281 = arith.addi %shift_left3A_117, %add3A_1280 : vector<16xi32>
    %gather3A_1282 = tpu.vector_load_idx %arg8[%add3A_1281] : memref<4096xf32, #tpu.memory_space<vmem>>[vector<16xi32>], vector<16xf32>,
    %add3A_1283 = arith.addf %add3A_1278, %gather3A_1282 : vector<16xf32>
    %add3A_1284 = arith.constant 3588 : i32
    %add3A_1285 = vector.broadcast %add3A_1284 : i32 to vector<16xi32>
    %add3A_1286 = arith.addi %shift_left3A_117, %add3A_1285 : vector<16xi32>
    %gather3A_1287 = tpu.vector_load_idx %arg8[%add3A_1286] : memref<4096xf32, #tpu.memory_space<vmem>>[vector<16xi32>], vector<16xf32>,
    %add3A_1288 = arith.addf %add3A_1283, %gather3A_1287 : vector<16xf32>
    %add3A_1289 = arith.constant 3589 : i32
    %add3A_1290 = vector.broadcast %add3A_1289 : i32 to vector<16xi32>
    %add3A_1291 = arith.addi %shift_left3A_117, %add3A_1290 : vector<16xi32>
    %gather3A_1292 = tpu.vector_load_idx %arg8[%add3A_1291] : memref<4096xf32, #tpu.memory_space<vmem>>[vector<16xi32>], vector<16xf32>,
    %add3A_1293 = arith.addf %add3A_1288, %gather3A_1292 : vector<16xf32>
    %add3A_1294 = arith.constant 3590 : i32
    %add3A_1295 = vector.broadcast %add3A_1294 : i32 to vector<16xi32>
    %add3A_1296 = arith.addi %shift_left3A_117, %add3A_1295 : vector<16xi32>
    %gather3A_1297 = tpu.vector_load_idx %arg8[%add3A_1296] : memref<4096xf32, #tpu.memory_space<vmem>>[vector<16xi32>], vector<16xf32>,
    %add3A_1298 = arith.addf %add3A_1293, %gather3A_1297 : vector<16xf32>
    %add3A_1299 = arith.constant 3591 : i32
    %add3A_1300 = vector.broadcast %add3A_1299 : i32 to vector<16xi32>
    %add3A_1301 = arith.addi %shift_left3A_117, %add3A_1300 : vector<16xi32>
    %gather3A_1302 = tpu.vector_load_idx %arg8[%add3A_1301] : memref<4096xf32, #tpu.memory_space<vmem>>[vector<16xi32>], vector<16xf32>,
    %add3A_1303 = arith.addf %add3A_1298, %gather3A_1302 : vector<16xf32>
    %add3A_1304 = arith.constant 3592 : i32
    %add3A_1305 = vector.broadcast %add3A_1304 : i32 to vector<16xi32>
    %add3A_1306 = arith.addi %shift_left3A_117, %add3A_1305 : vector<16xi32>
    %gather3A_1307 = tpu.vector_load_idx %arg8[%add3A_1306] : memref<4096xf32, #tpu.memory_space<vmem>>[vector<16xi32>], vector<16xf32>,
    %add3A_1308 = arith.addf %add3A_1303, %gather3A_1307 : vector<16xf32>
    %add3A_1309 = arith.constant 3593 : i32
    %add3A_1310 = vector.broadcast %add3A_1309 : i32 to vector<16xi32>
    %add3A_1311 = arith.addi %shift_left3A_117, %add3A_1310 : vector<16xi32>
    %gather3A_1312 = tpu.vector_load_idx %arg8[%add3A_1311] : memref<4096xf32, #tpu.memory_space<vmem>>[vector<16xi32>], vector<16xf32>,
    %add3A_1313 = arith.addf %add3A_1308, %gather3A_1312 : vector<16xf32>
    %add3A_1314 = arith.constant 3594 : i32
    %add3A_1315 = vector.broadcast %add3A_1314 : i32 to vector<16xi32>
    %add3A_1316 = arith.addi %shift_left3A_117, %add3A_1315 : vector<16xi32>
    %gather3A_1317 = tpu.vector_load_idx %arg8[%add3A_1316] : memref<4096xf32, #tpu.memory_space<vmem>>[vector<16xi32>], vector<16xf32>,
    %add3A_1318 = arith.addf %add3A_1313, %gather3A_1317 : vector<16xf32>
    %add3A_1319 = arith.constant 3595 : i32
    %add3A_1320 = vector.broadcast %add3A_1319 : i32 to vector<16xi32>
    %add3A_1321 = arith.addi %shift_left3A_117, %add3A_1320 : vector<16xi32>
    %gather3A_1322 = tpu.vector_load_idx %arg8[%add3A_1321] : memref<4096xf32, #tpu.memory_space<vmem>>[vector<16xi32>], vector<16xf32>,
    %add3A_1323 = arith.addf %add3A_1318, %gather3A_1322 : vector<16xf32>
    %add3A_1324 = arith.constant 3596 : i32
    %add3A_1325 = vector.broadcast %add3A_1324 : i32 to vector<16xi32>
    %add3A_1326 = arith.addi %shift_left3A_117, %add3A_1325 : vector<16xi32>
    %gather3A_1327 = tpu.vector_load_idx %arg8[%add3A_1326] : memref<4096xf32, #tpu.memory_space<vmem>>[vector<16xi32>], vector<16xf32>,
    %add3A_1328 = arith.addf %add3A_1323, %gather3A_1327 : vector<16xf32>
    %add3A_1329 = arith.constant 3597 : i32
    %add3A_1330 = vector.broadcast %add3A_1329 : i32 to vector<16xi32>
    %add3A_1331 = arith.addi %shift_left3A_117, %add3A_1330 : vector<16xi32>
    %gather3A_1332 = tpu.vector_load_idx %arg8[%add3A_1331] : memref<4096xf32, #tpu.memory_space<vmem>>[vector<16xi32>], vector<16xf32>,
    %add3A_1333 = arith.addf %add3A_1328, %gather3A_1332 : vector<16xf32>
    %add3A_1334 = arith.constant 3598 : i32
    %add3A_1335 = vector.broadcast %add3A_1334 : i32 to vector<16xi32>
    %add3A_1336 = arith.addi %shift_left3A_117, %add3A_1335 : vector<16xi32>
    %gather3A_1337 = tpu.vector_load_idx %arg8[%add3A_1336] : memref<4096xf32, #tpu.memory_space<vmem>>[vector<16xi32>], vector<16xf32>,
    %add3A_1338 = arith.addf %add3A_1333, %gather3A_1337 : vector<16xf32>
    %add3A_1339 = arith.constant 3599 : i32
    %add3A_1340 = vector.broadcast %add3A_1339 : i32 to vector<16xi32>
    %add3A_1341 = arith.addi %shift_left3A_117, %add3A_1340 : vector<16xi32>
    %gather3A_1342 = tpu.vector_load_idx %arg8[%add3A_1341] : memref<4096xf32, #tpu.memory_space<vmem>>[vector<16xi32>], vector<16xf32>,
    %add3A_1343 = arith.addf %add3A_1338, %gather3A_1342 : vector<16xf32>
    %swap3A_1344 = arith.constant 224 : index
    %swap3A_1345 = tpu.vector_load %arg8[%swap3A_1344] {strides = array<i32>} : memref<4096xf32, #tpu.memory_space<vmem>>, vector<16xf32>,
    tpu.vector_store %arg8[%swap3A_1344], %add3A_1343 {strides = array<i32>} : memref<4096xf32, #tpu.memory_space<vmem>>, vector<16xf32>,
    %add3A_1346 = arith.constant 3840 : i32
    %add3A_1347 = vector.broadcast %add3A_1346 : i32 to vector<16xi32>
    %add3A_1348 = arith.addi %shift_left3A_117, %add3A_1347 : vector<16xi32>
    %gather3A_1349 = tpu.vector_load_idx %arg8[%add3A_1348] : memref<4096xf32, #tpu.memory_space<vmem>>[vector<16xi32>], vector<16xf32>,
    %add3A_1350 = arith.addf %broadcast_in_dim3A_3, %gather3A_1349 : vector<16xf32>
    %add3A_1351 = arith.constant 3841 : i32
    %add3A_1352 = vector.broadcast %add3A_1351 : i32 to vector<16xi32>
    %add3A_1353 = arith.addi %shift_left3A_117, %add3A_1352 : vector<16xi32>
    %gather3A_1354 = tpu.vector_load_idx %arg8[%add3A_1353] : memref<4096xf32, #tpu.memory_space<vmem>>[vector<16xi32>], vector<16xf32>,
    %add3A_1355 = arith.addf %add3A_1350, %gather3A_1354 : vector<16xf32>
    %add3A_1356 = arith.constant 3842 : i32
    %add3A_1357 = vector.broadcast %add3A_1356 : i32 to vector<16xi32>
    %add3A_1358 = arith.addi %shift_left3A_117, %add3A_1357 : vector<16xi32>
    %gather3A_1359 = tpu.vector_load_idx %arg8[%add3A_1358] : memref<4096xf32, #tpu.memory_space<vmem>>[vector<16xi32>], vector<16xf32>,
    %add3A_1360 = arith.addf %add3A_1355, %gather3A_1359 : vector<16xf32>
    %add3A_1361 = arith.constant 3843 : i32
    %add3A_1362 = vector.broadcast %add3A_1361 : i32 to vector<16xi32>
    %add3A_1363 = arith.addi %shift_left3A_117, %add3A_1362 : vector<16xi32>
    %gather3A_1364 = tpu.vector_load_idx %arg8[%add3A_1363] : memref<4096xf32, #tpu.memory_space<vmem>>[vector<16xi32>], vector<16xf32>,
    %add3A_1365 = arith.addf %add3A_1360, %gather3A_1364 : vector<16xf32>
    %add3A_1366 = arith.constant 3844 : i32
    %add3A_1367 = vector.broadcast %add3A_1366 : i32 to vector<16xi32>
    %add3A_1368 = arith.addi %shift_left3A_117, %add3A_1367 : vector<16xi32>
    %gather3A_1369 = tpu.vector_load_idx %arg8[%add3A_1368] : memref<4096xf32, #tpu.memory_space<vmem>>[vector<16xi32>], vector<16xf32>,
    %add3A_1370 = arith.addf %add3A_1365, %gather3A_1369 : vector<16xf32>
    %add3A_1371 = arith.constant 3845 : i32
    %add3A_1372 = vector.broadcast %add3A_1371 : i32 to vector<16xi32>
    %add3A_1373 = arith.addi %shift_left3A_117, %add3A_1372 : vector<16xi32>
    %gather3A_1374 = tpu.vector_load_idx %arg8[%add3A_1373] : memref<4096xf32, #tpu.memory_space<vmem>>[vector<16xi32>], vector<16xf32>,
    %add3A_1375 = arith.addf %add3A_1370, %gather3A_1374 : vector<16xf32>
    %add3A_1376 = arith.constant 3846 : i32
    %add3A_1377 = vector.broadcast %add3A_1376 : i32 to vector<16xi32>
    %add3A_1378 = arith.addi %shift_left3A_117, %add3A_1377 : vector<16xi32>
    %gather3A_1379 = tpu.vector_load_idx %arg8[%add3A_1378] : memref<4096xf32, #tpu.memory_space<vmem>>[vector<16xi32>], vector<16xf32>,
    %add3A_1380 = arith.addf %add3A_1375, %gather3A_1379 : vector<16xf32>
    %add3A_1381 = arith.constant 3847 : i32
    %add3A_1382 = vector.broadcast %add3A_1381 : i32 to vector<16xi32>
    %add3A_1383 = arith.addi %shift_left3A_117, %add3A_1382 : vector<16xi32>
    %gather3A_1384 = tpu.vector_load_idx %arg8[%add3A_1383] : memref<4096xf32, #tpu.memory_space<vmem>>[vector<16xi32>], vector<16xf32>,
    %add3A_1385 = arith.addf %add3A_1380, %gather3A_1384 : vector<16xf32>
    %add3A_1386 = arith.constant 3848 : i32
    %add3A_1387 = vector.broadcast %add3A_1386 : i32 to vector<16xi32>
    %add3A_1388 = arith.addi %shift_left3A_117, %add3A_1387 : vector<16xi32>
    %gather3A_1389 = tpu.vector_load_idx %arg8[%add3A_1388] : memref<4096xf32, #tpu.memory_space<vmem>>[vector<16xi32>], vector<16xf32>,
    %add3A_1390 = arith.addf %add3A_1385, %gather3A_1389 : vector<16xf32>
    %add3A_1391 = arith.constant 3849 : i32
    %add3A_1392 = vector.broadcast %add3A_1391 : i32 to vector<16xi32>
    %add3A_1393 = arith.addi %shift_left3A_117, %add3A_1392 : vector<16xi32>
    %gather3A_1394 = tpu.vector_load_idx %arg8[%add3A_1393] : memref<4096xf32, #tpu.memory_space<vmem>>[vector<16xi32>], vector<16xf32>,
    %add3A_1395 = arith.addf %add3A_1390, %gather3A_1394 : vector<16xf32>
    %add3A_1396 = arith.constant 3850 : i32
    %add3A_1397 = vector.broadcast %add3A_1396 : i32 to vector<16xi32>
    %add3A_1398 = arith.addi %shift_left3A_117, %add3A_1397 : vector<16xi32>
    %gather3A_1399 = tpu.vector_load_idx %arg8[%add3A_1398] : memref<4096xf32, #tpu.memory_space<vmem>>[vector<16xi32>], vector<16xf32>,
    %add3A_1400 = arith.addf %add3A_1395, %gather3A_1399 : vector<16xf32>
    %add3A_1401 = arith.constant 3851 : i32
    %add3A_1402 = vector.broadcast %add3A_1401 : i32 to vector<16xi32>
    %add3A_1403 = arith.addi %shift_left3A_117, %add3A_1402 : vector<16xi32>
    %gather3A_1404 = tpu.vector_load_idx %arg8[%add3A_1403] : memref<4096xf32, #tpu.memory_space<vmem>>[vector<16xi32>], vector<16xf32>,
    %add3A_1405 = arith.addf %add3A_1400, %gather3A_1404 : vector<16xf32>
    %add3A_1406 = arith.constant 3852 : i32
    %add3A_1407 = vector.broadcast %add3A_1406 : i32 to vector<16xi32>
    %add3A_1408 = arith.addi %shift_left3A_117, %add3A_1407 : vector<16xi32>
    %gather3A_1409 = tpu.vector_load_idx %arg8[%add3A_1408] : memref<4096xf32, #tpu.memory_space<vmem>>[vector<16xi32>], vector<16xf32>,
    %add3A_1410 = arith.addf %add3A_1405, %gather3A_1409 : vector<16xf32>
    %add3A_1411 = arith.constant 3853 : i32
    %add3A_1412 = vector.broadcast %add3A_1411 : i32 to vector<16xi32>
    %add3A_1413 = arith.addi %shift_left3A_117, %add3A_1412 : vector<16xi32>
    %gather3A_1414 = tpu.vector_load_idx %arg8[%add3A_1413] : memref<4096xf32, #tpu.memory_space<vmem>>[vector<16xi32>], vector<16xf32>,
    %add3A_1415 = arith.addf %add3A_1410, %gather3A_1414 : vector<16xf32>
    %add3A_1416 = arith.constant 3854 : i32
    %add3A_1417 = vector.broadcast %add3A_1416 : i32 to vector<16xi32>
    %add3A_1418 = arith.addi %shift_left3A_117, %add3A_1417 : vector<16xi32>
    %gather3A_1419 = tpu.vector_load_idx %arg8[%add3A_1418] : memref<4096xf32, #tpu.memory_space<vmem>>[vector<16xi32>], vector<16xf32>,
    %add3A_1420 = arith.addf %add3A_1415, %gather3A_1419 : vector<16xf32>
    %add3A_1421 = arith.constant 3855 : i32
    %add3A_1422 = vector.broadcast %add3A_1421 : i32 to vector<16xi32>
    %add3A_1423 = arith.addi %shift_left3A_117, %add3A_1422 : vector<16xi32>
    %gather3A_1424 = tpu.vector_load_idx %arg8[%add3A_1423] : memref<4096xf32, #tpu.memory_space<vmem>>[vector<16xi32>], vector<16xf32>,
    %add3A_1425 = arith.addf %add3A_1420, %gather3A_1424 : vector<16xf32>
    %swap3A_1426 = arith.constant 240 : index
    %swap3A_1427 = tpu.vector_load %arg8[%swap3A_1426] {strides = array<i32>} : memref<4096xf32, #tpu.memory_space<vmem>>, vector<16xf32>,
    tpu.vector_store %arg8[%swap3A_1426], %add3A_1425 {strides = array<i32>} : memref<4096xf32, #tpu.memory_space<vmem>>, vector<16xf32>,
    %mul3A_1428 = arith.constant 256 : i32
    %mul3A_1429 = arith.muli %add3A, %mul3A_1428 : i32
    "tpu.region"() ({
      %run_scoped3A = tpu.sem_alloc : memref<!tpu.dma_semaphore, #tpu.memory_space<semaphore_mem>>
      %dma_start3A_1430 = arith.constant 0 : i32
      %dma_start3A_1431 = tpu.memref_slice %arg8[%dma_start3A_1430] : memref<4096xf32, #tpu.memory_space<vmem>> -> memref<256xf32, #tpu.memory_space<vmem>>
      %dma_start3A_1432 = tpu.memref_slice %arg3[%mul3A_1429] : memref<8192xf32, #tpu.memory_space<hbm>> -> memref<256xf32, #tpu.memory_space<hbm>>
      %dma_start3A_1433 = tpu.memref_slice %arg3[%mul3A_1429] : memref<8192xf32, #tpu.memory_space<hbm>> -> memref<256xf32, #tpu.memory_space<hbm>>
      %dma_start3A_1434 = arith.constant 0 : i32
      %dma_start3A_1435 = tpu.memref_slice %arg8[%dma_start3A_1434] : memref<4096xf32, #tpu.memory_space<vmem>> -> memref<256xf32, #tpu.memory_space<vmem>>
      tpu.enqueue_dma source(%dma_start3A_1435 : memref<256xf32, #tpu.memory_space<vmem>>) target(%dma_start3A_1433 : memref<256xf32, #tpu.memory_space<hbm>>) target_semaphore(%run_scoped3A : memref<!tpu.dma_semaphore, #tpu.memory_space<semaphore_mem>>)
      %dma_wait3A_1436 = arith.constant 0 : i32
      %dma_wait3A_1437 = tpu.memref_slice %arg8[%dma_wait3A_1436] : memref<4096xf32, #tpu.memory_space<vmem>> -> memref<256xf32, #tpu.memory_space<vmem>>
      %dma_wait3A_1438 = tpu.memref_slice %arg3[%mul3A_1429] : memref<8192xf32, #tpu.memory_space<hbm>> -> memref<256xf32, #tpu.memory_space<hbm>>
      %dma_wait3A_1439 = tpu.memref_slice %arg3[%mul3A_1429] : memref<8192xf32, #tpu.memory_space<hbm>> -> memref<256xf32, #tpu.memory_space<hbm>>
      %dma_wait3A_1440 = arith.constant 0 : i32
      %dma_wait3A_1441 = tpu.memref_slice %arg8[%dma_wait3A_1440] : memref<4096xf32, #tpu.memory_space<vmem>> -> memref<256xf32, #tpu.memory_space<vmem>>
      tpu.wait_dma2 semaphore(%run_scoped3A : memref<!tpu.dma_semaphore, #tpu.memory_space<semaphore_mem>>) src(%dma_wait3A_1441 : memref<256xf32, #tpu.memory_space<vmem>>) dst(%dma_wait3A_1439 : memref<256xf32, #tpu.memory_space<hbm>>)
      tpu.yield
    }) : () -> ()
    return
  }
}

module attributes {stable_mosaic.version = 14 : i64} {
  func.func @_final_body(%arg0: memref<32x256xf32, #tpu.memory_space<vmem>>, %arg1: memref<1x1xf32, #tpu.memory_space<smem>>, %arg2: memref<1x1xf32, #tpu.memory_space<smem>>, %arg3: memref<1x1xf32, #tpu.memory_space<smem>>, %arg4: memref<1x1xf32, #tpu.memory_space<smem>>) attributes {dimension_semantics = [], scalar_prefetch = 0 : i64, scratch_operands = 0 : i64, tpu.core_type = #tpu.core_type<tc>} {
    %get3A = arith.constant 0 : index
    %get3A_0 = arith.constant 0 : index
    %get3A_1 = vector.load %arg0[%get3A, %get3A_0] : memref<32x256xf32, #tpu.memory_space<vmem>>, vector<32x256xf32>
    %reduce_sum3A = arith.constant dense<0.000000e+00> : vector<256xf32>
    %reduce_sum3A_2 = vector.multi_reduction <add>, %get3A_1, %reduce_sum3A [0] : vector<32x256xf32> to vector<256xf32>
    %broadcast_in_dim3A = vector.shape_cast %reduce_sum3A_2 : vector<256xf32> to vector<1x256xf32>
    %mul3A = arith.constant 3.9736431E-8 : f32
    %mul3A_3 = vector.broadcast %mul3A : f32 to vector<1x256xf32>
    %mul3A_4 = arith.mulf %broadcast_in_dim3A, %mul3A_3 : vector<1x256xf32>
    %jit3A = arith.constant 9.99999996E-13 : f32
    %jit3A_5 = arith.constant 1.000000e+00 : f32
    %max3A = vector.broadcast %jit3A : f32 to vector<1x256xf32>
    %max3A_6 = arith.maximumf %max3A, %mul3A_4 : vector<1x256xf32>
    %min3A = vector.broadcast %jit3A_5 : f32 to vector<1x256xf32>
    %min3A_7 = arith.minimumf %min3A, %max3A_6 : vector<1x256xf32>
    %log3A = math.log %min3A_7 : vector<1x256xf32>
    %mul3A_8 = arith.constant 1.44269502 : f32
    %mul3A_9 = vector.broadcast %mul3A_8 : f32 to vector<1x256xf32>
    %mul3A_10 = arith.mulf %log3A, %mul3A_9 : vector<1x256xf32>
    %mul3A_11 = arith.mulf %min3A_7, %mul3A_10 : vector<1x256xf32>
    %reduce_sum3A_12 = vector.shape_cast %mul3A_11 : vector<1x256xf32> to vector<1x1x256xf32>
    %reduce_sum3A_13 = arith.constant dense<0.000000e+00> : vector<1xf32>
    %reduce_sum3A_14 = vector.multi_reduction <add>, %reduce_sum3A_12, %reduce_sum3A_13 [1, 2] : vector<1x1x256xf32> to vector<1xf32>
    %reduce_sum3A_15 = vector.shape_cast %reduce_sum3A_14 : vector<1xf32> to vector<1x1x1xf32>
    %reduce_sum3A_16 = vector.extract %reduce_sum3A_15[0, 0, 0] : f32 from vector<1x1x1xf32>
    %neg3A = arith.constant 0.000000e+00 : f32
    %neg3A_17 = arith.subf %neg3A, %reduce_sum3A_16 : f32
    %div3A = arith.constant 3.200000e+01 : f32
    %div3A_18 = arith.divf %neg3A_17, %div3A : f32
    %get3A_19 = arith.constant 0 : index
    %get3A_20 = arith.constant 0 : index
    %get3A_21 = memref.load %arg1[%get3A_19, %get3A_20] : memref<1x1xf32, #tpu.memory_space<smem>>
    %mul3A_22 = arith.constant 3.9736431E-8 : f32
    %mul3A_23 = arith.mulf %get3A_21, %mul3A_22 : f32
    %add3A = arith.addf %div3A_18, %mul3A_23 : f32
    %swap3A = arith.constant 0 : index
    %swap3A_24 = arith.constant 0 : index
    %swap3A_25 = memref.load %arg2[%swap3A, %swap3A_24] : memref<1x1xf32, #tpu.memory_space<smem>>
    memref.store %add3A, %arg2[%swap3A, %swap3A_24] : memref<1x1xf32, #tpu.memory_space<smem>>
    %swap3A_26 = arith.constant 0 : index
    %swap3A_27 = arith.constant 0 : index
    %swap3A_28 = memref.load %arg3[%swap3A_26, %swap3A_27] : memref<1x1xf32, #tpu.memory_space<smem>>
    memref.store %div3A_18, %arg3[%swap3A_26, %swap3A_27] : memref<1x1xf32, #tpu.memory_space<smem>>
    %swap3A_29 = arith.constant 0 : index
    %swap3A_30 = arith.constant 0 : index
    %swap3A_31 = memref.load %arg4[%swap3A_29, %swap3A_30] : memref<1x1xf32, #tpu.memory_space<smem>>
    memref.store %mul3A_23, %arg4[%swap3A_29, %swap3A_30] : memref<1x1xf32, #tpu.memory_space<smem>>
    return
  }
}

module attributes {stable_mosaic.version = 14 : i64} {
  func.func @_mse_body(%arg0: i32, %arg1: memref<4096x512xf32, #tpu.memory_space<vmem>>, %arg2: memref<4096x512xf32, #tpu.memory_space<vmem>>, %arg3: memref<1x1xf32, #tpu.memory_space<smem>>) attributes {dimension_semantics = [#tpu.dimension_semantics<arbitrary>], iteration_bounds = array<i64: 12>, scalar_prefetch = 0 : i64, scratch_operands = 0 : i64, tpu.core_type = #tpu.core_type<tc>, window_params = [{transform_indices = @transform_0, window_bounds = array<i64: 4096, 512>}, {transform_indices = @transform_1, window_bounds = array<i64: 4096, 512>}, {transform_indices = @transform_2, window_bounds = array<i64: 1, 1>}]} {
    %eq3A = arith.constant 0 : i32
    %eq3A_0 = arith.cmpi eq, %arg0, %eq3A : i32
    %convert_element_type3A = arith.extui %eq3A_0 : i1 to i32
    %cond3A = arith.constant 0 : i32
    %cond3A_1 = arith.cmpi ne, %convert_element_type3A, %cond3A : i32
    scf.if %cond3A_1 {
      %swap3A_16 = arith.constant 0.000000e+00 : f32
      %swap3A_17 = arith.constant 0 : index
      %swap3A_18 = arith.constant 0 : index
      %swap3A_19 = memref.load %arg3[%swap3A_17, %swap3A_18] : memref<1x1xf32, #tpu.memory_space<smem>>
      memref.store %swap3A_16, %arg3[%swap3A_17, %swap3A_18] : memref<1x1xf32, #tpu.memory_space<smem>>
    } else {
    }
    %get3A = arith.constant 0 : index
    %get3A_2 = arith.constant 0 : index
    %get3A_3 = vector.load %arg1[%get3A, %get3A_2] : memref<4096x512xf32, #tpu.memory_space<vmem>>, vector<4096x512xf32>
    %get3A_4 = arith.constant 0 : index
    %get3A_5 = arith.constant 0 : index
    %get3A_6 = vector.load %arg2[%get3A_4, %get3A_5] : memref<4096x512xf32, #tpu.memory_space<vmem>>, vector<4096x512xf32>
    %sub3A = arith.subf %get3A_3, %get3A_6 : vector<4096x512xf32>
    %get3A_7 = arith.constant 0 : index
    %get3A_8 = arith.constant 0 : index
    %get3A_9 = memref.load %arg3[%get3A_7, %get3A_8] : memref<1x1xf32, #tpu.memory_space<smem>>
    %mul3A = arith.mulf %sub3A, %sub3A : vector<4096x512xf32>
    %reduce_sum3A = vector.shape_cast %mul3A : vector<4096x512xf32> to vector<1x4096x512xf32>
    %reduce_sum3A_10 = arith.constant dense<0.000000e+00> : vector<1xf32>
    %reduce_sum3A_11 = vector.multi_reduction <add>, %reduce_sum3A, %reduce_sum3A_10 [1, 2] : vector<1x4096x512xf32> to vector<1xf32>
    %reduce_sum3A_12 = vector.shape_cast %reduce_sum3A_11 : vector<1xf32> to vector<1x1x1xf32>
    %reduce_sum3A_13 = vector.extract %reduce_sum3A_12[0, 0, 0] : f32 from vector<1x1x1xf32>
    %add3A = arith.addf %get3A_9, %reduce_sum3A_13 : f32
    %swap3A = arith.constant 0 : index
    %swap3A_14 = arith.constant 0 : index
    %swap3A_15 = memref.load %arg3[%swap3A, %swap3A_14] : memref<1x1xf32, #tpu.memory_space<smem>>
    memref.store %add3A, %arg3[%swap3A, %swap3A_14] : memref<1x1xf32, #tpu.memory_space<smem>>
    return
  }
  func.func @transform_0(%arg0: i32) -> (i32, i32) {
    %c0_i32 = arith.constant 0 : i32
    %c0_i32_0 = arith.constant 0 : i32
    return %arg0, %c0_i32 : i32, i32
  }
  func.func @transform_1(%arg0: i32) -> (i32, i32) {
    %c0_i32 = arith.constant 0 : i32
    %c0_i32_0 = arith.constant 0 : i32
    return %arg0, %c0_i32 : i32, i32
  }
  func.func @transform_2(%arg0: i32) -> (i32, i32) {
    %c0_i32 = arith.constant 0 : i32
    %c0_i32_0 = arith.constant 0 : i32
    %c0_i32_1 = arith.constant 0 : i32
    return %c0_i32, %c0_i32_0 : i32, i32
  }
}

</mosaic_0001>

<sc_bundles>
// kernel: kernel.5.cloned.1.call-start
scs
__scs_entry_jumppad:
0x0: {  	(pc) =	sbr.rel $0x88, $3  }
0x1: {  	(tag) =	ssettag $0x0;
	lr =	simm.s32 $0x1  }
0x2: {  	[smem:$0x3F9F] =	sst lr;
	_ =	strace $0xD0000000  }
0x3: {  	_ = 	snop  }
0x4: {  	_ = 	snop  }
0x5: {  	_ = 	snop  }
0x6: {  	_ = 	snop  }
0x7: {  	_ = 	snop  }
__scs_overlays_trampoline_lowered:
0x8: {  	[smem:$0x3FAE] =	sst s0  }
0x9: {  	[smem:$0x3FAF] =	sst s1  }
0xa: {  	[smem:$0x3FB0] =	sst s2  }
0xb: {  	[smem:$0x3FB1] =	sst s3  }
0xc: {  	[smem:$0x3FB2] =	sst s4  }
0xd: {  	[smem:$0x3FB3] =	sst s5  }
0xe: {  	[smem:$0x3FB4] =	sst s6  }
0xf: {  	[smem:$0x3FB5] =	sst s7  }
0x10: {  	[smem:$0x3FB6] =	sst s8  }
0x11: {  	[smem:$0x3FB7] =	sst s9;
	s0 =	simm.s32 @!p0 $0x0  }
0x12: {  	s1 =	sld [smem:$0x3F9D];
	s0 =	simm.s32 @p0 $0x1  }
0x13: {  	[smem:$0x3FB8] =	sst s0;
	s0 =	simm.s32 @!p1 $0x0  }
0x14: {  	s2 =	sld [smem:$0x3F9C];
	s0 =	simm.s32 @p1 $0x1  }
0x15: {  	[smem:$0x3FB9] =	sst s0;
	s0 =	simm.s32 @!p2 $0x0  }
0x16: {  	s3 =	sld [smem:$0x3FDB];
	s0 =	simm.s32 @p2 $0x1  }
0x17: {  	s4 =	simm.s32 $0x1BF5;
	[smem:$0x3FBB] =	sst s0  }
0x18: {  	s0 =	sld [smem:$0x3F9E];
	_ =	swait.ge [sflag:s4], $0x0  }
0x19: {  	s7 =	sld [smem:$0x3F9F]  }
0x1a: {  	s8 =	sadd.s32 $0xFFFFE003, lr  }
0x1b: {  	s9 =	sadd.s32 $0xFFFFFEF7, lr;
	s5 =	simm.s32 $0xFFFFFFFF;
	p2 =	slt.u32 s8, $0xFFFFF086  }
0x1c: {  	p1 =	slt.u32 s9, $0xF7A;
	s5 =	simm.s32 @!p2 $0x0  }
0x1d: {  	s5 =	simm.s32 @p1 $0x1;
	p0 =	seq.s32 s7, s2  }
0x1e: {  	s7 =	smul.u32 @!p0 $0xF7A, s2;
	p2 =	seq.s32 @!p0 s5, $0x0  }
0x1f: {  	s9 =	smul.u32 $0xF7A, s1;
	s8 =	simm.s32 @!p0 $0x1BF5;
	p2 =	por !p2, p0  }
0x20: {  	[sflag:s8] =	ssyncset.s32 @!p0 $0xFFFFF086;
	s6 =	sadd.s32 @!p0 s3, s7;
	s7 =	simm.s32 @!p0 $0x108  }
0x21: {  	s3 =	sadd.s32 s3, s9;
	s6 =	sadd.s32 @!p0 $0x88, s6;
	s7 =	simm.s32 @p2 $0x1082  }
0x22: {  	[simem:s7], [sflag:s8] =	dma.local @!p0 [hbm:s6], $0xF7A  }
0x23: {  	s9 =	sor.u32 $0xD0000000, s2;
	s6 =	simm.s32 $0x108;
	_ =	swait.ge @!p0 [sflag:s8], $0x0  }
0x24: {  	s3 =	sadd.s32 $0x88, s3;
	s6 =	simm.s32 @!p1 $0x1082;
	[sflag:s4] =	ssyncset.s32 $0xFFFFF086  }
0x25: {  	[simem:s6], [sflag:s4] =	dma.local [hbm:s3], $0xF7A  }
0x26: {  	[smem:$0x3F9F] =	sst s1;
	(tag) =	ssettag s2;
	_ =	strace s9  }
0x27: {  	s1 =	sld [smem:$0x3FAF]  }
0x28: {  	s2 =	sld [smem:$0x3FB0]  }
0x29: {  	s4 =	sld [smem:$0x3FB2]  }
0x2a: {  	p0 =	seq.s32 s5, $0x0;
	s5 =	sld [smem:$0x3FB3]  }
0x2b: {  	s6 =	sld [smem:$0x3FB4]  }
0x2c: {  	s7 =	sld [smem:$0x3FB5]  }
0x2d: {  	s3 =	simm.s32 $0x108;
	s8 =	sld [smem:$0x3FB6]  }
0x2e: {  	s3 =	simm.s32 @!p0 $0x1082;
	s9 =	sld [smem:$0x3FB7]  }
0x2f: {  	lr =	sadd.s32 s0, s3;
	s0 =	sld [smem:$0x3FAE]  }
0x30: {  	s3 =	sld [smem:$0x3FB1]  }
0x31: {  	[smem:$0x3FBA] =	sst s10  }
0x32: {  	s10 =	sld [smem:$0x3FB8];
	_ =	sdelay $0x3  }
0x33: {  	p0 =	seq.s32 s10, $0x1;
	s10 =	sld [smem:$0x3FBA];
	_ =	sdelay $0x3  }
0x34: {  	[smem:$0x3FBA] =	sst s10  }
0x35: {  	s10 =	sld [smem:$0x3FB9];
	_ =	sdelay $0x3  }
0x36: {  	p1 =	seq.s32 s10, $0x1;
	s10 =	sld [smem:$0x3FBA];
	_ =	sdelay $0x3  }
0x37: {  	[smem:$0x3FBA] =	sst s10  }
0x38: {  	s10 =	sld [smem:$0x3FBB]  }
0x39: {  	_ = 	snop;
	(pc) =	sbr.ind lr, $3  }
0x3a: {  	_ = 	snop  }
0x3b: {  	_ = 	snop  }
0x3c: {  	p2 =	seq.s32 s10, $0x1;
	s10 =	sld [smem:$0x3FBA]  }
0x3d: {  	_ =	shalt  }
0x3e: {  	_ =	shalt  }
0x3f: {  	_ =	shalt  }
0x40: {  	_ =	shalt  }
0x41: {  	_ =	shalt  }
0x42: {  	_ =	shalt  }
0x43: {  	_ =	shalt  }
0x44: {  	_ =	shalt  }
0x45: {  	_ =	shalt  }
0x46: {  	_ =	shalt  }
0x47: {  	_ =	shalt  }
0x48: {  	_ =	shalt  }
0x49: {  	_ =	shalt  }
0x4a: {  	_ =	shalt  }
0x4b: {  	_ =	shalt  }
0x4c: {  	_ =	shalt  }
0x4d: {  	_ =	shalt  }
0x4e: {  	_ =	shalt  }
0x4f: {  	_ =	shalt  }
0x50: {  	_ =	shalt  }
0x51: {  	_ =	shalt  }
0x52: {  	_ =	shalt  }
0x53: {  	_ =	shalt  }
0x54: {  	_ =	shalt  }
0x55: {  	_ =	shalt  }
0x56: {  	_ =	shalt  }
0x57: {  	_ =	shalt  }
0x58: {  	_ =	shalt  }
0x59: {  	_ =	shalt  }
0x5a: {  	_ =	shalt  }
0x5b: {  	_ =	shalt  }
0x5c: {  	_ =	shalt  }
0x5d: {  	_ =	shalt  }
0x5e: {  	_ =	shalt  }
0x5f: {  	_ =	shalt  }
0x60: {  	_ =	shalt  }
0x61: {  	_ =	shalt  }
0x62: {  	_ =	shalt  }
0x63: {  	_ =	shalt  }
0x64: {  	_ =	shalt  }
0x65: {  	_ =	shalt  }
0x66: {  	_ =	shalt  }
0x67: {  	_ =	shalt  }
0x68: {  	_ =	shalt  }
0x69: {  	_ =	shalt  }
0x6a: {  	_ =	shalt  }
0x6b: {  	_ =	shalt  }
0x6c: {  	_ =	shalt  }
0x6d: {  	_ =	shalt  }
0x6e: {  	_ =	shalt  }
0x6f: {  	_ =	shalt  }
0x70: {  	_ =	shalt  }
0x71: {  	_ =	shalt  }
0x72: {  	_ =	shalt  }
0x73: {  	_ =	shalt  }
0x74: {  	_ =	shalt  }
0x75: {  	_ =	shalt  }
0x76: {  	_ =	shalt  }
0x77: {  	_ =	shalt  }
0x78: {  	_ =	shalt  }
0x79: {  	_ =	shalt  }
0x7a: {  	_ =	shalt  }
0x7b: {  	_ =	shalt  }
0x7c: {  	_ =	shalt  }
0x7d: {  	_ =	shalt  }
0x7e: {  	_ =	shalt  }
0x7f: {  	_ =	shalt  }
0x80: {  	_ =	shalt  }
0x81: {  	_ =	shalt  }
0x82: {  	_ =	shalt  }
0x83: {  	_ =	shalt  }
0x84: {  	_ =	shalt  }
0x85: {  	_ =	shalt  }
0x86: {  	_ =	shalt  }
0x87: {  	_ =	shalt  }
.Lfunc_end0:
.L_simem_size_0:
called_computation_lowered:
.L_overlay_start_0:
0x88: {  	s2 =	sld [smem:$0x3FD9]  }
0x89: {  	s3 =	sld [smem:$0x3FFE];
	_ =	sdelay $0x1  }
0x8a: {  	s1 =	srdreg.scid  }
0x8b: {  	s0 =	sand.u32 $0x1, s1  }
0x8c: {  	s17 =	sshll.u32 s0, $0xA;
	s2 =	sadd.s32 s3, s2  }
0x8d: {  	s2 =	sadd.s32 s2, s17  }
0x8e: {  	[smem:$0x3FC6] =	sst s2  }
0x8f: {  	_ = 	snop  }
0x90: {  	s2 =	sld [smem:$0x3FC9];
	(tm) =	ssettm $0x1  }
0x91: {  	s18 =	sld [smem:$0x3FFB];
	_ =	sdelay $0x3  }
0x92: {  	_ =	strace s18  }
0x93: {  	s3 =	sld [smem:$0x3FFC];
	_ =	sdelay $0x3  }
0x94: {  	_ =	strace s3  }
0x95: {  	s3 =	sld [smem:$0x3FFD];
	_ =	sdelay $0x3  }
0x96: {  	_ =	strace s3  }
0x97: {  	_ =	strace $0x8FFFFFFF  }
0x98: {  	s19 =	sld [smem:$0x3FDB];
	_ =	sdelay $0x1  }
0x99: {  	s4 =	simm.s32 $_scs_section_size  }
0x9a: {  	s5 =	simm.s32 $_size__tile_overlayer_lowered;
	s6 =	simm.s32 $_tile_overlayer_lowered  }
0x9b: {  	s22 =	simm.s32 $0x1BFF;
	s21 =	sshll.u32 s6, $0x1;
	s3 =	sadd.s32 s4, s19  }
0x9c: {  	s7 =	simm.s32 $0x0;
	s20 =	sshll.u32 s5, $0x1;
	s5 =	sadd.s32 s21, s3  }
0x9d: {  	[timem:s7], [sflag:s22] =	dma.local [hbm:s5], s20  }
0x9e: {  	_ =	swait.ge [sflag:s22], s20  }
0x9f: {  	s4 =	ssub.s32 $0x0, s20;
	[sflag:s22] =	ssyncset.done $0x0  }
0xa0: {  	[sflag:s22] =	ssyncadd.s32 s4;
	_ =	sdelay $0x1  }
0xa1: {  	s23 =	simm.s32 $0x1B8B  }
0xa2: {  	_ =	swait.ge [sflag:s23], $0x1  }
0xa3: {  	[sflag:s23] =	ssyncset.done $0x0  }
0xa4: {  	s25 =	simm.s32 $0x1B8E;
	s24 =	sld [smem:$0x3FFE];
	[sflag:s23] =	ssyncadd.s32 $0xFFFFFFFF  }
0xa5: {  	s26 =	simm.s32 $execute0_lowered;
	[smem:$0x3FD2] =	sst s25  }
0xa6: {  	s5 =	sshll.u32 s26, $0x1;
	_ =	strace $0x80000046;
	[dreg:$0x1] =	wrdreg $0xFFFFFFFF  }
0xa7: {  	s28 =	simm.s32 $_size_execute0_lowered;
	s3 =	sadd.s32 s3, s5;
	[dreg:$0x0] =	wrdreg $0x0  }
0xa8: {  	s5 =	sshll.u32 s28, $0x1;
	[dreg:$0x2] =	wrdreg s3  }
0xa9: {  	[dreg:$0x3] =	wrdreg s5  }
0xaa: {  	[dreg:$0x4] =	wrdreg $0xC0  }
0xab: {  	_ =	task [dreg:s7], $0x5FFFF  }
0xac: {  	[dreg:$0x1] =	wrdreg $0xFFFFFFFF  }
0xad: {  	[dreg:$0x0] =	wrdreg $0x60  }
0xae: {  	[dreg:$0x2] =	wrdreg s2  }
0xaf: {  	[dreg:$0x3] =	wrdreg s24  }
0xb0: {  	[dreg:$0x4] =	wrdreg $0x9  }
0xb1: {  	_ =	task.clear_ibuf [dreg:s7], $0x5FFFF;
	_ =	strace $0x90000046  }
0xb2: {  	s29 =	simm.s32 $0x9;
	_ =	strace $0x80000048  }
0xb3: {  	_ =	swait.ge [sflag:s29], $0x1  }
0xb4: {  	[sflag:s29] =	ssyncadd.s32 $0xFFFFFFFF  }
0xb5: {  	_ =	strace $0x90000048  }
0xb6: {  	_ =	sfence  }
0xb7: {  	s30 =	sld [smem:$0x0];
	_ =	sdelay $0x2  }
0xb8: {  	s31 =	sshll.u32 s1, $0xD;
	s1 =	sshrl.u32 s1, $0x2  }
0xb9: {  	s3 =	sand.u32 $0x4000, s31;
	s1 =	sadd.s32 s1, s30  }
0xba: {  	s0 =	sor.u32 s3, s0;
	s1 =	sshll.u32 s1, $0x11  }
0xbb: {  	s0 =	sor.u32 s1, s0  }
0xbc: {  	s0 =	sadd.s32 $0x8F2B, s0  }
0xbd: {  	[sflag:s0] =	ssyncadd.remote.s32 $0x1  }
0xbe: {  	_ =	sfence.sel $0xFFFF  }
0xbf: {  	[dreg:$0x0] =	wrdreg $0xFFFFFFFF;
	(pc) =	sbr.abs _section_cstart, $3  }
0xc0: {  	[dreg:$0x1] =	wrdreg $0xFFFFFFFF  }
0xc1: {  	_ =	task.clear_ibuf [dreg:s7], $0x2FFFF;
	_ =	strace $0x9FFFFFFF  }
0xc2: {  	(tm) =	ssettm $0x7FFFFFFF  }
0xc3: {  	_ =	shalt  }
tec
execute0_lowered:
.L_overlay_start_1:
0x0: {  	(tag) =	ssettag $0x1  }
0x1: {  	v0 =	vlaneseq.u32  }
0x2: {  	v1 =	vmul.u32 $0x10, v0;
	_ =	sdelay $0x1  }
0x3: {  	v2 =	vimm.f32 $0.0e+00;
	v4 =	vor.u32 $0x1, v1  }
0x4: {  	v22 =	vor.u32 $0x103, v1;
	v23 =	vor.u32 $0x104, v1;
	v24 =	vor.u32 $0x105, v1  }
0x5: {  	v25 =	vor.u32 $0x106, v1;
	v26 =	vor.u32 $0x107, v1;
	[tilespmem:$0x1FEE0] =	vst v4;
	v4 =	vor.u32 $0x2, v1  }
0x6: {  	v27 =	vor.u32 $0x108, v1;
	v28 =	vor.u32 $0x109, v1;
	[tilespmem:$0x1FEF0] =	vst v4;
	v4 =	vor.u32 $0x3, v1  }
0x7: {  	v29 =	vor.u32 $0x10A, v1;
	v30 =	vor.u32 $0x10B, v1;
	[tilespmem:$0x1FF00] =	vst v4;
	v4 =	vor.u32 $0x4, v1  }
0x8: {  	v31 =	vor.u32 $0x10C, v1;
	v32 =	vor.u32 $0x10D, v1;
	[tilespmem:$0x1FF10] =	vst v4;
	v4 =	vor.u32 $0x5, v1  }
0x9: {  	v33 =	vor.u32 $0x10E, v1;
	v34 =	vor.u32 $0x10F, v1;
	[tilespmem:$0x1FF20] =	vst v4;
	v4 =	vor.u32 $0x6, v1  }
0xa: {  	v35 =	vor.u32 $0x200, v1;
	v36 =	vor.u32 $0x201, v1;
	[tilespmem:$0x1FF30] =	vst v4;
	v4 =	vor.u32 $0x7, v1  }
0xb: {  	v37 =	vor.u32 $0x202, v1;
	v38 =	vor.u32 $0x203, v1;
	[tilespmem:$0x1FF40] =	vst v4;
	v4 =	vor.u32 $0x8, v1  }
0xc: {  	v39 =	vor.u32 $0x204, v1;
	v40 =	vor.u32 $0x205, v1;
	[tilespmem:$0x1FF50] =	vst v4;
	v4 =	vor.u32 $0x9, v1  }
0xd: {  	s0 =	rddreg [dreg:$0x0];
	s2 =	srdreg.scid;
	v41 =	vor.u32 $0x206, v1;
	v42 =	vor.u32 $0x207, v1;
	[tilespmem:$0x1FF60] =	vst v4;
	v4 =	vor.u32 $0xA, v1  }
0xe: {  	s1 =	stileid.u32;
	s5 =	rddreg [dreg:$0x1];
	s11 =	simm.s32 $0x4000;
	v43 =	vor.u32 $0x208, v1;
	v44 =	vor.u32 $0x209, v1;
	[tilespmem:$0x1FF70] =	vst v4;
	v4 =	vor.u32 $0xB, v1  }
0xf: {  	s3 =	simm.s32 $0x0;
	s12 =	simm.s32 $0x8000;
	s13 =	simm.s32 $0xC000;
	v45 =	vor.u32 $0x20A, v1;
	v46 =	vor.u32 $0x20B, v1;
	[tilespmem:$0x1FF80] =	vst v4;
	v4 =	vor.u32 $0xC, v1  }
0x10: {  	s14 =	simm.s32 $0x1;
	s15 =	simm.s32 $0x10000;
	s16 =	simm.s32 $0x2;
	v47 =	vor.u32 $0x20C, v1;
	v48 =	vor.u32 $0x20D, v1;
	[tilespmem:$0x1FF90] =	vst v4;
	v4 =	vor.u32 $0xD, v1  }
0x11: {  	s17 =	simm.s32 $0x3;
	s4 =	sand.u32 $0x1, s2;
	s6 =	sshll.u32 s1, $0x1;
	v49 =	vor.u32 $0x20E, v1;
	v50 =	vor.u32 $0x20F, v1;
	[tilespmem:$0x1FFA0] =	vst v4;
	v4 =	vor.u32 $0xE, v1  }
0x12: {  	s18 =	simm.s32 $0x4;
	s19 =	simm.s32 $0x5;
	s6 =	sor.u32 s4, s6;
	v51 =	vor.u32 $0x300, v1;
	v52 =	vor.u32 $0x301, v1;
	[tilespmem:$0x1FFB0] =	vst v4;
	v4 =	vor.u32 $0xF, v1  }
0x13: {  	s20 =	simm.s32 $0x0;
	s7 =	ssub.s32 $0x2, s4;
	s4 =	smul.u32 $0x18000, s6;
	v53 =	vor.u32 $0x302, v1;
	v54 =	vor.u32 $0x303, v1;
	[tilespmem:$0x1FFC0] =	vst v4;
	v4 =	vor.u32 $0x100, v1  }
0x14: {  	[smem:$0x7FF] =	sst s3;
	s6 =	sshll.u32 s6, $0x5;
	s8 =	sshrl.u32 s7, $0x1;
	v55 =	vor.u32 $0x304, v1;
	v56 =	vor.u32 $0x305, v1;
	[tilespmem:$0x1FFD0] =	vst v4;
	v4 =	vor.u32 $0x101, v1  }
0x15: {  	v57 =	vor.u32 $0x306, v1;
	v58 =	vor.u32 $0x307, v1;
	s9 =	sadd.s32 s6, s5;
	s10 =	ssub.s32 s7, s8;
	s5 =	sadd.s32 s0, s4;
	[tilespmem:$0x1FFE0] =	vst v4;
	v4 =	vor.u32 $0x102, v1  }
0x16: {  	v59 =	vor.u32 $0x308, v1;
	v60 =	vor.u32 $0x309, v1;
	v61 =	vor.u32 $0x30A, v1;
	s9 =	sadd.s32 $0x600, s9;
	s10 =	smax.u32 s10, $0x1;
	s6 =	sadd.s32 $0x800, s5;
	[tilespmem:$0x1FFF0] =	vst v4  }
0x17: {  	v3 =	vimm.f32 $1.000000000e+00;
	v62 =	vor.u32 $0x30B, v1;
	v63 =	vor.u32 $0x30C, v1;
	s7 =	sadd.s32 $0x1000, s5;
	s8 =	sadd.s32 $0x1800, s5;
	_ =	strace $0x80000047  }
.LBB2_1:
0x18: {  	s21 =	simm.s32 $0x10040  }
0x19: {  	[tilespmem:s21+$0xFFFFFFC0] =	vst v2  }
0x1a: {  	[tilespmem:s21+$0x30] =	vst v2  }
0x1b: {  	[tilespmem:s21+$0x20] =	vst v2  }
0x1c: {  	[tilespmem:s21+$0x10] =	vst v2  }
0x1d: {  	[tilespmem:s21+$0x0] =	vst v2  }
0x1e: {  	[tilespmem:s21+$0xFFFFFFF0] =	vst v2  }
0x1f: {  	s22 =	simm.s32 $0x0;
	[tilespmem:s21+$0xFFFFFFE0] =	vst v2  }
.LBB2_2:
0x20: {  	s22 =	sadd.s32 $0x8, s22;
	[tilespmem:s21+$0xFFFFFFD0] =	vst v2;
	s21 =	sadd.s32 $0x80, s21  }
0x21: {  	[tilespmem:s21+$0xFFFFFFC0] =	vst v2;
	p0 =	slt.u32 s22, $0xF8  }
0x22: {  	[tilespmem:s21+$0x30] =	vst v2  }
.Ltmp0:
0x23: {  	[tilespmem:s21+$0x20] =	vst v2;
	(pc) =	sbr.rel @p0 .LBB2_2-.Ltmp0, $4  }
0x24: {  	[tilespmem:s21+$0x10] =	vst v2  }
0x25: {  	[tilespmem:s21+$0x0] =	vst v2  }
0x26: {  	[tilespmem:s21+$0xFFFFFFF0] =	vst v2  }
0x27: {  	[tilespmem:s21+$0xFFFFFFE0] =	vst v2  }
0x28: {  	[tilespmem:s21+$0xFFFFFFD0] =	vst v2;
	s21 =	simm.s32 $0x0  }
0x29: {  	[tilespmem:s21], [sflag:$0x1] =	stream.linear.gather [hbm4b:s5+s21], $0x4000, $0x38;
	[tilespmem:$0x11000] =	vst v63  }
0x2a: {  	_ = 	snop  }
0x2b: {  	[tilespmem:s11], [sflag:$0x2] =	stream.linear.gather [hbm4b:s6+s21], $0x4000, $0x38;
	[tilespmem:$0x11000] =	vst v63  }
0x2c: {  	_ = 	snop  }
0x2d: {  	[tilespmem:s12], [sflag:$0x3] =	stream.linear.gather [hbm4b:s7+s21], $0x4000, $0x38;
	[tilespmem:$0x11000] =	vst v63  }
0x2e: {  	s22 =	simm.s32 $0x0  }
0x2f: {  	[tilespmem:s13], [sflag:$0x4] =	stream.linear.gather [hbm4b:s8+s21], $0x4000, $0x38;
	[tilespmem:$0x11000] =	vst v63  }
.LBB2_4:
0x30: {  	_ =	swait.ge [sflag:s14], $0x4000;
	s23 =	sand.u32 $0x3000, s21;
	s24 =	sand.u32 $0xC00, s21  }
0x31: {  	s25 =	sand.u32 $0x380, s21;
	[sflag:s14] =	ssyncset.done $0x0;
	s23 =	sor.u32 s24, s23  }
0x32: {  	[sflag:s14] =	ssyncadd.s32 $0xFFFFC000;
	s23 =	sor.u32 s25, s23  }
0x33: {  	v4 =	vld [tilespmem:s23+$0x70]  }
0x34: {  	v5 =	vld [tilespmem:s23+$0x0]  }
0x35: {  	v6 =	vld [tilespmem:s23+$0x10]  }
0x36: {  	v7 =	vld [tilespmem:s23+$0x20]  }
0x37: {  	v8 =	vld [tilespmem:s23+$0x30]  }
0x38: {  	v9 =	vld [tilespmem:s23+$0x40]  }
0x39: {  	v10 =	vld [tilespmem:s23+$0x50]  }
0x3a: {  	v11 =	vld [tilespmem:s23+$0x60]  }
0x3b: {  	v4 =	vmul.f32 $2.560000000e+02, v4;
	v5 =	vmul.f32 $2.560000000e+02, v5  }
0x3c: {  	v6 =	vmul.f32 $2.560000000e+02, v6;
	v7 =	vmul.f32 $2.560000000e+02, v7  }
0x3d: {  	v8 =	vmul.f32 $2.560000000e+02, v8;
	v4 =	vtrunc.f32 v4  }
0x3e: {  	s29 =	simm.s32 $0x400;
	s30 =	simm.s32 $0x80;
	v9 =	vmul.f32 $2.560000000e+02, v9;
	v4 =	vcvt.f32.s32 v4  }
0x3f: {  	s24 =	sand.u32 $0x3000, s30;
	s31 =	sand.u32 $0xC00, s29;
	s23 =	simm.s32 $0x20;
	v10 =	vmul.f32 $2.560000000e+02, v10;
	v11 =	vmul.f32 $2.560000000e+02, v11  }
0x40: {  	s24 =	sor.u32 s31, s24;
	s26 =	sand.u32 $0x380, s23;
	v5 =	vtrunc.f32 v5;
	v6 =	vtrunc.f32 v6;
	v4 =	vshll.u32 v4, $0x4  }
0x41: {  	s24 =	sor.u32 s26, s24;
	v7 =	vtrunc.f32 v7;
	v8 =	vtrunc.f32 v8;
	v4 =	vor.u32 v0, v4  }
0x42: {  	v14 =	vld [tilespmem:s24+$0x20];
	v9 =	vtrunc.f32 v9;
	v10 =	vtrunc.f32 v10  }
0x43: {  	v11 =	vtrunc.f32 v11;
	v5 =	vcvt.f32.s32 v5  }
0x44: {  	v12 =	vld [tilespmem:s24+$0x70];
	v6 =	vcvt.f32.s32 v6;
	v9 =	vcvt.f32.s32 v9  }
0x45: {  	v13 =	vld [tilespmem:s24+$0x10];
	v10 =	vcvt.f32.s32 v10;
	v11 =	vcvt.f32.s32 v11  }
0x46: {  	v5 =	vshll.u32 v5, $0x4;
	[tilespmem:v4+s15+$0x0] =	vst.idx.add.f32.msk $0xffff, v3;
	v4 =	vcvt.f32.s32 v7;
	v7 =	vcvt.f32.s32 v8  }
0x47: {  	v19 =	vld [tilespmem:s24+$0x40];
	v14 =	vmul.f32 $2.560000000e+02, v14;
	v6 =	vshll.u32 v6, $0x4;
	v15 =	vor.u32 v0, v5  }
0x48: {  	v16 =	vor.u32 v0, v6;
	v8 =	vld [tilespmem:s24+$0x0];
	v4 =	vshll.u32 v4, $0x4;
	v5 =	vshll.u32 v7, $0x4  }
0x49: {  	v7 =	vshll.u32 v9, $0x4;
	v9 =	vld [tilespmem:s24+$0x30];
	v18 =	vor.u32 v0, v4;
	v4 =	vmul.f32 $2.560000000e+02, v12  }
0x4a: {  	v21 =	vld [tilespmem:s24+$0x50];
	v17 =	vshll.u32 v10, $0x4;
	v11 =	vshll.u32 v11, $0x4;
	v20 =	vor.u32 v0, v5  }
0x4b: {  	v10 =	vld [tilespmem:s24+$0x60];
	v6 =	vor.u32 v0, v7;
	v7 =	vmul.f32 $2.560000000e+02, v13;
	v4 =	vtrunc.f32 v4  }
0x4c: {  	[tilespmem:v15+s15+$0x0] =	vst.idx.add.f32.msk $0xffff, v3;
	v5 =	vor.u32 v0, v17;
	v12 =	vmul.f32 $2.560000000e+02, v19;
	v17 =	vcvt.f32.s32 v4  }
0x4d: {  	[tilespmem:v16+s15+$0x0] =	vst.idx.add.f32.msk $0xffff, v3;
	v8 =	vmul.f32 $2.560000000e+02, v8;
	v4 =	vor.u32 v0, v11;
	v11 =	vtrunc.f32 v14  }
0x4e: {  	v13 =	vmul.f32 $2.560000000e+02, v9;
	v9 =	vtrunc.f32 v7;
	v7 =	vshll.u32 v17, $0x4;
	[tilespmem:v18+s15+$0x0] =	vst.idx.add.f32.msk $0xffff, v3  }
0x4f: {  	s25 =	simm.s32 $0x800;
	s26 =	simm.s32 $0x100;
	s24 =	simm.s32 $0x8;
	v14 =	vmul.f32 $2.560000000e+02, v21;
	v8 =	vtrunc.f32 v8;
	[tilespmem:v20+s15+$0x0] =	vst.idx.add.f32.msk $0xffff, v3;
	v7 =	vor.u32 v0, v7  }
.LBB2_5:
0x50: {  	s28 =	sand.u32 $0x3000, s26;
	s29 =	sand.u32 $0xC00, s25;
	v13 =	vtrunc.f32 v13;
	v10 =	vmul.f32 $2.560000000e+02, v10;
	s23 =	sadd.s32 $0x20, s23;
	[tilespmem:v6+s15+$0x0] =	vst.idx.add.f32.msk $0xffff, v3  }
0x51: {  	s24 =	sadd.s32 $0x8, s24;
	v6 =	vtrunc.f32 v12;
	s30 =	sand.u32 $0x380, s23;
	s28 =	sor.u32 s29, s28;
	v12 =	vtrunc.f32 v14;
	[tilespmem:v5+s15+$0x0] =	vst.idx.add.f32.msk $0xffff, v3  }
0x52: {  	p0 =	slt.u32 s24, $0x3F8;
	v5 =	vcvt.f32.s32 v8;
	s28 =	sor.u32 s30, s28;
	v8 =	vtrunc.f32 v10;
	[tilespmem:v4+s15+$0x0] =	vst.idx.add.f32.msk $0xffff, v3  }
0x53: {  	v9 =	vcvt.f32.s32 v9;
	v10 =	vcvt.f32.s32 v11;
	v4 =	vld [tilespmem:s28+$0x70]  }
0x54: {  	v6 =	vcvt.f32.s32 v6;
	v11 =	vcvt.f32.s32 v13;
	v5 =	vshll.u32 v5, $0x4;
	[tilespmem:v7+s15+$0x0] =	vst.idx.add.f32.msk $0xffff, v3  }
0x55: {  	v9 =	vshll.u32 v9, $0x4;
	v12 =	vcvt.f32.s32 v12;
	v8 =	vcvt.f32.s32 v8;
	v7 =	vld [tilespmem:s28+$0x0]  }
0x56: {  	v6 =	vshll.u32 v6, $0x4;
	v10 =	vshll.u32 v10, $0x4;
	v11 =	vshll.u32 v11, $0x4;
	v13 =	vld [tilespmem:s28+$0x10]  }
0x57: {  	v15 =	vor.u32 v0, v5;
	v5 =	vshll.u32 v12, $0x4;
	v8 =	vshll.u32 v8, $0x4;
	v14 =	vld [tilespmem:s28+$0x20]  }
0x58: {  	v9 =	vor.u32 v0, v9;
	v16 =	vor.u32 v0, v10;
	v17 =	vor.u32 v0, v11;
	v12 =	vld [tilespmem:s28+$0x30]  }
0x59: {  	v6 =	vor.u32 v0, v6;
	v5 =	vor.u32 v0, v5;
	v18 =	vmul.f32 $2.560000000e+02, v4;
	v11 =	vld [tilespmem:s28+$0x40]  }
0x5a: {  	v4 =	vor.u32 v0, v8;
	v7 =	vmul.f32 $2.560000000e+02, v7;
	v19 =	vld [tilespmem:s28+$0x50]  }
.Ltmp1:
0x5b: {  	v8 =	vtrunc.f32 v18;
	v20 =	vmul.f32 $2.560000000e+02, v13;
	v10 =	vld [tilespmem:s28+$0x60];
	(pc) =	sbr.rel @p0 .LBB2_5-.Ltmp1, $4  }
0x5c: {  	v18 =	vcvt.f32.s32 v8;
	v14 =	vmul.f32 $2.560000000e+02, v14;
	[tilespmem:v15+s15+$0x0] =	vst.idx.add.f32.msk $0xffff, v3  }
0x5d: {  	v8 =	vtrunc.f32 v7;
	v13 =	vmul.f32 $2.560000000e+02, v12;
	[tilespmem:v9+s15+$0x0] =	vst.idx.add.f32.msk $0xffff, v3  }
0x5e: {  	v9 =	vtrunc.f32 v20;
	v7 =	vshll.u32 v18, $0x4;
	v12 =	vmul.f32 $2.560000000e+02, v11;
	[tilespmem:v16+s15+$0x0] =	vst.idx.add.f32.msk $0xffff, v3  }
0x5f: {  	s25 =	sadd.s32 $0x400, s25;
	s26 =	sadd.s32 $0x80, s26;
	v11 =	vtrunc.f32 v14;
	v7 =	vor.u32 v0, v7;
	v14 =	vmul.f32 $2.560000000e+02, v19;
	[tilespmem:v17+s15+$0x0] =	vst.idx.add.f32.msk $0xffff, v3  }
0x60: {  	v13 =	vtrunc.f32 v13;
	v10 =	vmul.f32 $2.560000000e+02, v10  }
0x61: {  	v12 =	vtrunc.f32 v12;
	v8 =	vcvt.f32.s32 v8  }
0x62: {  	v9 =	vcvt.f32.s32 v9;
	v11 =	vcvt.f32.s32 v11  }
0x63: {  	v14 =	vtrunc.f32 v14;
	v13 =	vcvt.f32.s32 v13;
	v8 =	vshll.u32 v8, $0x4  }
0x64: {  	[tilespmem:v6+s15+$0x0] =	vst.idx.add.f32.msk $0xffff, v3;
	v6 =	vcvt.f32.s32 v12;
	v9 =	vshll.u32 v9, $0x4;
	v8 =	vor.u32 v0, v8  }
0x65: {  	v10 =	vtrunc.f32 v10;
	v11 =	vshll.u32 v11, $0x4;
	v9 =	vor.u32 v0, v9  }
0x66: {  	[tilespmem:v5+s15+$0x0] =	vst.idx.add.f32.msk $0xffff, v3;
	v5 =	vcvt.f32.s32 v14;
	v12 =	vshll.u32 v13, $0x4;
	v11 =	vor.u32 v0, v11  }
0x67: {  	[tilespmem:v4+s15+$0x0] =	vst.idx.add.f32.msk $0xffff, v3;
	v4 =	vcvt.f32.s32 v10;
	v6 =	vshll.u32 v6, $0x4;
	v10 =	vor.u32 v0, v12  }
0x68: {  	[tilespmem:v7+s15+$0x0] =	vst.idx.add.f32.msk $0xffff, v3;
	v5 =	vshll.u32 v5, $0x4;
	v6 =	vor.u32 v0, v6  }
0x69: {  	v4 =	vshll.u32 v4, $0x4;
	v5 =	vor.u32 v0, v5;
	[tilespmem:v8+s15+$0x0] =	vst.idx.add.f32.msk $0xffff, v3  }
0x6a: {  	v4 =	vor.u32 v0, v4;
	[tilespmem:v9+s15+$0x0] =	vst.idx.add.f32.msk $0xffff, v3  }
0x6b: {  	s22 =	sadd.s32 $0x1, s22;
	[tilespmem:v11+s15+$0x0] =	vst.idx.add.f32.msk $0xffff, v3  }
0x6c: {  	s23 =	sshll.u32 s22, $0xD;
	[tilespmem:v10+s15+$0x0] =	vst.idx.add.f32.msk $0xffff, v3  }
0x6d: {  	s25 =	sadd.s32 s4, s23;
	s24 =	sand.u32 $0x6000, s23;
	[tilespmem:v6+s15+$0x0] =	vst.idx.add.f32.msk $0xffff, v3  }
0x6e: {  	s23 =	sand.u32 $0xFFF8000, s25;
	s31 =	sadd.s32 s0, s24;
	[tilespmem:v5+s15+$0x0] =	vst.idx.add.f32.msk $0xffff, v3  }
0x6f: {  	s26 =	simm.s32 $0x0;
	s25 =	sadd.s32 s23, s31;
	[tilespmem:v4+s15+$0x0] =	vst.idx.add.f32.msk $0xffff, v3  }
0x70: {  	[tilespmem:s26], [sflag:$0x1] =	stream.linear.gather [hbm4b:s25+s26], $0x4000, $0x38;
	[tilespmem:$0x11000] =	vst v63  }
0x71: {  	s2 =	sand.u32 $0x3000, s26;
	s28 =	sand.u32 $0xC00, s26;
	_ =	swait.ge [sflag:s16], $0x4000  }
0x72: {  	s26 =	sand.u32 $0x380, s26;
	s25 =	sor.u32 s28, s2;
	[sflag:s16] =	ssyncset.done $0x0  }
0x73: {  	s25 =	sor.u32 s26, s25;
	[sflag:s16] =	ssyncadd.s32 $0xFFFFC000  }
0x74: {  	v4 =	vld [tilespmem:s25+$0x4070]  }
0x75: {  	v5 =	vld [tilespmem:s25+$0x4000]  }
0x76: {  	v6 =	vld [tilespmem:s25+$0x4010]  }
0x77: {  	v7 =	vld [tilespmem:s25+$0x4020]  }
0x78: {  	v8 =	vld [tilespmem:s25+$0x4030]  }
0x79: {  	v9 =	vld [tilespmem:s25+$0x4040]  }
0x7a: {  	v10 =	vld [tilespmem:s25+$0x4050]  }
0x7b: {  	v11 =	vld [tilespmem:s25+$0x4060]  }
0x7c: {  	v4 =	vmul.f32 $2.560000000e+02, v4;
	v5 =	vmul.f32 $2.560000000e+02, v5  }
0x7d: {  	v6 =	vmul.f32 $2.560000000e+02, v6;
	v7 =	vmul.f32 $2.560000000e+02, v7  }
0x7e: {  	v8 =	vmul.f32 $2.560000000e+02, v8;
	v4 =	vtrunc.f32 v4  }
0x7f: {  	s30 =	simm.s32 $0x400;
	s31 =	simm.s32 $0x80;
	v9 =	vmul.f32 $2.560000000e+02, v9;
	v4 =	vcvt.f32.s32 v4  }
0x80: {  	s28 =	sand.u32 $0xC00, s30;
	s26 =	sand.u32 $0x3000, s31;
	s25 =	simm.s32 $0x20;
	v10 =	vmul.f32 $2.560000000e+02, v10;
	v11 =	vmul.f32 $2.560000000e+02, v11  }
0x81: {  	s26 =	sor.u32 s28, s26;
	s29 =	sand.u32 $0x380, s25;
	v5 =	vtrunc.f32 v5;
	v6 =	vtrunc.f32 v6;
	v4 =	vshll.u32 v4, $0x4  }
0x82: {  	s26 =	sor.u32 s29, s26;
	v7 =	vtrunc.f32 v7;
	v8 =	vtrunc.f32 v8;
	v4 =	vor.u32 v0, v4  }
0x83: {  	v14 =	vld [tilespmem:s26+$0x4020];
	v9 =	vtrunc.f32 v9;
	v10 =	vtrunc.f32 v10  }
0x84: {  	v11 =	vtrunc.f32 v11;
	v5 =	vcvt.f32.s32 v5  }
0x85: {  	v12 =	vld [tilespmem:s26+$0x4070];
	v6 =	vcvt.f32.s32 v6;
	v9 =	vcvt.f32.s32 v9  }
0x86: {  	v13 =	vld [tilespmem:s26+$0x4010];
	v10 =	vcvt.f32.s32 v10;
	v11 =	vcvt.f32.s32 v11  }
0x87: {  	v5 =	vshll.u32 v5, $0x4;
	[tilespmem:v4+s15+$0x0] =	vst.idx.add.f32.msk $0xffff, v3;
	v4 =	vcvt.f32.s32 v7;
	v7 =	vcvt.f32.s32 v8  }
0x88: {  	v19 =	vld [tilespmem:s26+$0x4040];
	v14 =	vmul.f32 $2.560000000e+02, v14;
	v6 =	vshll.u32 v6, $0x4;
	v15 =	vor.u32 v0, v5  }
0x89: {  	v16 =	vor.u32 v0, v6;
	v8 =	vld [tilespmem:s26+$0x4000];
	v4 =	vshll.u32 v4, $0x4;
	v5 =	vshll.u32 v7, $0x4  }
0x8a: {  	v7 =	vshll.u32 v9, $0x4;
	v9 =	vld [tilespmem:s26+$0x4030];
	v18 =	vor.u32 v0, v4;
	v4 =	vmul.f32 $2.560000000e+02, v12  }
0x8b: {  	v21 =	vld [tilespmem:s26+$0x4050];
	v17 =	vshll.u32 v10, $0x4;
	v11 =	vshll.u32 v11, $0x4;
	v20 =	vor.u32 v0, v5  }
0x8c: {  	v10 =	vld [tilespmem:s26+$0x4060];
	v6 =	vor.u32 v0, v7;
	v7 =	vmul.f32 $2.560000000e+02, v13;
	v4 =	vtrunc.f32 v4  }
0x8d: {  	[tilespmem:v15+s15+$0x0] =	vst.idx.add.f32.msk $0xffff, v3;
	v5 =	vor.u32 v0, v17;
	v12 =	vmul.f32 $2.560000000e+02, v19;
	v17 =	vcvt.f32.s32 v4  }
0x8e: {  	[tilespmem:v16+s15+$0x0] =	vst.idx.add.f32.msk $0xffff, v3;
	v8 =	vmul.f32 $2.560000000e+02, v8;
	v4 =	vor.u32 v0, v11;
	v11 =	vtrunc.f32 v14  }
0x8f: {  	v13 =	vmul.f32 $2.560000000e+02, v9;
	v9 =	vtrunc.f32 v7;
	v7 =	vshll.u32 v17, $0x4;
	[tilespmem:v18+s15+$0x0] =	vst.idx.add.f32.msk $0xffff, v3  }
0x90: {  	s28 =	simm.s32 $0x800;
	s29 =	simm.s32 $0x100;
	s26 =	simm.s32 $0x8;
	v14 =	vmul.f32 $2.560000000e+02, v21;
	v8 =	vtrunc.f32 v8;
	[tilespmem:v20+s15+$0x0] =	vst.idx.add.f32.msk $0xffff, v3;
	v7 =	vor.u32 v0, v7  }
.LBB2_7:
0x91: {  	s30 =	sand.u32 $0x3000, s29;
	s31 =	sand.u32 $0xC00, s28;
	v13 =	vtrunc.f32 v13;
	v10 =	vmul.f32 $2.560000000e+02, v10;
	s25 =	sadd.s32 $0x20, s25;
	[tilespmem:v6+s15+$0x0] =	vst.idx.add.f32.msk $0xffff, v3  }
0x92: {  	s26 =	sadd.s32 $0x8, s26;
	v6 =	vtrunc.f32 v12;
	s2 =	sand.u32 $0x380, s25;
	s30 =	sor.u32 s31, s30;
	v12 =	vtrunc.f32 v14;
	[tilespmem:v5+s15+$0x0] =	vst.idx.add.f32.msk $0xffff, v3  }
0x93: {  	p0 =	slt.u32 s26, $0x3F8;
	v5 =	vcvt.f32.s32 v8;
	s2 =	sor.u32 s2, s30;
	v8 =	vtrunc.f32 v10;
	[tilespmem:v4+s15+$0x0] =	vst.idx.add.f32.msk $0xffff, v3  }
0x94: {  	v9 =	vcvt.f32.s32 v9;
	v10 =	vcvt.f32.s32 v11;
	v4 =	vld [tilespmem:s2+$0x4070]  }
0x95: {  	v6 =	vcvt.f32.s32 v6;
	v11 =	vcvt.f32.s32 v13;
	v5 =	vshll.u32 v5, $0x4;
	[tilespmem:v7+s15+$0x0] =	vst.idx.add.f32.msk $0xffff, v3  }
0x96: {  	v9 =	vshll.u32 v9, $0x4;
	v12 =	vcvt.f32.s32 v12;
	v8 =	vcvt.f32.s32 v8;
	v7 =	vld [tilespmem:s2+$0x4000]  }
0x97: {  	v6 =	vshll.u32 v6, $0x4;
	v10 =	vshll.u32 v10, $0x4;
	v11 =	vshll.u32 v11, $0x4;
	v13 =	vld [tilespmem:s2+$0x4010]  }
0x98: {  	v15 =	vor.u32 v0, v5;
	v5 =	vshll.u32 v12, $0x4;
	v8 =	vshll.u32 v8, $0x4;
	v14 =	vld [tilespmem:s2+$0x4020]  }
0x99: {  	v9 =	vor.u32 v0, v9;
	v16 =	vor.u32 v0, v10;
	v17 =	vor.u32 v0, v11;
	v12 =	vld [tilespmem:s2+$0x4030]  }
0x9a: {  	v6 =	vor.u32 v0, v6;
	v5 =	vor.u32 v0, v5;
	v18 =	vmul.f32 $2.560000000e+02, v4;
	v11 =	vld [tilespmem:s2+$0x4040]  }
0x9b: {  	v4 =	vor.u32 v0, v8;
	v7 =	vmul.f32 $2.560000000e+02, v7;
	v19 =	vld [tilespmem:s2+$0x4050]  }
.Ltmp2:
0x9c: {  	v8 =	vtrunc.f32 v18;
	v20 =	vmul.f32 $2.560000000e+02, v13;
	v10 =	vld [tilespmem:s2+$0x4060];
	(pc) =	sbr.rel @p0 .LBB2_7-.Ltmp2, $4  }
0x9d: {  	v18 =	vcvt.f32.s32 v8;
	v14 =	vmul.f32 $2.560000000e+02, v14;
	[tilespmem:v15+s15+$0x0] =	vst.idx.add.f32.msk $0xffff, v3  }
0x9e: {  	v8 =	vtrunc.f32 v7;
	v13 =	vmul.f32 $2.560000000e+02, v12;
	[tilespmem:v9+s15+$0x0] =	vst.idx.add.f32.msk $0xffff, v3  }
0x9f: {  	v9 =	vtrunc.f32 v20;
	v7 =	vshll.u32 v18, $0x4;
	v12 =	vmul.f32 $2.560000000e+02, v11;
	[tilespmem:v16+s15+$0x0] =	vst.idx.add.f32.msk $0xffff, v3  }
0xa0: {  	s28 =	sadd.s32 $0x400, s28;
	s29 =	sadd.s32 $0x80, s29;
	v11 =	vtrunc.f32 v14;
	v7 =	vor.u32 v0, v7;
	v14 =	vmul.f32 $2.560000000e+02, v19;
	[tilespmem:v17+s15+$0x0] =	vst.idx.add.f32.msk $0xffff, v3  }
0xa1: {  	v13 =	vtrunc.f32 v13;
	v10 =	vmul.f32 $2.560000000e+02, v10  }
0xa2: {  	v12 =	vtrunc.f32 v12;
	v8 =	vcvt.f32.s32 v8  }
0xa3: {  	v9 =	vcvt.f32.s32 v9;
	v11 =	vcvt.f32.s32 v11  }
0xa4: {  	v14 =	vtrunc.f32 v14;
	v13 =	vcvt.f32.s32 v13;
	v8 =	vshll.u32 v8, $0x4  }
0xa5: {  	[tilespmem:v6+s15+$0x0] =	vst.idx.add.f32.msk $0xffff, v3;
	v6 =	vcvt.f32.s32 v12;
	v9 =	vshll.u32 v9, $0x4;
	v8 =	vor.u32 v0, v8  }
0xa6: {  	v10 =	vtrunc.f32 v10;
	v11 =	vshll.u32 v11, $0x4;
	v9 =	vor.u32 v0, v9  }
0xa7: {  	[tilespmem:v5+s15+$0x0] =	vst.idx.add.f32.msk $0xffff, v3;
	v5 =	vcvt.f32.s32 v14;
	v12 =	vshll.u32 v13, $0x4;
	v11 =	vor.u32 v0, v11  }
0xa8: {  	[tilespmem:v4+s15+$0x0] =	vst.idx.add.f32.msk $0xffff, v3;
	v4 =	vcvt.f32.s32 v10;
	v6 =	vshll.u32 v6, $0x4;
	v10 =	vor.u32 v0, v12  }
0xa9: {  	[tilespmem:v7+s15+$0x0] =	vst.idx.add.f32.msk $0xffff, v3;
	v5 =	vshll.u32 v5, $0x4;
	v6 =	vor.u32 v0, v6  }
0xaa: {  	v4 =	vshll.u32 v4, $0x4;
	v5 =	vor.u32 v0, v5;
	[tilespmem:v8+s15+$0x0] =	vst.idx.add.f32.msk $0xffff, v3  }
0xab: {  	v4 =	vor.u32 v0, v4;
	[tilespmem:v9+s15+$0x0] =	vst.idx.add.f32.msk $0xffff, v3  }
0xac: {  	[tilespmem:v11+s15+$0x0] =	vst.idx.add.f32.msk $0xffff, v3  }
0xad: {  	[tilespmem:v10+s15+$0x0] =	vst.idx.add.f32.msk $0xffff, v3  }
0xae: {  	s2 =	sadd.s32 s24, s0;
	[tilespmem:v6+s15+$0x0] =	vst.idx.add.f32.msk $0xffff, v3  }
0xaf: {  	s23 =	sadd.s32 s23, s2;
	[tilespmem:v5+s15+$0x0] =	vst.idx.add.f32.msk $0xffff, v3  }
0xb0: {  	s31 =	simm.s32 $0x0;
	s2 =	sadd.s32 $0x800, s23;
	[tilespmem:v4+s15+$0x0] =	vst.idx.add.f32.msk $0xffff, v3  }
0xb1: {  	[tilespmem:s11], [sflag:$0x2] =	stream.linear.gather [hbm4b:s2+s31], $0x4000, $0x38;
	[tilespmem:$0x11000] =	vst v63  }
0xb2: {  	s26 =	sand.u32 $0x3000, s31;
	s25 =	sand.u32 $0xC00, s31;
	_ =	swait.ge [sflag:s17], $0x4000  }
0xb3: {  	s24 =	sand.u32 $0x380, s31;
	s2 =	sor.u32 s25, s26;
	[sflag:s17] =	ssyncset.done $0x0  }
0xb4: {  	s2 =	sor.u32 s24, s2;
	[sflag:s17] =	ssyncadd.s32 $0xFFFFC000  }
0xb5: {  	v4 =	vld [tilespmem:s2+$0x8070]  }
0xb6: {  	v5 =	vld [tilespmem:s2+$0x8000]  }
0xb7: {  	v6 =	vld [tilespmem:s2+$0x8010]  }
0xb8: {  	v7 =	vld [tilespmem:s2+$0x8020]  }
0xb9: {  	v8 =	vld [tilespmem:s2+$0x8030]  }
0xba: {  	v9 =	vld [tilespmem:s2+$0x8040]  }
0xbb: {  	v10 =	vld [tilespmem:s2+$0x8050]  }
0xbc: {  	v11 =	vld [tilespmem:s2+$0x8060]  }
0xbd: {  	v4 =	vmul.f32 $2.560000000e+02, v4;
	v5 =	vmul.f32 $2.560000000e+02, v5  }
0xbe: {  	v6 =	vmul.f32 $2.560000000e+02, v6;
	v7 =	vmul.f32 $2.560000000e+02, v7  }
0xbf: {  	v8 =	vmul.f32 $2.560000000e+02, v8;
	v4 =	vtrunc.f32 v4  }
0xc0: {  	s29 =	simm.s32 $0x400;
	s30 =	simm.s32 $0x80;
	v9 =	vmul.f32 $2.560000000e+02, v9;
	v4 =	vcvt.f32.s32 v4  }
0xc1: {  	s31 =	sand.u32 $0x3000, s30;
	s24 =	simm.s32 $0x20;
	s2 =	sand.u32 $0xC00, s29;
	v10 =	vmul.f32 $2.560000000e+02, v10;
	v11 =	vmul.f32 $2.560000000e+02, v11  }
0xc2: {  	s26 =	sand.u32 $0x380, s24;
	s2 =	sor.u32 s2, s31;
	v5 =	vtrunc.f32 v5;
	v6 =	vtrunc.f32 v6;
	v4 =	vshll.u32 v4, $0x4  }
0xc3: {  	s2 =	sor.u32 s26, s2;
	v7 =	vtrunc.f32 v7;
	v8 =	vtrunc.f32 v8;
	v4 =	vor.u32 v0, v4  }
0xc4: {  	v14 =	vld [tilespmem:s2+$0x8020];
	v9 =	vtrunc.f32 v9;
	v10 =	vtrunc.f32 v10  }
0xc5: {  	v11 =	vtrunc.f32 v11;
	v5 =	vcvt.f32.s32 v5  }
0xc6: {  	v12 =	vld [tilespmem:s2+$0x8070];
	v6 =	vcvt.f32.s32 v6;
	v9 =	vcvt.f32.s32 v9  }
0xc7: {  	v13 =	vld [tilespmem:s2+$0x8010];
	v10 =	vcvt.f32.s32 v10;
	v11 =	vcvt.f32.s32 v11  }
0xc8: {  	v5 =	vshll.u32 v5, $0x4;
	[tilespmem:v4+s15+$0x0] =	vst.idx.add.f32.msk $0xffff, v3;
	v4 =	vcvt.f32.s32 v7;
	v7 =	vcvt.f32.s32 v8  }
0xc9: {  	v19 =	vld [tilespmem:s2+$0x8040];
	v14 =	vmul.f32 $2.560000000e+02, v14;
	v6 =	vshll.u32 v6, $0x4;
	v15 =	vor.u32 v0, v5  }
0xca: {  	v16 =	vor.u32 v0, v6;
	v8 =	vld [tilespmem:s2+$0x8000];
	v4 =	vshll.u32 v4, $0x4;
	v5 =	vshll.u32 v7, $0x4  }
0xcb: {  	v7 =	vshll.u32 v9, $0x4;
	v9 =	vld [tilespmem:s2+$0x8030];
	v18 =	vor.u32 v0, v4;
	v4 =	vmul.f32 $2.560000000e+02, v12  }
0xcc: {  	v21 =	vld [tilespmem:s2+$0x8050];
	v17 =	vshll.u32 v10, $0x4;
	v11 =	vshll.u32 v11, $0x4;
	v20 =	vor.u32 v0, v5  }
0xcd: {  	v10 =	vld [tilespmem:s2+$0x8060];
	v6 =	vor.u32 v0, v7;
	v7 =	vmul.f32 $2.560000000e+02, v13;
	v4 =	vtrunc.f32 v4  }
0xce: {  	[tilespmem:v15+s15+$0x0] =	vst.idx.add.f32.msk $0xffff, v3;
	v5 =	vor.u32 v0, v17;
	v12 =	vmul.f32 $2.560000000e+02, v19;
	v17 =	vcvt.f32.s32 v4  }
0xcf: {  	[tilespmem:v16+s15+$0x0] =	vst.idx.add.f32.msk $0xffff, v3;
	v8 =	vmul.f32 $2.560000000e+02, v8;
	v4 =	vor.u32 v0, v11;
	v11 =	vtrunc.f32 v14  }
0xd0: {  	v13 =	vmul.f32 $2.560000000e+02, v9;
	v9 =	vtrunc.f32 v7;
	v7 =	vshll.u32 v17, $0x4;
	[tilespmem:v18+s15+$0x0] =	vst.idx.add.f32.msk $0xffff, v3  }
0xd1: {  	s28 =	simm.s32 $0x100;
	s25 =	simm.s32 $0x8;
	s26 =	simm.s32 $0x800;
	v14 =	vmul.f32 $2.560000000e+02, v21;
	v8 =	vtrunc.f32 v8;
	[tilespmem:v20+s15+$0x0] =	vst.idx.add.f32.msk $0xffff, v3;
	v7 =	vor.u32 v0, v7  }
.LBB2_9:
0xd2: {  	s2 =	sand.u32 $0x3000, s28;
	s29 =	sand.u32 $0xC00, s26;
	v13 =	vtrunc.f32 v13;
	v10 =	vmul.f32 $2.560000000e+02, v10;
	s24 =	sadd.s32 $0x20, s24;
	[tilespmem:v6+s15+$0x0] =	vst.idx.add.f32.msk $0xffff, v3  }
0xd3: {  	s25 =	sadd.s32 $0x8, s25;
	v6 =	vtrunc.f32 v12;
	s30 =	sand.u32 $0x380, s24;
	s2 =	sor.u32 s29, s2;
	v12 =	vtrunc.f32 v14;
	[tilespmem:v5+s15+$0x0] =	vst.idx.add.f32.msk $0xffff, v3  }
0xd4: {  	p0 =	slt.u32 s25, $0x3F8;
	v5 =	vcvt.f32.s32 v8;
	s2 =	sor.u32 s30, s2;
	v8 =	vtrunc.f32 v10;
	[tilespmem:v4+s15+$0x0] =	vst.idx.add.f32.msk $0xffff, v3  }
0xd5: {  	v9 =	vcvt.f32.s32 v9;
	v10 =	vcvt.f32.s32 v11;
	v4 =	vld [tilespmem:s2+$0x8070]  }
0xd6: {  	v6 =	vcvt.f32.s32 v6;
	v11 =	vcvt.f32.s32 v13;
	v5 =	vshll.u32 v5, $0x4;
	[tilespmem:v7+s15+$0x0] =	vst.idx.add.f32.msk $0xffff, v3  }
0xd7: {  	v9 =	vshll.u32 v9, $0x4;
	v12 =	vcvt.f32.s32 v12;
	v8 =	vcvt.f32.s32 v8;
	v7 =	vld [tilespmem:s2+$0x8000]  }
0xd8: {  	v6 =	vshll.u32 v6, $0x4;
	v10 =	vshll.u32 v10, $0x4;
	v11 =	vshll.u32 v11, $0x4;
	v13 =	vld [tilespmem:s2+$0x8010]  }
0xd9: {  	v15 =	vor.u32 v0, v5;
	v5 =	vshll.u32 v12, $0x4;
	v8 =	vshll.u32 v8, $0x4;
	v14 =	vld [tilespmem:s2+$0x8020]  }
0xda: {  	v9 =	vor.u32 v0, v9;
	v16 =	vor.u32 v0, v10;
	v17 =	vor.u32 v0, v11;
	v12 =	vld [tilespmem:s2+$0x8030]  }
0xdb: {  	v6 =	vor.u32 v0, v6;
	v5 =	vor.u32 v0, v5;
	v18 =	vmul.f32 $2.560000000e+02, v4;
	v11 =	vld [tilespmem:s2+$0x8040]  }
0xdc: {  	v4 =	vor.u32 v0, v8;
	v7 =	vmul.f32 $2.560000000e+02, v7;
	v19 =	vld [tilespmem:s2+$0x8050]  }
.Ltmp3:
0xdd: {  	v8 =	vtrunc.f32 v18;
	v20 =	vmul.f32 $2.560000000e+02, v13;
	v10 =	vld [tilespmem:s2+$0x8060];
	(pc) =	sbr.rel @p0 .LBB2_9-.Ltmp3, $4  }
0xde: {  	v18 =	vcvt.f32.s32 v8;
	v14 =	vmul.f32 $2.560000000e+02, v14;
	[tilespmem:v15+s15+$0x0] =	vst.idx.add.f32.msk $0xffff, v3  }
0xdf: {  	v8 =	vtrunc.f32 v7;
	v13 =	vmul.f32 $2.560000000e+02, v12;
	[tilespmem:v9+s15+$0x0] =	vst.idx.add.f32.msk $0xffff, v3  }
0xe0: {  	v9 =	vtrunc.f32 v20;
	v7 =	vshll.u32 v18, $0x4;
	v12 =	vmul.f32 $2.560000000e+02, v11;
	[tilespmem:v16+s15+$0x0] =	vst.idx.add.f32.msk $0xffff, v3  }
0xe1: {  	s26 =	sadd.s32 $0x400, s26;
	s28 =	sadd.s32 $0x80, s28;
	v11 =	vtrunc.f32 v14;
	v7 =	vor.u32 v0, v7;
	v14 =	vmul.f32 $2.560000000e+02, v19;
	[tilespmem:v17+s15+$0x0] =	vst.idx.add.f32.msk $0xffff, v3  }
0xe2: {  	v13 =	vtrunc.f32 v13;
	v10 =	vmul.f32 $2.560000000e+02, v10  }
0xe3: {  	v12 =	vtrunc.f32 v12;
	v8 =	vcvt.f32.s32 v8  }
0xe4: {  	v9 =	vcvt.f32.s32 v9;
	v11 =	vcvt.f32.s32 v11  }
0xe5: {  	v14 =	vtrunc.f32 v14;
	v13 =	vcvt.f32.s32 v13;
	v8 =	vshll.u32 v8, $0x4  }
0xe6: {  	[tilespmem:v6+s15+$0x0] =	vst.idx.add.f32.msk $0xffff, v3;
	v6 =	vcvt.f32.s32 v12;
	v9 =	vshll.u32 v9, $0x4;
	v8 =	vor.u32 v0, v8  }
0xe7: {  	v10 =	vtrunc.f32 v10;
	v11 =	vshll.u32 v11, $0x4;
	v9 =	vor.u32 v0, v9  }
0xe8: {  	[tilespmem:v5+s15+$0x0] =	vst.idx.add.f32.msk $0xffff, v3;
	v5 =	vcvt.f32.s32 v14;
	v12 =	vshll.u32 v13, $0x4;
	v11 =	vor.u32 v0, v11  }
0xe9: {  	[tilespmem:v4+s15+$0x0] =	vst.idx.add.f32.msk $0xffff, v3;
	v4 =	vcvt.f32.s32 v10;
	v6 =	vshll.u32 v6, $0x4;
	v10 =	vor.u32 v0, v12  }
0xea: {  	[tilespmem:v7+s15+$0x0] =	vst.idx.add.f32.msk $0xffff, v3;
	v5 =	vshll.u32 v5, $0x4;
	v6 =	vor.u32 v0, v6  }
0xeb: {  	v4 =	vshll.u32 v4, $0x4;
	v5 =	vor.u32 v0, v5;
	[tilespmem:v8+s15+$0x0] =	vst.idx.add.f32.msk $0xffff, v3  }
0xec: {  	v4 =	vor.u32 v0, v4;
	[tilespmem:v9+s15+$0x0] =	vst.idx.add.f32.msk $0xffff, v3  }
0xed: {  	[tilespmem:v11+s15+$0x0] =	vst.idx.add.f32.msk $0xffff, v3  }
0xee: {  	[tilespmem:v10+s15+$0x0] =	vst.idx.add.f32.msk $0xffff, v3  }
0xef: {  	[tilespmem:v6+s15+$0x0] =	vst.idx.add.f32.msk $0xffff, v3  }
0xf0: {  	[tilespmem:v5+s15+$0x0] =	vst.idx.add.f32.msk $0xffff, v3  }
0xf1: {  	s2 =	sadd.s32 $0x1000, s23;
	s24 =	simm.s32 $0x0;
	[tilespmem:v4+s15+$0x0] =	vst.idx.add.f32.msk $0xffff, v3  }
0xf2: {  	[tilespmem:s12], [sflag:$0x3] =	stream.linear.gather [hbm4b:s2+s24], $0x4000, $0x38;
	[tilespmem:$0x11000] =	vst v63  }
0xf3: {  	s26 =	sand.u32 $0x3000, s24;
	s25 =	sand.u32 $0xC00, s24;
	_ =	swait.ge [sflag:s18], $0x4000  }
0xf4: {  	s24 =	sand.u32 $0x380, s24;
	s2 =	sor.u32 s25, s26;
	[sflag:s18] =	ssyncset.done $0x0  }
0xf5: {  	s2 =	sor.u32 s24, s2;
	[sflag:s18] =	ssyncadd.s32 $0xFFFFC000  }
0xf6: {  	v4 =	vld [tilespmem:s2+$0xC070]  }
0xf7: {  	v5 =	vld [tilespmem:s2+$0xC000]  }
0xf8: {  	v6 =	vld [tilespmem:s2+$0xC010]  }
0xf9: {  	v7 =	vld [tilespmem:s2+$0xC020]  }
0xfa: {  	v8 =	vld [tilespmem:s2+$0xC030]  }
0xfb: {  	v9 =	vld [tilespmem:s2+$0xC040]  }
0xfc: {  	v10 =	vld [tilespmem:s2+$0xC050]  }
0xfd: {  	v11 =	vld [tilespmem:s2+$0xC060]  }
0xfe: {  	v4 =	vmul.f32 $2.560000000e+02, v4;
	v5 =	vmul.f32 $2.560000000e+02, v5  }
0xff: {  	v6 =	vmul.f32 $2.560000000e+02, v6;
	v7 =	vmul.f32 $2.560000000e+02, v7  }
0x100: {  	v8 =	vmul.f32 $2.560000000e+02, v8;
	v4 =	vtrunc.f32 v4  }
0x101: {  	s29 =	simm.s32 $0x400;
	s30 =	simm.s32 $0x80;
	v9 =	vmul.f32 $2.560000000e+02, v9;
	v4 =	vcvt.f32.s32 v4  }
0x102: {  	s31 =	sand.u32 $0x3000, s30;
	s24 =	simm.s32 $0x20;
	s2 =	sand.u32 $0xC00, s29;
	v10 =	vmul.f32 $2.560000000e+02, v10;
	v11 =	vmul.f32 $2.560000000e+02, v11  }
0x103: {  	s26 =	sand.u32 $0x380, s24;
	s2 =	sor.u32 s2, s31;
	v5 =	vtrunc.f32 v5;
	v6 =	vtrunc.f32 v6;
	v4 =	vshll.u32 v4, $0x4  }
0x104: {  	s2 =	sor.u32 s26, s2;
	v7 =	vtrunc.f32 v7;
	v8 =	vtrunc.f32 v8;
	v4 =	vor.u32 v0, v4  }
0x105: {  	v14 =	vld [tilespmem:s2+$0xC020];
	v9 =	vtrunc.f32 v9;
	v10 =	vtrunc.f32 v10  }
0x106: {  	v11 =	vtrunc.f32 v11;
	v5 =	vcvt.f32.s32 v5  }
0x107: {  	v12 =	vld [tilespmem:s2+$0xC070];
	v6 =	vcvt.f32.s32 v6;
	v9 =	vcvt.f32.s32 v9  }
0x108: {  	v13 =	vld [tilespmem:s2+$0xC010];
	v10 =	vcvt.f32.s32 v10;
	v11 =	vcvt.f32.s32 v11  }
0x109: {  	v5 =	vshll.u32 v5, $0x4;
	[tilespmem:v4+s15+$0x0] =	vst.idx.add.f32.msk $0xffff, v3;
	v4 =	vcvt.f32.s32 v7;
	v7 =	vcvt.f32.s32 v8  }
0x10a: {  	v19 =	vld [tilespmem:s2+$0xC040];
	v14 =	vmul.f32 $2.560000000e+02, v14;
	v6 =	vshll.u32 v6, $0x4;
	v15 =	vor.u32 v0, v5  }
0x10b: {  	v16 =	vor.u32 v0, v6;
	v8 =	vld [tilespmem:s2+$0xC000];
	v4 =	vshll.u32 v4, $0x4;
	v5 =	vshll.u32 v7, $0x4  }
0x10c: {  	v7 =	vshll.u32 v9, $0x4;
	v9 =	vld [tilespmem:s2+$0xC030];
	v18 =	vor.u32 v0, v4;
	v4 =	vmul.f32 $2.560000000e+02, v12  }
0x10d: {  	v21 =	vld [tilespmem:s2+$0xC050];
	v17 =	vshll.u32 v10, $0x4;
	v11 =	vshll.u32 v11, $0x4;
	v20 =	vor.u32 v0, v5  }
0x10e: {  	v10 =	vld [tilespmem:s2+$0xC060];
	v6 =	vor.u32 v0, v7;
	v7 =	vmul.f32 $2.560000000e+02, v13;
	v4 =	vtrunc.f32 v4  }
0x10f: {  	[tilespmem:v15+s15+$0x0] =	vst.idx.add.f32.msk $0xffff, v3;
	v5 =	vor.u32 v0, v17;
	v12 =	vmul.f32 $2.560000000e+02, v19;
	v17 =	vcvt.f32.s32 v4  }
0x110: {  	[tilespmem:v16+s15+$0x0] =	vst.idx.add.f32.msk $0xffff, v3;
	v8 =	vmul.f32 $2.560000000e+02, v8;
	v4 =	vor.u32 v0, v11;
	v11 =	vtrunc.f32 v14  }
0x111: {  	v13 =	vmul.f32 $2.560000000e+02, v9;
	v9 =	vtrunc.f32 v7;
	v7 =	vshll.u32 v17, $0x4;
	[tilespmem:v18+s15+$0x0] =	vst.idx.add.f32.msk $0xffff, v3  }
0x112: {  	s28 =	simm.s32 $0x100;
	s25 =	simm.s32 $0x8;
	s26 =	simm.s32 $0x800;
	v14 =	vmul.f32 $2.560000000e+02, v21;
	v8 =	vtrunc.f32 v8;
	[tilespmem:v20+s15+$0x0] =	vst.idx.add.f32.msk $0xffff, v3;
	v7 =	vor.u32 v0, v7  }
.LBB2_11:
0x113: {  	s2 =	sand.u32 $0x3000, s28;
	s29 =	sand.u32 $0xC00, s26;
	v13 =	vtrunc.f32 v13;
	v10 =	vmul.f32 $2.560000000e+02, v10;
	s24 =	sadd.s32 $0x20, s24;
	[tilespmem:v6+s15+$0x0] =	vst.idx.add.f32.msk $0xffff, v3  }
0x114: {  	s25 =	sadd.s32 $0x8, s25;
	v6 =	vtrunc.f32 v12;
	s30 =	sand.u32 $0x380, s24;
	s2 =	sor.u32 s29, s2;
	v12 =	vtrunc.f32 v14;
	[tilespmem:v5+s15+$0x0] =	vst.idx.add.f32.msk $0xffff, v3  }
0x115: {  	p0 =	slt.u32 s25, $0x3F8;
	v5 =	vcvt.f32.s32 v8;
	s2 =	sor.u32 s30, s2;
	v8 =	vtrunc.f32 v10;
	[tilespmem:v4+s15+$0x0] =	vst.idx.add.f32.msk $0xffff, v3  }
0x116: {  	v9 =	vcvt.f32.s32 v9;
	v10 =	vcvt.f32.s32 v11;
	v4 =	vld [tilespmem:s2+$0xC070]  }
0x117: {  	v6 =	vcvt.f32.s32 v6;
	v11 =	vcvt.f32.s32 v13;
	v5 =	vshll.u32 v5, $0x4;
	[tilespmem:v7+s15+$0x0] =	vst.idx.add.f32.msk $0xffff, v3  }
0x118: {  	v9 =	vshll.u32 v9, $0x4;
	v12 =	vcvt.f32.s32 v12;
	v8 =	vcvt.f32.s32 v8;
	v7 =	vld [tilespmem:s2+$0xC000]  }
0x119: {  	v6 =	vshll.u32 v6, $0x4;
	v10 =	vshll.u32 v10, $0x4;
	v11 =	vshll.u32 v11, $0x4;
	v13 =	vld [tilespmem:s2+$0xC010]  }
0x11a: {  	v15 =	vor.u32 v0, v5;
	v5 =	vshll.u32 v12, $0x4;
	v8 =	vshll.u32 v8, $0x4;
	v14 =	vld [tilespmem:s2+$0xC020]  }
0x11b: {  	v9 =	vor.u32 v0, v9;
	v16 =	vor.u32 v0, v10;
	v17 =	vor.u32 v0, v11;
	v12 =	vld [tilespmem:s2+$0xC030]  }
0x11c: {  	v6 =	vor.u32 v0, v6;
	v5 =	vor.u32 v0, v5;
	v18 =	vmul.f32 $2.560000000e+02, v4;
	v11 =	vld [tilespmem:s2+$0xC040]  }
0x11d: {  	v4 =	vor.u32 v0, v8;
	v7 =	vmul.f32 $2.560000000e+02, v7;
	v19 =	vld [tilespmem:s2+$0xC050]  }
.Ltmp4:
0x11e: {  	v8 =	vtrunc.f32 v18;
	v20 =	vmul.f32 $2.560000000e+02, v13;
	v10 =	vld [tilespmem:s2+$0xC060];
	(pc) =	sbr.rel @p0 .LBB2_11-.Ltmp4, $4  }
0x11f: {  	v18 =	vcvt.f32.s32 v8;
	v14 =	vmul.f32 $2.560000000e+02, v14;
	[tilespmem:v15+s15+$0x0] =	vst.idx.add.f32.msk $0xffff, v3  }
0x120: {  	v8 =	vtrunc.f32 v7;
	v13 =	vmul.f32 $2.560000000e+02, v12;
	[tilespmem:v9+s15+$0x0] =	vst.idx.add.f32.msk $0xffff, v3  }
0x121: {  	v9 =	vtrunc.f32 v20;
	v7 =	vshll.u32 v18, $0x4;
	v12 =	vmul.f32 $2.560000000e+02, v11;
	[tilespmem:v16+s15+$0x0] =	vst.idx.add.f32.msk $0xffff, v3  }
0x122: {  	s26 =	sadd.s32 $0x400, s26;
	s28 =	sadd.s32 $0x80, s28;
	v11 =	vtrunc.f32 v14;
	v7 =	vor.u32 v0, v7;
	v14 =	vmul.f32 $2.560000000e+02, v19;
	[tilespmem:v17+s15+$0x0] =	vst.idx.add.f32.msk $0xffff, v3  }
0x123: {  	v13 =	vtrunc.f32 v13;
	v10 =	vmul.f32 $2.560000000e+02, v10  }
0x124: {  	v12 =	vtrunc.f32 v12;
	v8 =	vcvt.f32.s32 v8  }
0x125: {  	v9 =	vcvt.f32.s32 v9;
	v11 =	vcvt.f32.s32 v11  }
0x126: {  	v14 =	vtrunc.f32 v14;
	v13 =	vcvt.f32.s32 v13;
	v8 =	vshll.u32 v8, $0x4  }
0x127: {  	v17 =	vcvt.f32.s32 v12;
	v9 =	vshll.u32 v9, $0x4;
	v8 =	vor.u32 v0, v8  }
0x128: {  	[tilespmem:v6+s15+$0x0] =	vst.idx.add.f32.msk $0xffff, v3;
	v10 =	vtrunc.f32 v10;
	v11 =	vshll.u32 v11, $0x4;
	v9 =	vor.u32 v0, v9  }
0x129: {  	[tilespmem:v5+s15+$0x0] =	vst.idx.add.f32.msk $0xffff, v3;
	v5 =	vcvt.f32.s32 v14;
	v18 =	vshll.u32 v13, $0x4;
	v11 =	vor.u32 v0, v11  }
0x12a: {  	[tilespmem:v4+s15+$0x0] =	vst.idx.add.f32.msk $0xffff, v3;
	v4 =	vcvt.f32.s32 v10;
	v6 =	vshll.u32 v17, $0x4;
	v19 =	vor.u32 v0, v18  }
0x12b: {  	[tilespmem:v7+s15+$0x0] =	vst.idx.add.f32.msk $0xffff, v3;
	v5 =	vshll.u32 v5, $0x4;
	v6 =	vor.u32 v0, v6  }
0x12c: {  	v4 =	vshll.u32 v4, $0x4;
	v5 =	vor.u32 v0, v5;
	[tilespmem:v8+s15+$0x0] =	vst.idx.add.f32.msk $0xffff, v3  }
0x12d: {  	v4 =	vor.u32 v0, v4;
	[tilespmem:v9+s15+$0x0] =	vst.idx.add.f32.msk $0xffff, v3  }
0x12e: {  	p0 =	sne.s32 s22, $0xB;
	[tilespmem:v11+s15+$0x0] =	vst.idx.add.f32.msk $0xffff, v3  }
.Ltmp5:
0x12f: {  	[tilespmem:v19+s15+$0x0] =	vst.idx.add.f32.msk $0xffff, v3;
	(pc) =	sbr.rel @p0 .LBB2_4-.Ltmp5, $4  }
0x130: {  	[tilespmem:v6+s15+$0x0] =	vst.idx.add.f32.msk $0xffff, v3  }
0x131: {  	[tilespmem:v5+s15+$0x0] =	vst.idx.add.f32.msk $0xffff, v3  }
0x132: {  	s2 =	sadd.s32 $0x1800, s23;
	[tilespmem:v4+s15+$0x0] =	vst.idx.add.f32.msk $0xffff, v3  }
0x133: {  	[tilespmem:s13], [sflag:$0x4] =	stream.linear.gather [hbm4b:s2+s3], $0x4000, $0x38;
	[tilespmem:$0x11000] =	vst v63  }
0x134: {  	s2 =	simm.s32 $0x0  }
0x135: {  	_ =	swait.ge [sflag:s14], $0x4000;
	s21 =	sand.u32 $0x3000, s2;
	s22 =	sand.u32 $0xC00, s2  }
0x136: {  	[sflag:s14] =	ssyncset.done $0x0;
	s2 =	sand.u32 $0x380, s2;
	s21 =	sor.u32 s22, s21  }
0x137: {  	[sflag:s14] =	ssyncadd.s32 $0xFFFFC000;
	s2 =	sor.u32 s2, s21  }
0x138: {  	v4 =	vld [tilespmem:s2+$0x70]  }
0x139: {  	v5 =	vld [tilespmem:s2+$0x0]  }
0x13a: {  	v6 =	vld [tilespmem:s2+$0x10]  }
0x13b: {  	v7 =	vld [tilespmem:s2+$0x20]  }
0x13c: {  	v8 =	vld [tilespmem:s2+$0x30]  }
0x13d: {  	v9 =	vld [tilespmem:s2+$0x40]  }
0x13e: {  	v10 =	vld [tilespmem:s2+$0x50]  }
0x13f: {  	v11 =	vld [tilespmem:s2+$0x60]  }
0x140: {  	v4 =	vmul.f32 $2.560000000e+02, v4;
	v5 =	vmul.f32 $2.560000000e+02, v5  }
0x141: {  	v6 =	vmul.f32 $2.560000000e+02, v6;
	v7 =	vmul.f32 $2.560000000e+02, v7  }
0x142: {  	v8 =	vmul.f32 $2.560000000e+02, v8;
	v4 =	vtrunc.f32 v4  }
0x143: {  	s29 =	simm.s32 $0x400;
	s30 =	simm.s32 $0x80;
	v9 =	vmul.f32 $2.560000000e+02, v9;
	v4 =	vcvt.f32.s32 v4  }
0x144: {  	s31 =	sand.u32 $0x3000, s30;
	s21 =	simm.s32 $0x20;
	s2 =	sand.u32 $0xC00, s29;
	v10 =	vmul.f32 $2.560000000e+02, v10;
	v11 =	vmul.f32 $2.560000000e+02, v11  }
0x145: {  	s23 =	sand.u32 $0x380, s21;
	s2 =	sor.u32 s2, s31;
	v5 =	vtrunc.f32 v5;
	v6 =	vtrunc.f32 v6;
	v4 =	vshll.u32 v4, $0x4  }
0x146: {  	s2 =	sor.u32 s23, s2;
	v7 =	vtrunc.f32 v7;
	v8 =	vtrunc.f32 v8;
	v4 =	vor.u32 v0, v4  }
0x147: {  	v14 =	vld [tilespmem:s2+$0x20];
	v9 =	vtrunc.f32 v9;
	v10 =	vtrunc.f32 v10  }
0x148: {  	v11 =	vtrunc.f32 v11;
	v5 =	vcvt.f32.s32 v5  }
0x149: {  	v12 =	vld [tilespmem:s2+$0x70];
	v6 =	vcvt.f32.s32 v6;
	v9 =	vcvt.f32.s32 v9  }
0x14a: {  	v13 =	vld [tilespmem:s2+$0x10];
	v10 =	vcvt.f32.s32 v10;
	v11 =	vcvt.f32.s32 v11  }
0x14b: {  	v5 =	vshll.u32 v5, $0x4;
	[tilespmem:v4+s15+$0x0] =	vst.idx.add.f32.msk $0xffff, v3;
	v4 =	vcvt.f32.s32 v7;
	v7 =	vcvt.f32.s32 v8  }
0x14c: {  	v19 =	vld [tilespmem:s2+$0x40];
	v14 =	vmul.f32 $2.560000000e+02, v14;
	v6 =	vshll.u32 v6, $0x4;
	v15 =	vor.u32 v0, v5  }
0x14d: {  	v16 =	vor.u32 v0, v6;
	v8 =	vld [tilespmem:s2+$0x0];
	v4 =	vshll.u32 v4, $0x4;
	v5 =	vshll.u32 v7, $0x4  }
0x14e: {  	v7 =	vshll.u32 v9, $0x4;
	v9 =	vld [tilespmem:s2+$0x30];
	v18 =	vor.u32 v0, v4;
	v4 =	vmul.f32 $2.560000000e+02, v12  }
0x14f: {  	v21 =	vld [tilespmem:s2+$0x50];
	v17 =	vshll.u32 v10, $0x4;
	v11 =	vshll.u32 v11, $0x4;
	v20 =	vor.u32 v0, v5  }
0x150: {  	v10 =	vld [tilespmem:s2+$0x60];
	v6 =	vor.u32 v0, v7;
	v7 =	vmul.f32 $2.560000000e+02, v13;
	v4 =	vtrunc.f32 v4  }
0x151: {  	[tilespmem:v15+s15+$0x0] =	vst.idx.add.f32.msk $0xffff, v3;
	v5 =	vor.u32 v0, v17;
	v12 =	vmul.f32 $2.560000000e+02, v19;
	v17 =	vcvt.f32.s32 v4  }
0x152: {  	[tilespmem:v16+s15+$0x0] =	vst.idx.add.f32.msk $0xffff, v3;
	v8 =	vmul.f32 $2.560000000e+02, v8;
	v4 =	vor.u32 v0, v11;
	v11 =	vtrunc.f32 v14  }
0x153: {  	v13 =	vmul.f32 $2.560000000e+02, v9;
	v9 =	vtrunc.f32 v7;
	v7 =	vshll.u32 v17, $0x4;
	[tilespmem:v18+s15+$0x0] =	vst.idx.add.f32.msk $0xffff, v3  }
0x154: {  	s24 =	simm.s32 $0x100;
	s22 =	simm.s32 $0x8;
	s23 =	simm.s32 $0x800;
	v14 =	vmul.f32 $2.560000000e+02, v21;
	v8 =	vtrunc.f32 v8;
	[tilespmem:v20+s15+$0x0] =	vst.idx.add.f32.msk $0xffff, v3;
	v7 =	vor.u32 v0, v7  }
.LBB2_14:
0x155: {  	s2 =	sand.u32 $0x3000, s24;
	s25 =	sand.u32 $0xC00, s23;
	v13 =	vtrunc.f32 v13;
	v10 =	vmul.f32 $2.560000000e+02, v10;
	s21 =	sadd.s32 $0x20, s21;
	[tilespmem:v6+s15+$0x0] =	vst.idx.add.f32.msk $0xffff, v3  }
0x156: {  	s22 =	sadd.s32 $0x8, s22;
	v6 =	vtrunc.f32 v12;
	s26 =	sand.u32 $0x380, s21;
	s2 =	sor.u32 s25, s2;
	v12 =	vtrunc.f32 v14;
	[tilespmem:v5+s15+$0x0] =	vst.idx.add.f32.msk $0xffff, v3  }
0x157: {  	p0 =	slt.u32 s22, $0x3F8;
	v5 =	vcvt.f32.s32 v8;
	s2 =	sor.u32 s26, s2;
	v8 =	vtrunc.f32 v10;
	[tilespmem:v4+s15+$0x0] =	vst.idx.add.f32.msk $0xffff, v3  }
0x158: {  	v9 =	vcvt.f32.s32 v9;
	v10 =	vcvt.f32.s32 v11;
	v4 =	vld [tilespmem:s2+$0x70]  }
0x159: {  	v6 =	vcvt.f32.s32 v6;
	v11 =	vcvt.f32.s32 v13;
	v5 =	vshll.u32 v5, $0x4;
	[tilespmem:v7+s15+$0x0] =	vst.idx.add.f32.msk $0xffff, v3  }
0x15a: {  	v9 =	vshll.u32 v9, $0x4;
	v12 =	vcvt.f32.s32 v12;
	v8 =	vcvt.f32.s32 v8;
	v7 =	vld [tilespmem:s2+$0x0]  }
0x15b: {  	v6 =	vshll.u32 v6, $0x4;
	v10 =	vshll.u32 v10, $0x4;
	v11 =	vshll.u32 v11, $0x4;
	v13 =	vld [tilespmem:s2+$0x10]  }
0x15c: {  	v15 =	vor.u32 v0, v5;
	v5 =	vshll.u32 v12, $0x4;
	v8 =	vshll.u32 v8, $0x4;
	v14 =	vld [tilespmem:s2+$0x20]  }
0x15d: {  	v9 =	vor.u32 v0, v9;
	v16 =	vor.u32 v0, v10;
	v17 =	vor.u32 v0, v11;
	v12 =	vld [tilespmem:s2+$0x30]  }
0x15e: {  	v6 =	vor.u32 v0, v6;
	v5 =	vor.u32 v0, v5;
	v18 =	vmul.f32 $2.560000000e+02, v4;
	v11 =	vld [tilespmem:s2+$0x40]  }
0x15f: {  	v4 =	vor.u32 v0, v8;
	v7 =	vmul.f32 $2.560000000e+02, v7;
	v19 =	vld [tilespmem:s2+$0x50]  }
.Ltmp6:
0x160: {  	v8 =	vtrunc.f32 v18;
	v20 =	vmul.f32 $2.560000000e+02, v13;
	v10 =	vld [tilespmem:s2+$0x60];
	(pc) =	sbr.rel @p0 .LBB2_14-.Ltmp6, $4  }
0x161: {  	v18 =	vcvt.f32.s32 v8;
	v14 =	vmul.f32 $2.560000000e+02, v14;
	[tilespmem:v15+s15+$0x0] =	vst.idx.add.f32.msk $0xffff, v3  }
0x162: {  	v8 =	vtrunc.f32 v7;
	v13 =	vmul.f32 $2.560000000e+02, v12;
	[tilespmem:v9+s15+$0x0] =	vst.idx.add.f32.msk $0xffff, v3  }
0x163: {  	v9 =	vtrunc.f32 v20;
	v7 =	vshll.u32 v18, $0x4;
	v12 =	vmul.f32 $2.560000000e+02, v11;
	[tilespmem:v16+s15+$0x0] =	vst.idx.add.f32.msk $0xffff, v3  }
0x164: {  	s23 =	sadd.s32 $0x400, s23;
	s24 =	sadd.s32 $0x80, s24;
	v11 =	vtrunc.f32 v14;
	v7 =	vor.u32 v0, v7;
	v14 =	vmul.f32 $2.560000000e+02, v19;
	[tilespmem:v17+s15+$0x0] =	vst.idx.add.f32.msk $0xffff, v3  }
0x165: {  	v13 =	vtrunc.f32 v13;
	v10 =	vmul.f32 $2.560000000e+02, v10  }
0x166: {  	v12 =	vtrunc.f32 v12;
	v8 =	vcvt.f32.s32 v8  }
0x167: {  	v9 =	vcvt.f32.s32 v9;
	v11 =	vcvt.f32.s32 v11  }
0x168: {  	v14 =	vtrunc.f32 v14;
	v13 =	vcvt.f32.s32 v13;
	v8 =	vshll.u32 v8, $0x4  }
0x169: {  	[tilespmem:v6+s15+$0x0] =	vst.idx.add.f32.msk $0xffff, v3;
	v6 =	vcvt.f32.s32 v12;
	v9 =	vshll.u32 v9, $0x4;
	v8 =	vor.u32 v0, v8  }
0x16a: {  	v10 =	vtrunc.f32 v10;
	v11 =	vshll.u32 v11, $0x4;
	v9 =	vor.u32 v0, v9  }
0x16b: {  	[tilespmem:v5+s15+$0x0] =	vst.idx.add.f32.msk $0xffff, v3;
	v5 =	vcvt.f32.s32 v14;
	v12 =	vshll.u32 v13, $0x4;
	v11 =	vor.u32 v0, v11  }
0x16c: {  	[tilespmem:v4+s15+$0x0] =	vst.idx.add.f32.msk $0xffff, v3;
	v4 =	vcvt.f32.s32 v10;
	v6 =	vshll.u32 v6, $0x4;
	v10 =	vor.u32 v0, v12  }
0x16d: {  	[tilespmem:v7+s15+$0x0] =	vst.idx.add.f32.msk $0xffff, v3;
	v5 =	vshll.u32 v5, $0x4;
	v6 =	vor.u32 v0, v6  }
0x16e: {  	v4 =	vshll.u32 v4, $0x4;
	v5 =	vor.u32 v0, v5;
	[tilespmem:v8+s15+$0x0] =	vst.idx.add.f32.msk $0xffff, v3  }
0x16f: {  	v4 =	vor.u32 v0, v4;
	[tilespmem:v9+s15+$0x0] =	vst.idx.add.f32.msk $0xffff, v3  }
0x170: {  	[tilespmem:v11+s15+$0x0] =	vst.idx.add.f32.msk $0xffff, v3  }
0x171: {  	[tilespmem:v10+s15+$0x0] =	vst.idx.add.f32.msk $0xffff, v3  }
0x172: {  	[tilespmem:v6+s15+$0x0] =	vst.idx.add.f32.msk $0xffff, v3  }
0x173: {  	[tilespmem:v5+s15+$0x0] =	vst.idx.add.f32.msk $0xffff, v3  }
0x174: {  	s2 =	simm.s32 $0x0;
	[tilespmem:v4+s15+$0x0] =	vst.idx.add.f32.msk $0xffff, v3  }
0x175: {  	s21 =	sand.u32 $0x3000, s2;
	s22 =	sand.u32 $0xC00, s2;
	_ =	swait.ge [sflag:s16], $0x4000  }
0x176: {  	s2 =	sand.u32 $0x380, s2;
	s21 =	sor.u32 s22, s21;
	[sflag:s16] =	ssyncset.done $0x0  }
0x177: {  	s2 =	sor.u32 s2, s21;
	[sflag:s16] =	ssyncadd.s32 $0xFFFFC000  }
0x178: {  	v4 =	vld [tilespmem:s2+$0x4070]  }
0x179: {  	v5 =	vld [tilespmem:s2+$0x4000]  }
0x17a: {  	v6 =	vld [tilespmem:s2+$0x4010]  }
0x17b: {  	v7 =	vld [tilespmem:s2+$0x4020]  }
0x17c: {  	v8 =	vld [tilespmem:s2+$0x4030]  }
0x17d: {  	v9 =	vld [tilespmem:s2+$0x4040]  }
0x17e: {  	v10 =	vld [tilespmem:s2+$0x4050]  }
0x17f: {  	v11 =	vld [tilespmem:s2+$0x4060]  }
0x180: {  	v4 =	vmul.f32 $2.560000000e+02, v4;
	v5 =	vmul.f32 $2.560000000e+02, v5  }
0x181: {  	v6 =	vmul.f32 $2.560000000e+02, v6;
	v7 =	vmul.f32 $2.560000000e+02, v7  }
0x182: {  	v8 =	vmul.f32 $2.560000000e+02, v8;
	v4 =	vtrunc.f32 v4  }
0x183: {  	s29 =	simm.s32 $0x400;
	s30 =	simm.s32 $0x80;
	v9 =	vmul.f32 $2.560000000e+02, v9;
	v4 =	vcvt.f32.s32 v4  }
0x184: {  	s31 =	sand.u32 $0x3000, s30;
	s21 =	simm.s32 $0x20;
	s2 =	sand.u32 $0xC00, s29;
	v10 =	vmul.f32 $2.560000000e+02, v10;
	v11 =	vmul.f32 $2.560000000e+02, v11  }
0x185: {  	s23 =	sand.u32 $0x380, s21;
	s2 =	sor.u32 s2, s31;
	v5 =	vtrunc.f32 v5;
	v6 =	vtrunc.f32 v6;
	v4 =	vshll.u32 v4, $0x4  }
0x186: {  	s2 =	sor.u32 s23, s2;
	v7 =	vtrunc.f32 v7;
	v8 =	vtrunc.f32 v8;
	v4 =	vor.u32 v0, v4  }
0x187: {  	v14 =	vld [tilespmem:s2+$0x4020];
	v9 =	vtrunc.f32 v9;
	v10 =	vtrunc.f32 v10  }
0x188: {  	v11 =	vtrunc.f32 v11;
	v5 =	vcvt.f32.s32 v5  }
0x189: {  	v12 =	vld [tilespmem:s2+$0x4070];
	v6 =	vcvt.f32.s32 v6;
	v9 =	vcvt.f32.s32 v9  }
0x18a: {  	v13 =	vld [tilespmem:s2+$0x4010];
	v10 =	vcvt.f32.s32 v10;
	v11 =	vcvt.f32.s32 v11  }
0x18b: {  	v5 =	vshll.u32 v5, $0x4;
	[tilespmem:v4+s15+$0x0] =	vst.idx.add.f32.msk $0xffff, v3;
	v4 =	vcvt.f32.s32 v7;
	v7 =	vcvt.f32.s32 v8  }
0x18c: {  	v19 =	vld [tilespmem:s2+$0x4040];
	v14 =	vmul.f32 $2.560000000e+02, v14;
	v6 =	vshll.u32 v6, $0x4;
	v15 =	vor.u32 v0, v5  }
0x18d: {  	v16 =	vor.u32 v0, v6;
	v8 =	vld [tilespmem:s2+$0x4000];
	v4 =	vshll.u32 v4, $0x4;
	v5 =	vshll.u32 v7, $0x4  }
0x18e: {  	v7 =	vshll.u32 v9, $0x4;
	v9 =	vld [tilespmem:s2+$0x4030];
	v18 =	vor.u32 v0, v4;
	v4 =	vmul.f32 $2.560000000e+02, v12  }
0x18f: {  	v21 =	vld [tilespmem:s2+$0x4050];
	v17 =	vshll.u32 v10, $0x4;
	v11 =	vshll.u32 v11, $0x4;
	v20 =	vor.u32 v0, v5  }
0x190: {  	v10 =	vld [tilespmem:s2+$0x4060];
	v6 =	vor.u32 v0, v7;
	v7 =	vmul.f32 $2.560000000e+02, v13;
	v4 =	vtrunc.f32 v4  }
0x191: {  	[tilespmem:v15+s15+$0x0] =	vst.idx.add.f32.msk $0xffff, v3;
	v5 =	vor.u32 v0, v17;
	v12 =	vmul.f32 $2.560000000e+02, v19;
	v17 =	vcvt.f32.s32 v4  }
0x192: {  	[tilespmem:v16+s15+$0x0] =	vst.idx.add.f32.msk $0xffff, v3;
	v8 =	vmul.f32 $2.560000000e+02, v8;
	v4 =	vor.u32 v0, v11;
	v11 =	vtrunc.f32 v14  }
0x193: {  	v13 =	vmul.f32 $2.560000000e+02, v9;
	v9 =	vtrunc.f32 v7;
	v7 =	vshll.u32 v17, $0x4;
	[tilespmem:v18+s15+$0x0] =	vst.idx.add.f32.msk $0xffff, v3  }
0x194: {  	s24 =	simm.s32 $0x100;
	s22 =	simm.s32 $0x8;
	s23 =	simm.s32 $0x800;
	v14 =	vmul.f32 $2.560000000e+02, v21;
	v8 =	vtrunc.f32 v8;
	[tilespmem:v20+s15+$0x0] =	vst.idx.add.f32.msk $0xffff, v3;
	v7 =	vor.u32 v0, v7  }
.LBB2_16:
0x195: {  	s2 =	sand.u32 $0x3000, s24;
	s25 =	sand.u32 $0xC00, s23;
	v13 =	vtrunc.f32 v13;
	v10 =	vmul.f32 $2.560000000e+02, v10;
	s21 =	sadd.s32 $0x20, s21;
	[tilespmem:v6+s15+$0x0] =	vst.idx.add.f32.msk $0xffff, v3  }
0x196: {  	s22 =	sadd.s32 $0x8, s22;
	v6 =	vtrunc.f32 v12;
	s26 =	sand.u32 $0x380, s21;
	s2 =	sor.u32 s25, s2;
	v12 =	vtrunc.f32 v14;
	[tilespmem:v5+s15+$0x0] =	vst.idx.add.f32.msk $0xffff, v3  }
0x197: {  	p0 =	slt.u32 s22, $0x3F8;
	v5 =	vcvt.f32.s32 v8;
	s2 =	sor.u32 s26, s2;
	v8 =	vtrunc.f32 v10;
	[tilespmem:v4+s15+$0x0] =	vst.idx.add.f32.msk $0xffff, v3  }
0x198: {  	v9 =	vcvt.f32.s32 v9;
	v10 =	vcvt.f32.s32 v11;
	v4 =	vld [tilespmem:s2+$0x4070]  }
0x199: {  	v6 =	vcvt.f32.s32 v6;
	v11 =	vcvt.f32.s32 v13;
	v5 =	vshll.u32 v5, $0x4;
	[tilespmem:v7+s15+$0x0] =	vst.idx.add.f32.msk $0xffff, v3  }
0x19a: {  	v9 =	vshll.u32 v9, $0x4;
	v12 =	vcvt.f32.s32 v12;
	v8 =	vcvt.f32.s32 v8;
	v7 =	vld [tilespmem:s2+$0x4000]  }
0x19b: {  	v6 =	vshll.u32 v6, $0x4;
	v10 =	vshll.u32 v10, $0x4;
	v11 =	vshll.u32 v11, $0x4;
	v13 =	vld [tilespmem:s2+$0x4010]  }
0x19c: {  	v15 =	vor.u32 v0, v5;
	v5 =	vshll.u32 v12, $0x4;
	v8 =	vshll.u32 v8, $0x4;
	v14 =	vld [tilespmem:s2+$0x4020]  }
0x19d: {  	v9 =	vor.u32 v0, v9;
	v16 =	vor.u32 v0, v10;
	v17 =	vor.u32 v0, v11;
	v12 =	vld [tilespmem:s2+$0x4030]  }
0x19e: {  	v6 =	vor.u32 v0, v6;
	v5 =	vor.u32 v0, v5;
	v18 =	vmul.f32 $2.560000000e+02, v4;
	v11 =	vld [tilespmem:s2+$0x4040]  }
0x19f: {  	v4 =	vor.u32 v0, v8;
	v7 =	vmul.f32 $2.560000000e+02, v7;
	v19 =	vld [tilespmem:s2+$0x4050]  }
.Ltmp7:
0x1a0: {  	v8 =	vtrunc.f32 v18;
	v20 =	vmul.f32 $2.560000000e+02, v13;
	v10 =	vld [tilespmem:s2+$0x4060];
	(pc) =	sbr.rel @p0 .LBB2_16-.Ltmp7, $4  }
0x1a1: {  	v18 =	vcvt.f32.s32 v8;
	v14 =	vmul.f32 $2.560000000e+02, v14;
	[tilespmem:v15+s15+$0x0] =	vst.idx.add.f32.msk $0xffff, v3  }
0x1a2: {  	v8 =	vtrunc.f32 v7;
	v13 =	vmul.f32 $2.560000000e+02, v12;
	[tilespmem:v9+s15+$0x0] =	vst.idx.add.f32.msk $0xffff, v3  }
0x1a3: {  	v9 =	vtrunc.f32 v20;
	v7 =	vshll.u32 v18, $0x4;
	v12 =	vmul.f32 $2.560000000e+02, v11;
	[tilespmem:v16+s15+$0x0] =	vst.idx.add.f32.msk $0xffff, v3  }
0x1a4: {  	s23 =	sadd.s32 $0x400, s23;
	s24 =	sadd.s32 $0x80, s24;
	v11 =	vtrunc.f32 v14;
	v7 =	vor.u32 v0, v7;
	v14 =	vmul.f32 $2.560000000e+02, v19;
	[tilespmem:v17+s15+$0x0] =	vst.idx.add.f32.msk $0xffff, v3  }
0x1a5: {  	v13 =	vtrunc.f32 v13;
	v10 =	vmul.f32 $2.560000000e+02, v10  }
0x1a6: {  	v12 =	vtrunc.f32 v12;
	v8 =	vcvt.f32.s32 v8  }
0x1a7: {  	v9 =	vcvt.f32.s32 v9;
	v11 =	vcvt.f32.s32 v11  }
0x1a8: {  	v14 =	vtrunc.f32 v14;
	v13 =	vcvt.f32.s32 v13;
	v8 =	vshll.u32 v8, $0x4  }
0x1a9: {  	[tilespmem:v6+s15+$0x0] =	vst.idx.add.f32.msk $0xffff, v3;
	v6 =	vcvt.f32.s32 v12;
	v9 =	vshll.u32 v9, $0x4;
	v8 =	vor.u32 v0, v8  }
0x1aa: {  	v10 =	vtrunc.f32 v10;
	v11 =	vshll.u32 v11, $0x4;
	v9 =	vor.u32 v0, v9  }
0x1ab: {  	[tilespmem:v5+s15+$0x0] =	vst.idx.add.f32.msk $0xffff, v3;
	v5 =	vcvt.f32.s32 v14;
	v12 =	vshll.u32 v13, $0x4;
	v11 =	vor.u32 v0, v11  }
0x1ac: {  	[tilespmem:v4+s15+$0x0] =	vst.idx.add.f32.msk $0xffff, v3;
	v4 =	vcvt.f32.s32 v10;
	v6 =	vshll.u32 v6, $0x4;
	v10 =	vor.u32 v0, v12  }
0x1ad: {  	[tilespmem:v7+s15+$0x0] =	vst.idx.add.f32.msk $0xffff, v3;
	v5 =	vshll.u32 v5, $0x4;
	v6 =	vor.u32 v0, v6  }
0x1ae: {  	v4 =	vshll.u32 v4, $0x4;
	v5 =	vor.u32 v0, v5;
	[tilespmem:v8+s15+$0x0] =	vst.idx.add.f32.msk $0xffff, v3  }
0x1af: {  	v4 =	vor.u32 v0, v4;
	[tilespmem:v9+s15+$0x0] =	vst.idx.add.f32.msk $0xffff, v3  }
0x1b0: {  	[tilespmem:v11+s15+$0x0] =	vst.idx.add.f32.msk $0xffff, v3  }
0x1b1: {  	[tilespmem:v10+s15+$0x0] =	vst.idx.add.f32.msk $0xffff, v3  }
0x1b2: {  	[tilespmem:v6+s15+$0x0] =	vst.idx.add.f32.msk $0xffff, v3  }
0x1b3: {  	[tilespmem:v5+s15+$0x0] =	vst.idx.add.f32.msk $0xffff, v3  }
0x1b4: {  	s2 =	simm.s32 $0x0;
	[tilespmem:v4+s15+$0x0] =	vst.idx.add.f32.msk $0xffff, v3  }
0x1b5: {  	s21 =	sand.u32 $0x3000, s2;
	s22 =	sand.u32 $0xC00, s2;
	_ =	swait.ge [sflag:s17], $0x4000  }
0x1b6: {  	s2 =	sand.u32 $0x380, s2;
	s21 =	sor.u32 s22, s21;
	[sflag:s17] =	ssyncset.done $0x0  }
0x1b7: {  	s2 =	sor.u32 s2, s21;
	[sflag:s17] =	ssyncadd.s32 $0xFFFFC000  }
0x1b8: {  	v4 =	vld [tilespmem:s2+$0x8070]  }
0x1b9: {  	v5 =	vld [tilespmem:s2+$0x8000]  }
0x1ba: {  	v6 =	vld [tilespmem:s2+$0x8010]  }
0x1bb: {  	v7 =	vld [tilespmem:s2+$0x8020]  }
0x1bc: {  	v8 =	vld [tilespmem:s2+$0x8030]  }
0x1bd: {  	v9 =	vld [tilespmem:s2+$0x8040]  }
0x1be: {  	v10 =	vld [tilespmem:s2+$0x8050]  }
0x1bf: {  	v11 =	vld [tilespmem:s2+$0x8060]  }
0x1c0: {  	v4 =	vmul.f32 $2.560000000e+02, v4;
	v5 =	vmul.f32 $2.560000000e+02, v5  }
0x1c1: {  	v6 =	vmul.f32 $2.560000000e+02, v6;
	v7 =	vmul.f32 $2.560000000e+02, v7  }
0x1c2: {  	v8 =	vmul.f32 $2.560000000e+02, v8;
	v4 =	vtrunc.f32 v4  }
0x1c3: {  	s29 =	simm.s32 $0x400;
	s30 =	simm.s32 $0x80;
	v9 =	vmul.f32 $2.560000000e+02, v9;
	v4 =	vcvt.f32.s32 v4  }
0x1c4: {  	s31 =	sand.u32 $0x3000, s30;
	s21 =	simm.s32 $0x20;
	s2 =	sand.u32 $0xC00, s29;
	v10 =	vmul.f32 $2.560000000e+02, v10;
	v11 =	vmul.f32 $2.560000000e+02, v11  }
0x1c5: {  	s23 =	sand.u32 $0x380, s21;
	s2 =	sor.u32 s2, s31;
	v5 =	vtrunc.f32 v5;
	v6 =	vtrunc.f32 v6;
	v4 =	vshll.u32 v4, $0x4  }
0x1c6: {  	s2 =	sor.u32 s23, s2;
	v7 =	vtrunc.f32 v7;
	v8 =	vtrunc.f32 v8;
	v4 =	vor.u32 v0, v4  }
0x1c7: {  	v14 =	vld [tilespmem:s2+$0x8020];
	v9 =	vtrunc.f32 v9;
	v10 =	vtrunc.f32 v10  }
0x1c8: {  	v11 =	vtrunc.f32 v11;
	v5 =	vcvt.f32.s32 v5  }
0x1c9: {  	v12 =	vld [tilespmem:s2+$0x8070];
	v6 =	vcvt.f32.s32 v6;
	v9 =	vcvt.f32.s32 v9  }
0x1ca: {  	v13 =	vld [tilespmem:s2+$0x8010];
	v10 =	vcvt.f32.s32 v10;
	v11 =	vcvt.f32.s32 v11  }
0x1cb: {  	v5 =	vshll.u32 v5, $0x4;
	[tilespmem:v4+s15+$0x0] =	vst.idx.add.f32.msk $0xffff, v3;
	v4 =	vcvt.f32.s32 v7;
	v7 =	vcvt.f32.s32 v8  }
0x1cc: {  	v19 =	vld [tilespmem:s2+$0x8040];
	v14 =	vmul.f32 $2.560000000e+02, v14;
	v6 =	vshll.u32 v6, $0x4;
	v15 =	vor.u32 v0, v5  }
0x1cd: {  	v16 =	vor.u32 v0, v6;
	v8 =	vld [tilespmem:s2+$0x8000];
	v4 =	vshll.u32 v4, $0x4;
	v5 =	vshll.u32 v7, $0x4  }
0x1ce: {  	v7 =	vshll.u32 v9, $0x4;
	v9 =	vld [tilespmem:s2+$0x8030];
	v18 =	vor.u32 v0, v4;
	v4 =	vmul.f32 $2.560000000e+02, v12  }
0x1cf: {  	v21 =	vld [tilespmem:s2+$0x8050];
	v17 =	vshll.u32 v10, $0x4;
	v11 =	vshll.u32 v11, $0x4;
	v20 =	vor.u32 v0, v5  }
0x1d0: {  	v10 =	vld [tilespmem:s2+$0x8060];
	v6 =	vor.u32 v0, v7;
	v7 =	vmul.f32 $2.560000000e+02, v13;
	v4 =	vtrunc.f32 v4  }
0x1d1: {  	[tilespmem:v15+s15+$0x0] =	vst.idx.add.f32.msk $0xffff, v3;
	v5 =	vor.u32 v0, v17;
	v12 =	vmul.f32 $2.560000000e+02, v19;
	v17 =	vcvt.f32.s32 v4  }
0x1d2: {  	[tilespmem:v16+s15+$0x0] =	vst.idx.add.f32.msk $0xffff, v3;
	v8 =	vmul.f32 $2.560000000e+02, v8;
	v4 =	vor.u32 v0, v11;
	v11 =	vtrunc.f32 v14  }
0x1d3: {  	v13 =	vmul.f32 $2.560000000e+02, v9;
	v9 =	vtrunc.f32 v7;
	v7 =	vshll.u32 v17, $0x4;
	[tilespmem:v18+s15+$0x0] =	vst.idx.add.f32.msk $0xffff, v3  }
0x1d4: {  	s24 =	simm.s32 $0x100;
	s22 =	simm.s32 $0x8;
	s23 =	simm.s32 $0x800;
	v14 =	vmul.f32 $2.560000000e+02, v21;
	v8 =	vtrunc.f32 v8;
	[tilespmem:v20+s15+$0x0] =	vst.idx.add.f32.msk $0xffff, v3;
	v7 =	vor.u32 v0, v7  }
.LBB2_18:
0x1d5: {  	s2 =	sand.u32 $0x3000, s24;
	s25 =	sand.u32 $0xC00, s23;
	v13 =	vtrunc.f32 v13;
	v10 =	vmul.f32 $2.560000000e+02, v10;
	s21 =	sadd.s32 $0x20, s21;
	[tilespmem:v6+s15+$0x0] =	vst.idx.add.f32.msk $0xffff, v3  }
0x1d6: {  	s22 =	sadd.s32 $0x8, s22;
	v6 =	vtrunc.f32 v12;
	s26 =	sand.u32 $0x380, s21;
	s2 =	sor.u32 s25, s2;
	v12 =	vtrunc.f32 v14;
	[tilespmem:v5+s15+$0x0] =	vst.idx.add.f32.msk $0xffff, v3  }
0x1d7: {  	p0 =	slt.u32 s22, $0x3F8;
	v5 =	vcvt.f32.s32 v8;
	s2 =	sor.u32 s26, s2;
	v8 =	vtrunc.f32 v10;
	[tilespmem:v4+s15+$0x0] =	vst.idx.add.f32.msk $0xffff, v3  }
0x1d8: {  	v9 =	vcvt.f32.s32 v9;
	v10 =	vcvt.f32.s32 v11;
	v4 =	vld [tilespmem:s2+$0x8070]  }
0x1d9: {  	v6 =	vcvt.f32.s32 v6;
	v11 =	vcvt.f32.s32 v13;
	v5 =	vshll.u32 v5, $0x4;
	[tilespmem:v7+s15+$0x0] =	vst.idx.add.f32.msk $0xffff, v3  }
0x1da: {  	v9 =	vshll.u32 v9, $0x4;
	v12 =	vcvt.f32.s32 v12;
	v8 =	vcvt.f32.s32 v8;
	v7 =	vld [tilespmem:s2+$0x8000]  }
0x1db: {  	v6 =	vshll.u32 v6, $0x4;
	v10 =	vshll.u32 v10, $0x4;
	v11 =	vshll.u32 v11, $0x4;
	v13 =	vld [tilespmem:s2+$0x8010]  }
0x1dc: {  	v15 =	vor.u32 v0, v5;
	v5 =	vshll.u32 v12, $0x4;
	v8 =	vshll.u32 v8, $0x4;
	v14 =	vld [tilespmem:s2+$0x8020]  }
0x1dd: {  	v9 =	vor.u32 v0, v9;
	v16 =	vor.u32 v0, v10;
	v17 =	vor.u32 v0, v11;
	v12 =	vld [tilespmem:s2+$0x8030]  }
0x1de: {  	v6 =	vor.u32 v0, v6;
	v5 =	vor.u32 v0, v5;
	v18 =	vmul.f32 $2.560000000e+02, v4;
	v11 =	vld [tilespmem:s2+$0x8040]  }
0x1df: {  	v4 =	vor.u32 v0, v8;
	v7 =	vmul.f32 $2.560000000e+02, v7;
	v19 =	vld [tilespmem:s2+$0x8050]  }
.Ltmp8:
0x1e0: {  	v8 =	vtrunc.f32 v18;
	v20 =	vmul.f32 $2.560000000e+02, v13;
	v10 =	vld [tilespmem:s2+$0x8060];
	(pc) =	sbr.rel @p0 .LBB2_18-.Ltmp8, $4  }
0x1e1: {  	v18 =	vcvt.f32.s32 v8;
	v14 =	vmul.f32 $2.560000000e+02, v14;
	[tilespmem:v15+s15+$0x0] =	vst.idx.add.f32.msk $0xffff, v3  }
0x1e2: {  	v8 =	vtrunc.f32 v7;
	v13 =	vmul.f32 $2.560000000e+02, v12;
	[tilespmem:v9+s15+$0x0] =	vst.idx.add.f32.msk $0xffff, v3  }
0x1e3: {  	v9 =	vtrunc.f32 v20;
	v7 =	vshll.u32 v18, $0x4;
	v12 =	vmul.f32 $2.560000000e+02, v11;
	[tilespmem:v16+s15+$0x0] =	vst.idx.add.f32.msk $0xffff, v3  }
0x1e4: {  	s23 =	sadd.s32 $0x400, s23;
	s24 =	sadd.s32 $0x80, s24;
	v11 =	vtrunc.f32 v14;
	v7 =	vor.u32 v0, v7;
	v14 =	vmul.f32 $2.560000000e+02, v19;
	[tilespmem:v17+s15+$0x0] =	vst.idx.add.f32.msk $0xffff, v3  }
0x1e5: {  	v13 =	vtrunc.f32 v13;
	v10 =	vmul.f32 $2.560000000e+02, v10  }
0x1e6: {  	v12 =	vtrunc.f32 v12;
	v8 =	vcvt.f32.s32 v8  }
0x1e7: {  	v9 =	vcvt.f32.s32 v9;
	v11 =	vcvt.f32.s32 v11  }
0x1e8: {  	v14 =	vtrunc.f32 v14;
	v13 =	vcvt.f32.s32 v13;
	v8 =	vshll.u32 v8, $0x4  }
0x1e9: {  	[tilespmem:v6+s15+$0x0] =	vst.idx.add.f32.msk $0xffff, v3;
	v6 =	vcvt.f32.s32 v12;
	v9 =	vshll.u32 v9, $0x4;
	v8 =	vor.u32 v0, v8  }
0x1ea: {  	v10 =	vtrunc.f32 v10;
	v11 =	vshll.u32 v11, $0x4;
	v9 =	vor.u32 v0, v9  }
0x1eb: {  	[tilespmem:v5+s15+$0x0] =	vst.idx.add.f32.msk $0xffff, v3;
	v5 =	vcvt.f32.s32 v14;
	v12 =	vshll.u32 v13, $0x4;
	v11 =	vor.u32 v0, v11  }
0x1ec: {  	[tilespmem:v4+s15+$0x0] =	vst.idx.add.f32.msk $0xffff, v3;
	v4 =	vcvt.f32.s32 v10;
	v6 =	vshll.u32 v6, $0x4;
	v10 =	vor.u32 v0, v12  }
0x1ed: {  	[tilespmem:v7+s15+$0x0] =	vst.idx.add.f32.msk $0xffff, v3;
	v5 =	vshll.u32 v5, $0x4;
	v6 =	vor.u32 v0, v6  }
0x1ee: {  	v4 =	vshll.u32 v4, $0x4;
	v5 =	vor.u32 v0, v5;
	[tilespmem:v8+s15+$0x0] =	vst.idx.add.f32.msk $0xffff, v3  }
0x1ef: {  	v4 =	vor.u32 v0, v4;
	[tilespmem:v9+s15+$0x0] =	vst.idx.add.f32.msk $0xffff, v3  }
0x1f0: {  	[tilespmem:v11+s15+$0x0] =	vst.idx.add.f32.msk $0xffff, v3  }
0x1f1: {  	[tilespmem:v10+s15+$0x0] =	vst.idx.add.f32.msk $0xffff, v3  }
0x1f2: {  	[tilespmem:v6+s15+$0x0] =	vst.idx.add.f32.msk $0xffff, v3  }
0x1f3: {  	[tilespmem:v5+s15+$0x0] =	vst.idx.add.f32.msk $0xffff, v3  }
0x1f4: {  	s2 =	simm.s32 $0x0;
	[tilespmem:v4+s15+$0x0] =	vst.idx.add.f32.msk $0xffff, v3  }
0x1f5: {  	s21 =	sand.u32 $0x3000, s2;
	s22 =	sand.u32 $0xC00, s2;
	_ =	swait.ge [sflag:s18], $0x4000  }
0x1f6: {  	s2 =	sand.u32 $0x380, s2;
	s21 =	sor.u32 s22, s21;
	[sflag:s18] =	ssyncset.done $0x0  }
0x1f7: {  	s2 =	sor.u32 s2, s21;
	[sflag:s18] =	ssyncadd.s32 $0xFFFFC000  }
0x1f8: {  	v4 =	vld [tilespmem:s2+$0xC070]  }
0x1f9: {  	v5 =	vld [tilespmem:s2+$0xC000]  }
0x1fa: {  	v6 =	vld [tilespmem:s2+$0xC010]  }
0x1fb: {  	v7 =	vld [tilespmem:s2+$0xC020]  }
0x1fc: {  	v8 =	vld [tilespmem:s2+$0xC030]  }
0x1fd: {  	v9 =	vld [tilespmem:s2+$0xC040]  }
0x1fe: {  	v10 =	vld [tilespmem:s2+$0xC050]  }
0x1ff: {  	v11 =	vld [tilespmem:s2+$0xC060]  }
0x200: {  	v4 =	vmul.f32 $2.560000000e+02, v4;
	v5 =	vmul.f32 $2.560000000e+02, v5  }
0x201: {  	v6 =	vmul.f32 $2.560000000e+02, v6;
	v7 =	vmul.f32 $2.560000000e+02, v7  }
0x202: {  	v8 =	vmul.f32 $2.560000000e+02, v8;
	v4 =	vtrunc.f32 v4  }
0x203: {  	s29 =	simm.s32 $0x400;
	s30 =	simm.s32 $0x80;
	v9 =	vmul.f32 $2.560000000e+02, v9;
	v4 =	vcvt.f32.s32 v4  }
0x204: {  	s31 =	sand.u32 $0x3000, s30;
	s21 =	simm.s32 $0x20;
	s2 =	sand.u32 $0xC00, s29;
	v10 =	vmul.f32 $2.560000000e+02, v10;
	v11 =	vmul.f32 $2.560000000e+02, v11  }
0x205: {  	s23 =	sand.u32 $0x380, s21;
	s2 =	sor.u32 s2, s31;
	v5 =	vtrunc.f32 v5;
	v6 =	vtrunc.f32 v6;
	v4 =	vshll.u32 v4, $0x4  }
0x206: {  	s2 =	sor.u32 s23, s2;
	v7 =	vtrunc.f32 v7;
	v8 =	vtrunc.f32 v8;
	v4 =	vor.u32 v0, v4  }
0x207: {  	v14 =	vld [tilespmem:s2+$0xC020];
	v9 =	vtrunc.f32 v9;
	v10 =	vtrunc.f32 v10  }
0x208: {  	v11 =	vtrunc.f32 v11;
	v5 =	vcvt.f32.s32 v5  }
0x209: {  	v12 =	vld [tilespmem:s2+$0xC070];
	v6 =	vcvt.f32.s32 v6;
	v9 =	vcvt.f32.s32 v9  }
0x20a: {  	v13 =	vld [tilespmem:s2+$0xC010];
	v10 =	vcvt.f32.s32 v10;
	v11 =	vcvt.f32.s32 v11  }
0x20b: {  	v5 =	vshll.u32 v5, $0x4;
	[tilespmem:v4+s15+$0x0] =	vst.idx.add.f32.msk $0xffff, v3;
	v4 =	vcvt.f32.s32 v7;
	v7 =	vcvt.f32.s32 v8  }
0x20c: {  	v19 =	vld [tilespmem:s2+$0xC040];
	v14 =	vmul.f32 $2.560000000e+02, v14;
	v6 =	vshll.u32 v6, $0x4;
	v15 =	vor.u32 v0, v5  }
0x20d: {  	v16 =	vor.u32 v0, v6;
	v8 =	vld [tilespmem:s2+$0xC000];
	v4 =	vshll.u32 v4, $0x4;
	v5 =	vshll.u32 v7, $0x4  }
0x20e: {  	v7 =	vshll.u32 v9, $0x4;
	v9 =	vld [tilespmem:s2+$0xC030];
	v18 =	vor.u32 v0, v4;
	v4 =	vmul.f32 $2.560000000e+02, v12  }
0x20f: {  	v21 =	vld [tilespmem:s2+$0xC050];
	v17 =	vshll.u32 v10, $0x4;
	v11 =	vshll.u32 v11, $0x4;
	v20 =	vor.u32 v0, v5  }
0x210: {  	v10 =	vld [tilespmem:s2+$0xC060];
	v6 =	vor.u32 v0, v7;
	v7 =	vmul.f32 $2.560000000e+02, v13;
	v4 =	vtrunc.f32 v4  }
0x211: {  	[tilespmem:v15+s15+$0x0] =	vst.idx.add.f32.msk $0xffff, v3;
	v5 =	vor.u32 v0, v17;
	v12 =	vmul.f32 $2.560000000e+02, v19;
	v17 =	vcvt.f32.s32 v4  }
0x212: {  	[tilespmem:v16+s15+$0x0] =	vst.idx.add.f32.msk $0xffff, v3;
	v8 =	vmul.f32 $2.560000000e+02, v8;
	v4 =	vor.u32 v0, v11;
	v11 =	vtrunc.f32 v14  }
0x213: {  	v13 =	vmul.f32 $2.560000000e+02, v9;
	v9 =	vtrunc.f32 v7;
	v7 =	vshll.u32 v17, $0x4;
	[tilespmem:v18+s15+$0x0] =	vst.idx.add.f32.msk $0xffff, v3  }
0x214: {  	s24 =	simm.s32 $0x100;
	s22 =	simm.s32 $0x8;
	s23 =	simm.s32 $0x800;
	v14 =	vmul.f32 $2.560000000e+02, v21;
	v8 =	vtrunc.f32 v8;
	[tilespmem:v20+s15+$0x0] =	vst.idx.add.f32.msk $0xffff, v3;
	v7 =	vor.u32 v0, v7  }
.LBB2_20:
0x215: {  	s2 =	sand.u32 $0x3000, s24;
	s25 =	sand.u32 $0xC00, s23;
	v13 =	vtrunc.f32 v13;
	v10 =	vmul.f32 $2.560000000e+02, v10;
	s21 =	sadd.s32 $0x20, s21;
	[tilespmem:v6+s15+$0x0] =	vst.idx.add.f32.msk $0xffff, v3  }
0x216: {  	s22 =	sadd.s32 $0x8, s22;
	v6 =	vtrunc.f32 v12;
	s26 =	sand.u32 $0x380, s21;
	s2 =	sor.u32 s25, s2;
	v12 =	vtrunc.f32 v14;
	[tilespmem:v5+s15+$0x0] =	vst.idx.add.f32.msk $0xffff, v3  }
0x217: {  	p0 =	slt.u32 s22, $0x3F8;
	v5 =	vcvt.f32.s32 v8;
	s2 =	sor.u32 s26, s2;
	v8 =	vtrunc.f32 v10;
	[tilespmem:v4+s15+$0x0] =	vst.idx.add.f32.msk $0xffff, v3  }
0x218: {  	v9 =	vcvt.f32.s32 v9;
	v10 =	vcvt.f32.s32 v11;
	v4 =	vld [tilespmem:s2+$0xC070]  }
0x219: {  	v6 =	vcvt.f32.s32 v6;
	v11 =	vcvt.f32.s32 v13;
	v5 =	vshll.u32 v5, $0x4;
	[tilespmem:v7+s15+$0x0] =	vst.idx.add.f32.msk $0xffff, v3  }
0x21a: {  	v9 =	vshll.u32 v9, $0x4;
	v12 =	vcvt.f32.s32 v12;
	v8 =	vcvt.f32.s32 v8;
	v7 =	vld [tilespmem:s2+$0xC000]  }
0x21b: {  	v6 =	vshll.u32 v6, $0x4;
	v10 =	vshll.u32 v10, $0x4;
	v11 =	vshll.u32 v11, $0x4;
	v13 =	vld [tilespmem:s2+$0xC010]  }
0x21c: {  	v15 =	vor.u32 v0, v5;
	v5 =	vshll.u32 v12, $0x4;
	v8 =	vshll.u32 v8, $0x4;
	v14 =	vld [tilespmem:s2+$0xC020]  }
0x21d: {  	v9 =	vor.u32 v0, v9;
	v16 =	vor.u32 v0, v10;
	v17 =	vor.u32 v0, v11;
	v12 =	vld [tilespmem:s2+$0xC030]  }
0x21e: {  	v6 =	vor.u32 v0, v6;
	v5 =	vor.u32 v0, v5;
	v18 =	vmul.f32 $2.560000000e+02, v4;
	v11 =	vld [tilespmem:s2+$0xC040]  }
0x21f: {  	v4 =	vor.u32 v0, v8;
	v7 =	vmul.f32 $2.560000000e+02, v7;
	v19 =	vld [tilespmem:s2+$0xC050]  }
.Ltmp9:
0x220: {  	v8 =	vtrunc.f32 v18;
	v20 =	vmul.f32 $2.560000000e+02, v13;
	v10 =	vld [tilespmem:s2+$0xC060];
	(pc) =	sbr.rel @p0 .LBB2_20-.Ltmp9, $4  }
0x221: {  	v18 =	vcvt.f32.s32 v8;
	v14 =	vmul.f32 $2.560000000e+02, v14;
	[tilespmem:v15+s15+$0x0] =	vst.idx.add.f32.msk $0xffff, v3  }
0x222: {  	v8 =	vtrunc.f32 v7;
	v13 =	vmul.f32 $2.560000000e+02, v12;
	[tilespmem:v9+s15+$0x0] =	vst.idx.add.f32.msk $0xffff, v3  }
0x223: {  	v9 =	vtrunc.f32 v20;
	v7 =	vshll.u32 v18, $0x4;
	v12 =	vmul.f32 $2.560000000e+02, v11;
	[tilespmem:v16+s15+$0x0] =	vst.idx.add.f32.msk $0xffff, v3  }
0x224: {  	s23 =	sadd.s32 $0x400, s23;
	s24 =	sadd.s32 $0x80, s24;
	v11 =	vtrunc.f32 v14;
	v7 =	vor.u32 v0, v7;
	v14 =	vmul.f32 $2.560000000e+02, v19;
	[tilespmem:v17+s15+$0x0] =	vst.idx.add.f32.msk $0xffff, v3  }
0x225: {  	v13 =	vtrunc.f32 v13;
	v10 =	vmul.f32 $2.560000000e+02, v10  }
0x226: {  	v12 =	vtrunc.f32 v12;
	v8 =	vcvt.f32.s32 v8  }
0x227: {  	v9 =	vcvt.f32.s32 v9;
	v11 =	vcvt.f32.s32 v11  }
0x228: {  	v14 =	vtrunc.f32 v14;
	v13 =	vcvt.f32.s32 v13;
	v8 =	vshll.u32 v8, $0x4  }
0x229: {  	v18 =	vcvt.f32.s32 v12;
	v9 =	vshll.u32 v9, $0x4;
	v8 =	vor.u32 v0, v8  }
0x22a: {  	[tilespmem:v6+s15+$0x0] =	vst.idx.add.f32.msk $0xffff, v3;
	v10 =	vtrunc.f32 v10;
	v11 =	vshll.u32 v11, $0x4;
	v9 =	vor.u32 v0, v9  }
0x22b: {  	[tilespmem:v5+s15+$0x0] =	vst.idx.add.f32.msk $0xffff, v3;
	v5 =	vcvt.f32.s32 v14;
	v19 =	vshll.u32 v13, $0x4;
	v11 =	vor.u32 v0, v11  }
0x22c: {  	[tilespmem:v4+s15+$0x0] =	vst.idx.add.f32.msk $0xffff, v3;
	v4 =	vcvt.f32.s32 v10;
	v6 =	vshll.u32 v18, $0x4;
	v12 =	vor.u32 v0, v19  }
0x22d: {  	[tilespmem:v7+s15+$0x0] =	vst.idx.add.f32.msk $0xffff, v3;
	v5 =	vshll.u32 v5, $0x4;
	v6 =	vor.u32 v0, v6  }
0x22e: {  	v4 =	vshll.u32 v4, $0x4;
	v5 =	vor.u32 v0, v5;
	[tilespmem:v8+s15+$0x0] =	vst.idx.add.f32.msk $0xffff, v3  }
0x22f: {  	v4 =	vor.u32 v0, v4;
	[tilespmem:v9+s15+$0x0] =	vst.idx.add.f32.msk $0xffff, v3  }
0x230: {  	[tilespmem:v11+s15+$0x0] =	vst.idx.add.f32.msk $0xffff, v3  }
0x231: {  	[tilespmem:v12+s15+$0x0] =	vst.idx.add.f32.msk $0xffff, v3  }
0x232: {  	[tilespmem:v6+s15+$0x0] =	vst.idx.add.f32.msk $0xffff, v3  }
0x233: {  	[tilespmem:v5+s15+$0x0] =	vst.idx.add.f32.msk $0xffff, v3  }
0x234: {  	[tilespmem:v4+s15+$0x0] =	vst.idx.add.f32.msk $0xffff, v3  }
0x235: {  	v5 =	vld [tilespmem:$0x1FEE0];
	_ =	sdelay $0x5  }
0x236: {  	v4 =	vld.idx.msk [tilespmem:v1+s15+$0x0], $0xffff;
	_ =	sdelay $0x1  }
0x237: {  	v5 =	vld.idx.msk [tilespmem:v5+s15+$0x0], $0xffff  }
0x238: {  	v6 =	vld [tilespmem:$0x1FEF0];
	_ =	sdelay $0x1  }
0x239: {  	v7 =	vld [tilespmem:$0x1FF00];
	v4 =	vadd.f32 $0.0e+00, v4;
	_ =	sdelay $0x1  }
0x23a: {  	v4 =	vadd.f32 v5, v4;
	v5 =	vld [tilespmem:$0x1FF10];
	_ =	sdelay $0x3  }
0x23b: {  	v6 =	vld.idx.msk [tilespmem:v6+s15+$0x0], $0xffff;
	_ =	sdelay $0x1  }
0x23c: {  	v7 =	vld.idx.msk [tilespmem:v7+s15+$0x0], $0xffff;
	_ =	sdelay $0x1  }
0x23d: {  	v5 =	vld.idx.msk [tilespmem:v5+s15+$0x0], $0xffff  }
0x23e: {  	v13 =	vld [tilespmem:$0x1FF20];
	v4 =	vadd.f32 v6, v4;
	_ =	sdelay $0x1  }
0x23f: {  	v14 =	vld [tilespmem:$0x1FF30];
	v4 =	vadd.f32 v7, v4;
	_ =	sdelay $0x1  }
0x240: {  	v4 =	vadd.f32 v5, v4;
	v5 =	vld [tilespmem:$0x1FF40];
	_ =	sdelay $0x3  }
0x241: {  	v6 =	vld.idx.msk [tilespmem:v13+s15+$0x0], $0xffff;
	_ =	sdelay $0x1  }
0x242: {  	v7 =	vld.idx.msk [tilespmem:v14+s15+$0x0], $0xffff;
	_ =	sdelay $0x1  }
0x243: {  	v5 =	vld.idx.msk [tilespmem:v5+s15+$0x0], $0xffff  }
0x244: {  	v15 =	vld [tilespmem:$0x1FF50];
	v4 =	vadd.f32 v6, v4;
	_ =	sdelay $0x1  }
0x245: {  	v16 =	vld [tilespmem:$0x1FF60];
	v4 =	vadd.f32 v7, v4;
	_ =	sdelay $0x1  }
0x246: {  	v4 =	vadd.f32 v5, v4;
	v5 =	vld [tilespmem:$0x1FF70];
	_ =	sdelay $0x3  }
0x247: {  	v6 =	vld.idx.msk [tilespmem:v15+s15+$0x0], $0xffff;
	_ =	sdelay $0x1  }
0x248: {  	v7 =	vld.idx.msk [tilespmem:v16+s15+$0x0], $0xffff;
	_ =	sdelay $0x1  }
0x249: {  	v5 =	vld.idx.msk [tilespmem:v5+s15+$0x0], $0xffff  }
0x24a: {  	v17 =	vld [tilespmem:$0x1FF80];
	v4 =	vadd.f32 v6, v4;
	_ =	sdelay $0x1  }
0x24b: {  	v18 =	vld [tilespmem:$0x1FF90];
	v4 =	vadd.f32 v7, v4;
	_ =	sdelay $0x1  }
0x24c: {  	v4 =	vadd.f32 v5, v4;
	v5 =	vld [tilespmem:$0x1FFA0];
	_ =	sdelay $0x1  }
0x24d: {  	v19 =	vld [tilespmem:$0x1FFB0]  }
0x24e: {  	v9 =	vld [tilespmem:$0x1FFC0]  }
0x24f: {  	v6 =	vld.idx.msk [tilespmem:v17+s15+$0x0], $0xffff;
	_ =	sdelay $0x1  }
0x250: {  	v7 =	vld.idx.msk [tilespmem:v18+s15+$0x0], $0xffff;
	_ =	sdelay $0x1  }
0x251: {  	v5 =	vld.idx.msk [tilespmem:v5+s15+$0x0], $0xffff  }
0x252: {  	v4 =	vadd.f32 v6, v4  }
0x253: {  	v6 =	vld.idx.msk [tilespmem:v19+s15+$0x0], $0xffff  }
0x254: {  	v4 =	vadd.f32 v7, v4  }
0x255: {  	v7 =	vld.idx.msk [tilespmem:v9+s15+$0x0], $0xffff  }
0x256: {  	v4 =	vadd.f32 v5, v4;
	_ =	sdelay $0x1  }
0x257: {  	v4 =	vadd.f32 v6, v4;
	_ =	sdelay $0x1  }
0x258: {  	v4 =	vadd.f32 v7, v4;
	_ =	sdelay $0x1  }
0x259: {  	[tilespmem:$0x10000] =	vst v4;
	v4 =	vld [tilespmem:$0x1FFD0];
	_ =	sdelay $0x1  }
0x25a: {  	v5 =	vld [tilespmem:$0x1FFE0];
	_ =	sdelay $0x1  }
0x25b: {  	v10 =	vld [tilespmem:$0x1FFF0];
	_ =	sdelay $0x3  }
0x25c: {  	v4 =	vld.idx.msk [tilespmem:v4+s15+$0x0], $0xffff;
	_ =	sdelay $0x1  }
0x25d: {  	v5 =	vld.idx.msk [tilespmem:v5+s15+$0x0], $0xffff;
	_ =	sdelay $0x1  }
0x25e: {  	v6 =	vld.idx.msk [tilespmem:v10+s15+$0x0], $0xffff  }
0x25f: {  	v4 =	vadd.f32 $0.0e+00, v4  }
0x260: {  	v11 =	vld.idx.msk [tilespmem:v22+s15+$0x0], $0xffff  }
0x261: {  	v4 =	vadd.f32 v5, v4  }
0x262: {  	v5 =	vld.idx.msk [tilespmem:v23+s15+$0x0], $0xffff  }
0x263: {  	v4 =	vadd.f32 v6, v4  }
0x264: {  	v12 =	vld.idx.msk [tilespmem:v24+s15+$0x0], $0xffff  }
0x265: {  	v4 =	vadd.f32 v11, v4  }
0x266: {  	v13 =	vld.idx.msk [tilespmem:v25+s15+$0x0], $0xffff  }
0x267: {  	v4 =	vadd.f32 v5, v4  }
0x268: {  	v5 =	vld.idx.msk [tilespmem:v26+s15+$0x0], $0xffff  }
0x269: {  	v4 =	vadd.f32 v12, v4  }
0x26a: {  	v14 =	vld.idx.msk [tilespmem:v27+s15+$0x0], $0xffff  }
0x26b: {  	v4 =	vadd.f32 v13, v4  }
0x26c: {  	v15 =	vld.idx.msk [tilespmem:v28+s15+$0x0], $0xffff  }
0x26d: {  	v4 =	vadd.f32 v5, v4  }
0x26e: {  	v5 =	vld.idx.msk [tilespmem:v29+s15+$0x0], $0xffff  }
0x26f: {  	v4 =	vadd.f32 v14, v4  }
0x270: {  	v16 =	vld.idx.msk [tilespmem:v30+s15+$0x0], $0xffff  }
0x271: {  	v4 =	vadd.f32 v15, v4  }
0x272: {  	v17 =	vld.idx.msk [tilespmem:v31+s15+$0x0], $0xffff  }
0x273: {  	v4 =	vadd.f32 v5, v4  }
0x274: {  	v5 =	vld.idx.msk [tilespmem:v32+s15+$0x0], $0xffff  }
0x275: {  	v4 =	vadd.f32 v16, v4  }
0x276: {  	v18 =	vld.idx.msk [tilespmem:v33+s15+$0x0], $0xffff  }
0x277: {  	v4 =	vadd.f32 v17, v4  }
0x278: {  	v19 =	vld.idx.msk [tilespmem:v34+s15+$0x0], $0xffff  }
0x279: {  	v4 =	vadd.f32 v5, v4;
	_ =	sdelay $0x1  }
0x27a: {  	v4 =	vadd.f32 v18, v4;
	_ =	sdelay $0x1  }
0x27b: {  	v4 =	vadd.f32 v19, v4;
	_ =	sdelay $0x1  }
0x27c: {  	[tilespmem:$0x10010] =	vst v4  }
0x27d: {  	v4 =	vld.idx.msk [tilespmem:v35+s15+$0x0], $0xffff;
	_ =	sdelay $0x1  }
0x27e: {  	v5 =	vld.idx.msk [tilespmem:v36+s15+$0x0], $0xffff;
	_ =	sdelay $0x1  }
0x27f: {  	v9 =	vld.idx.msk [tilespmem:v37+s15+$0x0], $0xffff  }
0x280: {  	v4 =	vadd.f32 $0.0e+00, v4  }
0x281: {  	v10 =	vld.idx.msk [tilespmem:v38+s15+$0x0], $0xffff  }
0x282: {  	v4 =	vadd.f32 v5, v4  }
0x283: {  	v5 =	vld.idx.msk [tilespmem:v39+s15+$0x0], $0xffff  }
0x284: {  	v4 =	vadd.f32 v9, v4  }
0x285: {  	v11 =	vld.idx.msk [tilespmem:v40+s15+$0x0], $0xffff  }
0x286: {  	v4 =	vadd.f32 v10, v4  }
0x287: {  	v12 =	vld.idx.msk [tilespmem:v41+s15+$0x0], $0xffff  }
0x288: {  	v4 =	vadd.f32 v5, v4  }
0x289: {  	v5 =	vld.idx.msk [tilespmem:v42+s15+$0x0], $0xffff  }
0x28a: {  	v4 =	vadd.f32 v11, v4  }
0x28b: {  	v13 =	vld.idx.msk [tilespmem:v43+s15+$0x0], $0xffff  }
0x28c: {  	v4 =	vadd.f32 v12, v4  }
0x28d: {  	v14 =	vld.idx.msk [tilespmem:v44+s15+$0x0], $0xffff  }
0x28e: {  	v4 =	vadd.f32 v5, v4  }
0x28f: {  	v5 =	vld.idx.msk [tilespmem:v45+s15+$0x0], $0xffff  }
0x290: {  	v4 =	vadd.f32 v13, v4  }
0x291: {  	v15 =	vld.idx.msk [tilespmem:v46+s15+$0x0], $0xffff  }
0x292: {  	v4 =	vadd.f32 v14, v4  }
0x293: {  	v16 =	vld.idx.msk [tilespmem:v47+s15+$0x0], $0xffff  }
0x294: {  	v4 =	vadd.f32 v5, v4  }
0x295: {  	v5 =	vld.idx.msk [tilespmem:v48+s15+$0x0], $0xffff  }
0x296: {  	v4 =	vadd.f32 v15, v4  }
0x297: {  	v17 =	vld.idx.msk [tilespmem:v49+s15+$0x0], $0xffff  }
0x298: {  	v4 =	vadd.f32 v16, v4  }
0x299: {  	v18 =	vld.idx.msk [tilespmem:v50+s15+$0x0], $0xffff  }
0x29a: {  	v4 =	vadd.f32 v5, v4;
	_ =	sdelay $0x1  }
0x29b: {  	v4 =	vadd.f32 v17, v4;
	_ =	sdelay $0x1  }
0x29c: {  	v4 =	vadd.f32 v18, v4;
	_ =	sdelay $0x1  }
0x29d: {  	[tilespmem:$0x10020] =	vst v4  }
0x29e: {  	v4 =	vld.idx.msk [tilespmem:v51+s15+$0x0], $0xffff;
	_ =	sdelay $0x1  }
0x29f: {  	v5 =	vld.idx.msk [tilespmem:v52+s15+$0x0], $0xffff;
	_ =	sdelay $0x1  }
0x2a0: {  	v19 =	vld.idx.msk [tilespmem:v53+s15+$0x0], $0xffff  }
0x2a1: {  	v4 =	vadd.f32 $0.0e+00, v4  }
0x2a2: {  	v9 =	vld.idx.msk [tilespmem:v54+s15+$0x0], $0xffff  }
0x2a3: {  	v4 =	vadd.f32 v5, v4  }
0x2a4: {  	v5 =	vld.idx.msk [tilespmem:v55+s15+$0x0], $0xffff  }
0x2a5: {  	v4 =	vadd.f32 v19, v4  }
0x2a6: {  	v10 =	vld.idx.msk [tilespmem:v56+s15+$0x0], $0xffff  }
0x2a7: {  	v4 =	vadd.f32 v9, v4  }
0x2a8: {  	v11 =	vld.idx.msk [tilespmem:v57+s15+$0x0], $0xffff  }
0x2a9: {  	v4 =	vadd.f32 v5, v4  }
0x2aa: {  	v5 =	vld.idx.msk [tilespmem:v58+s15+$0x0], $0xffff  }
0x2ab: {  	v4 =	vadd.f32 v10, v4  }
0x2ac: {  	v12 =	vld.idx.msk [tilespmem:v59+s15+$0x0], $0xffff  }
0x2ad: {  	v4 =	vadd.f32 v11, v4  }
0x2ae: {  	v13 =	vld.idx.msk [tilespmem:v60+s15+$0x0], $0xffff  }
0x2af: {  	v4 =	vadd.f32 v5, v4  }
0x2b0: {  	v5 =	vld.idx.msk [tilespmem:v61+s15+$0x0], $0xffff  }
0x2b1: {  	v14 =	vor.u32 $0x30D, v1;
	v4 =	vadd.f32 v12, v4  }
0x2b2: {  	v8 =	vld.idx.msk [tilespmem:v62+s15+$0x0], $0xffff  }
0x2b3: {  	v15 =	vor.u32 $0x30E, v1;
	v4 =	vadd.f32 v13, v4  }
0x2b4: {  	v9 =	vld.idx.msk [tilespmem:v63+s15+$0x0], $0xffff  }
0x2b5: {  	v4 =	vadd.f32 v5, v4;
	v5 =	vor.u32 $0x30F, v1  }
0x2b6: {  	v6 =	vld.idx.msk [tilespmem:v14+s15+$0x0], $0xffff  }
0x2b7: {  	v4 =	vadd.f32 v8, v4  }
0x2b8: {  	v7 =	vld.idx.msk [tilespmem:v15+s15+$0x0], $0xffff  }
0x2b9: {  	v4 =	vadd.f32 v9, v4  }
0x2ba: {  	v5 =	vld.idx.msk [tilespmem:v5+s15+$0x0], $0xffff  }
0x2bb: {  	v4 =	vadd.f32 v6, v4;
	_ =	sdelay $0x1  }
0x2bc: {  	v16 =	vor.u32 $0x400, v1;
	v4 =	vadd.f32 v7, v4;
	_ =	sdelay $0x1  }
0x2bd: {  	v4 =	vadd.f32 v5, v4;
	v5 =	vor.u32 $0x401, v1;
	_ =	sdelay $0x1  }
0x2be: {  	[tilespmem:$0x10030] =	vst v4;
	v4 =	vor.u32 $0x402, v1  }
0x2bf: {  	v6 =	vld.idx.msk [tilespmem:v16+s15+$0x0], $0xffff  }
0x2c0: {  	v17 =	vor.u32 $0x403, v1  }
0x2c1: {  	v5 =	vld.idx.msk [tilespmem:v5+s15+$0x0], $0xffff  }
0x2c2: {  	v18 =	vor.u32 $0x404, v1  }
0x2c3: {  	v4 =	vld.idx.msk [tilespmem:v4+s15+$0x0], $0xffff  }
0x2c4: {  	v19 =	vor.u32 $0x405, v1;
	v6 =	vadd.f32 $0.0e+00, v6  }
0x2c5: {  	v7 =	vld.idx.msk [tilespmem:v17+s15+$0x0], $0xffff  }
0x2c6: {  	v12 =	vor.u32 $0x406, v1;
	v5 =	vadd.f32 v5, v6  }
0x2c7: {  	v8 =	vld.idx.msk [tilespmem:v18+s15+$0x0], $0xffff  }
0x2c8: {  	v4 =	vadd.f32 v4, v5;
	v5 =	vor.u32 $0x407, v1  }
0x2c9: {  	v9 =	vld.idx.msk [tilespmem:v19+s15+$0x0], $0xffff  }
0x2ca: {  	v13 =	vor.u32 $0x408, v1;
	v4 =	vadd.f32 v7, v4  }
0x2cb: {  	v6 =	vld.idx.msk [tilespmem:v12+s15+$0x0], $0xffff  }
0x2cc: {  	v14 =	vor.u32 $0x409, v1;
	v4 =	vadd.f32 v8, v4  }
0x2cd: {  	v5 =	vld.idx.msk [tilespmem:v5+s15+$0x0], $0xffff  }
0x2ce: {  	v15 =	vor.u32 $0x40A, v1;
	v4 =	vadd.f32 v9, v4  }
0x2cf: {  	v7 =	vld.idx.msk [tilespmem:v13+s15+$0x0], $0xffff  }
0x2d0: {  	v16 =	vor.u32 $0x40B, v1;
	v4 =	vadd.f32 v6, v4  }
0x2d1: {  	v8 =	vld.idx.msk [tilespmem:v14+s15+$0x0], $0xffff  }
0x2d2: {  	v4 =	vadd.f32 v5, v4;
	v5 =	vor.u32 $0x40C, v1  }
0x2d3: {  	v9 =	vld.idx.msk [tilespmem:v15+s15+$0x0], $0xffff  }
0x2d4: {  	v17 =	vor.u32 $0x40D, v1;
	v4 =	vadd.f32 v7, v4  }
0x2d5: {  	v6 =	vld.idx.msk [tilespmem:v16+s15+$0x0], $0xffff  }
0x2d6: {  	v18 =	vor.u32 $0x40E, v1;
	v4 =	vadd.f32 v8, v4  }
0x2d7: {  	v5 =	vld.idx.msk [tilespmem:v5+s15+$0x0], $0xffff  }
0x2d8: {  	v19 =	vor.u32 $0x40F, v1;
	v4 =	vadd.f32 v9, v4  }
0x2d9: {  	v7 =	vld.idx.msk [tilespmem:v17+s15+$0x0], $0xffff  }
0x2da: {  	v4 =	vadd.f32 v6, v4  }
0x2db: {  	v10 =	vld.idx.msk [tilespmem:v18+s15+$0x0], $0xffff  }
0x2dc: {  	v4 =	vadd.f32 v5, v4  }
0x2dd: {  	v5 =	vld.idx.msk [tilespmem:v19+s15+$0x0], $0xffff  }
0x2de: {  	v4 =	vadd.f32 v7, v4;
	_ =	sdelay $0x1  }
0x2df: {  	v11 =	vor.u32 $0x500, v1;
	v4 =	vadd.f32 v10, v4;
	_ =	sdelay $0x1  }
0x2e0: {  	v4 =	vadd.f32 v5, v4;
	v5 =	vor.u32 $0x501, v1;
	_ =	sdelay $0x1  }
0x2e1: {  	[tilespmem:$0x10040] =	vst v4;
	v4 =	vor.u32 $0x502, v1  }
0x2e2: {  	v6 =	vld.idx.msk [tilespmem:v11+s15+$0x0], $0xffff  }
0x2e3: {  	v12 =	vor.u32 $0x503, v1  }
0x2e4: {  	v5 =	vld.idx.msk [tilespmem:v5+s15+$0x0], $0xffff  }
0x2e5: {  	v13 =	vor.u32 $0x504, v1  }
0x2e6: {  	v4 =	vld.idx.msk [tilespmem:v4+s15+$0x0], $0xffff  }
0x2e7: {  	v14 =	vor.u32 $0x505, v1;
	v6 =	vadd.f32 $0.0e+00, v6  }
0x2e8: {  	v7 =	vld.idx.msk [tilespmem:v12+s15+$0x0], $0xffff  }
0x2e9: {  	v15 =	vor.u32 $0x506, v1;
	v5 =	vadd.f32 v5, v6  }
0x2ea: {  	v8 =	vld.idx.msk [tilespmem:v13+s15+$0x0], $0xffff  }
0x2eb: {  	v4 =	vadd.f32 v4, v5;
	v5 =	vor.u32 $0x507, v1  }
0x2ec: {  	v9 =	vld.idx.msk [tilespmem:v14+s15+$0x0], $0xffff  }
0x2ed: {  	v16 =	vor.u32 $0x508, v1;
	v4 =	vadd.f32 v7, v4  }
0x2ee: {  	v6 =	vld.idx.msk [tilespmem:v15+s15+$0x0], $0xffff  }
0x2ef: {  	v17 =	vor.u32 $0x509, v1;
	v4 =	vadd.f32 v8, v4  }
0x2f0: {  	v5 =	vld.idx.msk [tilespmem:v5+s15+$0x0], $0xffff  }
0x2f1: {  	v18 =	vor.u32 $0x50A, v1;
	v4 =	vadd.f32 v9, v4  }
0x2f2: {  	v7 =	vld.idx.msk [tilespmem:v16+s15+$0x0], $0xffff  }
0x2f3: {  	v19 =	vor.u32 $0x50B, v1;
	v4 =	vadd.f32 v6, v4  }
0x2f4: {  	v8 =	vld.idx.msk [tilespmem:v17+s15+$0x0], $0xffff  }
0x2f5: {  	v4 =	vadd.f32 v5, v4;
	v5 =	vor.u32 $0x50C, v1  }
0x2f6: {  	v9 =	vld.idx.msk [tilespmem:v18+s15+$0x0], $0xffff  }
0x2f7: {  	v12 =	vor.u32 $0x50D, v1;
	v4 =	vadd.f32 v7, v4  }
0x2f8: {  	v6 =	vld.idx.msk [tilespmem:v19+s15+$0x0], $0xffff  }
0x2f9: {  	v13 =	vor.u32 $0x50E, v1;
	v4 =	vadd.f32 v8, v4  }
0x2fa: {  	v5 =	vld.idx.msk [tilespmem:v5+s15+$0x0], $0xffff  }
0x2fb: {  	v14 =	vor.u32 $0x50F, v1;
	v4 =	vadd.f32 v9, v4  }
0x2fc: {  	v7 =	vld.idx.msk [tilespmem:v12+s15+$0x0], $0xffff  }
0x2fd: {  	v4 =	vadd.f32 v6, v4  }
0x2fe: {  	v15 =	vld.idx.msk [tilespmem:v13+s15+$0x0], $0xffff  }
0x2ff: {  	v4 =	vadd.f32 v5, v4  }
0x300: {  	v5 =	vld.idx.msk [tilespmem:v14+s15+$0x0], $0xffff  }
0x301: {  	v4 =	vadd.f32 v7, v4;
	_ =	sdelay $0x1  }
0x302: {  	v16 =	vor.u32 $0x600, v1;
	v4 =	vadd.f32 v15, v4;
	_ =	sdelay $0x1  }
0x303: {  	v4 =	vadd.f32 v5, v4;
	v5 =	vor.u32 $0x601, v1;
	_ =	sdelay $0x1  }
0x304: {  	[tilespmem:$0x10050] =	vst v4;
	v4 =	vor.u32 $0x602, v1  }
0x305: {  	v6 =	vld.idx.msk [tilespmem:v16+s15+$0x0], $0xffff  }
0x306: {  	v17 =	vor.u32 $0x603, v1  }
0x307: {  	v5 =	vld.idx.msk [tilespmem:v5+s15+$0x0], $0xffff  }
0x308: {  	v18 =	vor.u32 $0x604, v1  }
0x309: {  	v4 =	vld.idx.msk [tilespmem:v4+s15+$0x0], $0xffff  }
0x30a: {  	v19 =	vor.u32 $0x605, v1;
	v6 =	vadd.f32 $0.0e+00, v6  }
0x30b: {  	v7 =	vld.idx.msk [tilespmem:v17+s15+$0x0], $0xffff  }
0x30c: {  	v12 =	vor.u32 $0x606, v1;
	v5 =	vadd.f32 v5, v6  }
0x30d: {  	v8 =	vld.idx.msk [tilespmem:v18+s15+$0x0], $0xffff  }
0x30e: {  	v4 =	vadd.f32 v4, v5;
	v5 =	vor.u32 $0x607, v1  }
0x30f: {  	v9 =	vld.idx.msk [tilespmem:v19+s15+$0x0], $0xffff  }
0x310: {  	v13 =	vor.u32 $0x608, v1;
	v4 =	vadd.f32 v7, v4  }
0x311: {  	v6 =	vld.idx.msk [tilespmem:v12+s15+$0x0], $0xffff  }
0x312: {  	v14 =	vor.u32 $0x609, v1;
	v4 =	vadd.f32 v8, v4  }
0x313: {  	v5 =	vld.idx.msk [tilespmem:v5+s15+$0x0], $0xffff  }
0x314: {  	v15 =	vor.u32 $0x60A, v1;
	v4 =	vadd.f32 v9, v4  }
0x315: {  	v7 =	vld.idx.msk [tilespmem:v13+s15+$0x0], $0xffff  }
0x316: {  	v16 =	vor.u32 $0x60B, v1;
	v4 =	vadd.f32 v6, v4  }
0x317: {  	v8 =	vld.idx.msk [tilespmem:v14+s15+$0x0], $0xffff  }
0x318: {  	v4 =	vadd.f32 v5, v4;
	v5 =	vor.u32 $0x60C, v1  }
0x319: {  	v9 =	vld.idx.msk [tilespmem:v15+s15+$0x0], $0xffff  }
0x31a: {  	v17 =	vor.u32 $0x60D, v1;
	v4 =	vadd.f32 v7, v4  }
0x31b: {  	v6 =	vld.idx.msk [tilespmem:v16+s15+$0x0], $0xffff  }
0x31c: {  	v18 =	vor.u32 $0x60E, v1;
	v4 =	vadd.f32 v8, v4  }
0x31d: {  	v5 =	vld.idx.msk [tilespmem:v5+s15+$0x0], $0xffff  }
0x31e: {  	v19 =	vor.u32 $0x60F, v1;
	v4 =	vadd.f32 v9, v4  }
0x31f: {  	v7 =	vld.idx.msk [tilespmem:v17+s15+$0x0], $0xffff  }
0x320: {  	v4 =	vadd.f32 v6, v4  }
0x321: {  	v10 =	vld.idx.msk [tilespmem:v18+s15+$0x0], $0xffff  }
0x322: {  	v4 =	vadd.f32 v5, v4  }
0x323: {  	v5 =	vld.idx.msk [tilespmem:v19+s15+$0x0], $0xffff  }
0x324: {  	v4 =	vadd.f32 v7, v4;
	_ =	sdelay $0x1  }
0x325: {  	v11 =	vor.u32 $0x700, v1;
	v4 =	vadd.f32 v10, v4;
	_ =	sdelay $0x1  }
0x326: {  	v4 =	vadd.f32 v5, v4;
	v5 =	vor.u32 $0x701, v1;
	_ =	sdelay $0x1  }
0x327: {  	[tilespmem:$0x10060] =	vst v4;
	v4 =	vor.u32 $0x702, v1  }
0x328: {  	v6 =	vld.idx.msk [tilespmem:v11+s15+$0x0], $0xffff  }
0x329: {  	v12 =	vor.u32 $0x703, v1  }
0x32a: {  	v5 =	vld.idx.msk [tilespmem:v5+s15+$0x0], $0xffff  }
0x32b: {  	v13 =	vor.u32 $0x704, v1  }
0x32c: {  	v4 =	vld.idx.msk [tilespmem:v4+s15+$0x0], $0xffff  }
0x32d: {  	v14 =	vor.u32 $0x705, v1;
	v6 =	vadd.f32 $0.0e+00, v6  }
0x32e: {  	v7 =	vld.idx.msk [tilespmem:v12+s15+$0x0], $0xffff  }
0x32f: {  	v15 =	vor.u32 $0x706, v1;
	v5 =	vadd.f32 v5, v6  }
0x330: {  	v8 =	vld.idx.msk [tilespmem:v13+s15+$0x0], $0xffff  }
0x331: {  	v4 =	vadd.f32 v4, v5;
	v5 =	vor.u32 $0x707, v1  }
0x332: {  	v9 =	vld.idx.msk [tilespmem:v14+s15+$0x0], $0xffff  }
0x333: {  	v16 =	vor.u32 $0x708, v1;
	v4 =	vadd.f32 v7, v4  }
0x334: {  	v6 =	vld.idx.msk [tilespmem:v15+s15+$0x0], $0xffff  }
0x335: {  	v17 =	vor.u32 $0x709, v1;
	v4 =	vadd.f32 v8, v4  }
0x336: {  	v5 =	vld.idx.msk [tilespmem:v5+s15+$0x0], $0xffff  }
0x337: {  	v18 =	vor.u32 $0x70A, v1;
	v4 =	vadd.f32 v9, v4  }
0x338: {  	v7 =	vld.idx.msk [tilespmem:v16+s15+$0x0], $0xffff  }
0x339: {  	v19 =	vor.u32 $0x70B, v1;
	v4 =	vadd.f32 v6, v4  }
0x33a: {  	v8 =	vld.idx.msk [tilespmem:v17+s15+$0x0], $0xffff  }
0x33b: {  	v4 =	vadd.f32 v5, v4;
	v5 =	vor.u32 $0x70C, v1  }
0x33c: {  	v9 =	vld.idx.msk [tilespmem:v18+s15+$0x0], $0xffff  }
0x33d: {  	v12 =	vor.u32 $0x70D, v1;
	v4 =	vadd.f32 v7, v4  }
0x33e: {  	v6 =	vld.idx.msk [tilespmem:v19+s15+$0x0], $0xffff  }
0x33f: {  	v13 =	vor.u32 $0x70E, v1;
	v4 =	vadd.f32 v8, v4  }
0x340: {  	v5 =	vld.idx.msk [tilespmem:v5+s15+$0x0], $0xffff  }
0x341: {  	v14 =	vor.u32 $0x70F, v1;
	v4 =	vadd.f32 v9, v4  }
0x342: {  	v7 =	vld.idx.msk [tilespmem:v12+s15+$0x0], $0xffff  }
0x343: {  	v4 =	vadd.f32 v6, v4  }
0x344: {  	v15 =	vld.idx.msk [tilespmem:v13+s15+$0x0], $0xffff  }
0x345: {  	v4 =	vadd.f32 v5, v4  }
0x346: {  	v5 =	vld.idx.msk [tilespmem:v14+s15+$0x0], $0xffff  }
0x347: {  	v4 =	vadd.f32 v7, v4;
	_ =	sdelay $0x1  }
0x348: {  	v16 =	vor.u32 $0x800, v1;
	v4 =	vadd.f32 v15, v4;
	_ =	sdelay $0x1  }
0x349: {  	v4 =	vadd.f32 v5, v4;
	v5 =	vor.u32 $0x801, v1;
	_ =	sdelay $0x1  }
0x34a: {  	[tilespmem:$0x10070] =	vst v4;
	v4 =	vor.u32 $0x802, v1  }
0x34b: {  	v6 =	vld.idx.msk [tilespmem:v16+s15+$0x0], $0xffff  }
0x34c: {  	v17 =	vor.u32 $0x803, v1  }
0x34d: {  	v5 =	vld.idx.msk [tilespmem:v5+s15+$0x0], $0xffff  }
0x34e: {  	v18 =	vor.u32 $0x804, v1  }
0x34f: {  	v4 =	vld.idx.msk [tilespmem:v4+s15+$0x0], $0xffff  }
0x350: {  	v19 =	vor.u32 $0x805, v1;
	v6 =	vadd.f32 $0.0e+00, v6  }
0x351: {  	v7 =	vld.idx.msk [tilespmem:v17+s15+$0x0], $0xffff  }
0x352: {  	v12 =	vor.u32 $0x806, v1;
	v5 =	vadd.f32 v5, v6  }
0x353: {  	v8 =	vld.idx.msk [tilespmem:v18+s15+$0x0], $0xffff  }
0x354: {  	v4 =	vadd.f32 v4, v5;
	v5 =	vor.u32 $0x807, v1  }
0x355: {  	v9 =	vld.idx.msk [tilespmem:v19+s15+$0x0], $0xffff  }
0x356: {  	v13 =	vor.u32 $0x808, v1;
	v4 =	vadd.f32 v7, v4  }
0x357: {  	v6 =	vld.idx.msk [tilespmem:v12+s15+$0x0], $0xffff  }
0x358: {  	v14 =	vor.u32 $0x809, v1;
	v4 =	vadd.f32 v8, v4  }
0x359: {  	v5 =	vld.idx.msk [tilespmem:v5+s15+$0x0], $0xffff  }
0x35a: {  	v15 =	vor.u32 $0x80A, v1;
	v4 =	vadd.f32 v9, v4  }
0x35b: {  	v7 =	vld.idx.msk [tilespmem:v13+s15+$0x0], $0xffff  }
0x35c: {  	v16 =	vor.u32 $0x80B, v1;
	v4 =	vadd.f32 v6, v4  }
0x35d: {  	v8 =	vld.idx.msk [tilespmem:v14+s15+$0x0], $0xffff  }
0x35e: {  	v4 =	vadd.f32 v5, v4;
	v5 =	vor.u32 $0x80C, v1  }
0x35f: {  	v9 =	vld.idx.msk [tilespmem:v15+s15+$0x0], $0xffff  }
0x360: {  	v17 =	vor.u32 $0x80D, v1;
	v4 =	vadd.f32 v7, v4  }
0x361: {  	v6 =	vld.idx.msk [tilespmem:v16+s15+$0x0], $0xffff  }
0x362: {  	v18 =	vor.u32 $0x80E, v1;
	v4 =	vadd.f32 v8, v4  }
0x363: {  	v5 =	vld.idx.msk [tilespmem:v5+s15+$0x0], $0xffff  }
0x364: {  	v19 =	vor.u32 $0x80F, v1;
	v4 =	vadd.f32 v9, v4  }
0x365: {  	v7 =	vld.idx.msk [tilespmem:v17+s15+$0x0], $0xffff  }
0x366: {  	v4 =	vadd.f32 v6, v4  }
0x367: {  	v10 =	vld.idx.msk [tilespmem:v18+s15+$0x0], $0xffff  }
0x368: {  	v4 =	vadd.f32 v5, v4  }
0x369: {  	v5 =	vld.idx.msk [tilespmem:v19+s15+$0x0], $0xffff  }
0x36a: {  	v4 =	vadd.f32 v7, v4;
	_ =	sdelay $0x1  }
0x36b: {  	v11 =	vor.u32 $0x900, v1;
	v4 =	vadd.f32 v10, v4;
	_ =	sdelay $0x1  }
0x36c: {  	v4 =	vadd.f32 v5, v4;
	v5 =	vor.u32 $0x901, v1;
	_ =	sdelay $0x1  }
0x36d: {  	[tilespmem:$0x10080] =	vst v4;
	v4 =	vor.u32 $0x902, v1  }
0x36e: {  	v6 =	vld.idx.msk [tilespmem:v11+s15+$0x0], $0xffff  }
0x36f: {  	v12 =	vor.u32 $0x903, v1  }
0x370: {  	v5 =	vld.idx.msk [tilespmem:v5+s15+$0x0], $0xffff  }
0x371: {  	v13 =	vor.u32 $0x904, v1  }
0x372: {  	v4 =	vld.idx.msk [tilespmem:v4+s15+$0x0], $0xffff  }
0x373: {  	v14 =	vor.u32 $0x905, v1;
	v6 =	vadd.f32 $0.0e+00, v6  }
0x374: {  	v7 =	vld.idx.msk [tilespmem:v12+s15+$0x0], $0xffff  }
0x375: {  	v15 =	vor.u32 $0x906, v1;
	v5 =	vadd.f32 v5, v6  }
0x376: {  	v8 =	vld.idx.msk [tilespmem:v13+s15+$0x0], $0xffff  }
0x377: {  	v4 =	vadd.f32 v4, v5;
	v5 =	vor.u32 $0x907, v1  }
0x378: {  	v9 =	vld.idx.msk [tilespmem:v14+s15+$0x0], $0xffff  }
0x379: {  	v16 =	vor.u32 $0x908, v1;
	v4 =	vadd.f32 v7, v4  }
0x37a: {  	v6 =	vld.idx.msk [tilespmem:v15+s15+$0x0], $0xffff  }
0x37b: {  	v17 =	vor.u32 $0x909, v1;
	v4 =	vadd.f32 v8, v4  }
0x37c: {  	v5 =	vld.idx.msk [tilespmem:v5+s15+$0x0], $0xffff  }
0x37d: {  	v18 =	vor.u32 $0x90A, v1;
	v4 =	vadd.f32 v9, v4  }
0x37e: {  	v7 =	vld.idx.msk [tilespmem:v16+s15+$0x0], $0xffff  }
0x37f: {  	v19 =	vor.u32 $0x90B, v1;
	v4 =	vadd.f32 v6, v4  }
0x380: {  	v8 =	vld.idx.msk [tilespmem:v17+s15+$0x0], $0xffff  }
0x381: {  	v4 =	vadd.f32 v5, v4;
	v5 =	vor.u32 $0x90C, v1  }
0x382: {  	v9 =	vld.idx.msk [tilespmem:v18+s15+$0x0], $0xffff  }
0x383: {  	v12 =	vor.u32 $0x90D, v1;
	v4 =	vadd.f32 v7, v4  }
0x384: {  	v6 =	vld.idx.msk [tilespmem:v19+s15+$0x0], $0xffff  }
0x385: {  	v13 =	vor.u32 $0x90E, v1;
	v4 =	vadd.f32 v8, v4  }
0x386: {  	v5 =	vld.idx.msk [tilespmem:v5+s15+$0x0], $0xffff  }
0x387: {  	v14 =	vor.u32 $0x90F, v1;
	v4 =	vadd.f32 v9, v4  }
0x388: {  	v7 =	vld.idx.msk [tilespmem:v12+s15+$0x0], $0xffff  }
0x389: {  	v4 =	vadd.f32 v6, v4  }
0x38a: {  	v15 =	vld.idx.msk [tilespmem:v13+s15+$0x0], $0xffff  }
0x38b: {  	v4 =	vadd.f32 v5, v4  }
0x38c: {  	v5 =	vld.idx.msk [tilespmem:v14+s15+$0x0], $0xffff  }
0x38d: {  	v4 =	vadd.f32 v7, v4;
	_ =	sdelay $0x1  }
0x38e: {  	v16 =	vor.u32 $0xA00, v1;
	v4 =	vadd.f32 v15, v4;
	_ =	sdelay $0x1  }
0x38f: {  	v4 =	vadd.f32 v5, v4;
	v5 =	vor.u32 $0xA01, v1;
	_ =	sdelay $0x1  }
0x390: {  	[tilespmem:$0x10090] =	vst v4;
	v4 =	vor.u32 $0xA02, v1  }
0x391: {  	v6 =	vld.idx.msk [tilespmem:v16+s15+$0x0], $0xffff  }
0x392: {  	v17 =	vor.u32 $0xA03, v1  }
0x393: {  	v5 =	vld.idx.msk [tilespmem:v5+s15+$0x0], $0xffff  }
0x394: {  	v18 =	vor.u32 $0xA04, v1  }
0x395: {  	v4 =	vld.idx.msk [tilespmem:v4+s15+$0x0], $0xffff  }
0x396: {  	v19 =	vor.u32 $0xA05, v1;
	v6 =	vadd.f32 $0.0e+00, v6  }
0x397: {  	v7 =	vld.idx.msk [tilespmem:v17+s15+$0x0], $0xffff  }
0x398: {  	v12 =	vor.u32 $0xA06, v1;
	v5 =	vadd.f32 v5, v6  }
0x399: {  	v8 =	vld.idx.msk [tilespmem:v18+s15+$0x0], $0xffff  }
0x39a: {  	v4 =	vadd.f32 v4, v5;
	v5 =	vor.u32 $0xA07, v1  }
0x39b: {  	v9 =	vld.idx.msk [tilespmem:v19+s15+$0x0], $0xffff  }
0x39c: {  	v13 =	vor.u32 $0xA08, v1;
	v4 =	vadd.f32 v7, v4  }
0x39d: {  	v6 =	vld.idx.msk [tilespmem:v12+s15+$0x0], $0xffff  }
0x39e: {  	v14 =	vor.u32 $0xA09, v1;
	v4 =	vadd.f32 v8, v4  }
0x39f: {  	v5 =	vld.idx.msk [tilespmem:v5+s15+$0x0], $0xffff  }
0x3a0: {  	v15 =	vor.u32 $0xA0A, v1;
	v4 =	vadd.f32 v9, v4  }
0x3a1: {  	v7 =	vld.idx.msk [tilespmem:v13+s15+$0x0], $0xffff  }
0x3a2: {  	v16 =	vor.u32 $0xA0B, v1;
	v4 =	vadd.f32 v6, v4  }
0x3a3: {  	v8 =	vld.idx.msk [tilespmem:v14+s15+$0x0], $0xffff  }
0x3a4: {  	v4 =	vadd.f32 v5, v4;
	v5 =	vor.u32 $0xA0C, v1  }
0x3a5: {  	v9 =	vld.idx.msk [tilespmem:v15+s15+$0x0], $0xffff  }
0x3a6: {  	v17 =	vor.u32 $0xA0D, v1;
	v4 =	vadd.f32 v7, v4  }
0x3a7: {  	v6 =	vld.idx.msk [tilespmem:v16+s15+$0x0], $0xffff  }
0x3a8: {  	v18 =	vor.u32 $0xA0E, v1;
	v4 =	vadd.f32 v8, v4  }
0x3a9: {  	v5 =	vld.idx.msk [tilespmem:v5+s15+$0x0], $0xffff  }
0x3aa: {  	v19 =	vor.u32 $0xA0F, v1;
	v4 =	vadd.f32 v9, v4  }
0x3ab: {  	v7 =	vld.idx.msk [tilespmem:v17+s15+$0x0], $0xffff  }
0x3ac: {  	v4 =	vadd.f32 v6, v4  }
0x3ad: {  	v10 =	vld.idx.msk [tilespmem:v18+s15+$0x0], $0xffff  }
0x3ae: {  	v4 =	vadd.f32 v5, v4  }
0x3af: {  	v5 =	vld.idx.msk [tilespmem:v19+s15+$0x0], $0xffff  }
0x3b0: {  	v4 =	vadd.f32 v7, v4;
	_ =	sdelay $0x1  }
0x3b1: {  	v11 =	vor.u32 $0xB00, v1;
	v4 =	vadd.f32 v10, v4;
	_ =	sdelay $0x1  }
0x3b2: {  	v4 =	vadd.f32 v5, v4;
	v5 =	vor.u32 $0xB01, v1;
	_ =	sdelay $0x1  }
0x3b3: {  	[tilespmem:$0x100A0] =	vst v4;
	v4 =	vor.u32 $0xB02, v1  }
0x3b4: {  	v6 =	vld.idx.msk [tilespmem:v11+s15+$0x0], $0xffff  }
0x3b5: {  	v12 =	vor.u32 $0xB03, v1  }
0x3b6: {  	v5 =	vld.idx.msk [tilespmem:v5+s15+$0x0], $0xffff  }
0x3b7: {  	v13 =	vor.u32 $0xB04, v1  }
0x3b8: {  	v4 =	vld.idx.msk [tilespmem:v4+s15+$0x0], $0xffff  }
0x3b9: {  	v14 =	vor.u32 $0xB05, v1;
	v6 =	vadd.f32 $0.0e+00, v6  }
0x3ba: {  	v7 =	vld.idx.msk [tilespmem:v12+s15+$0x0], $0xffff  }
0x3bb: {  	v15 =	vor.u32 $0xB06, v1;
	v5 =	vadd.f32 v5, v6  }
0x3bc: {  	v8 =	vld.idx.msk [tilespmem:v13+s15+$0x0], $0xffff  }
0x3bd: {  	v4 =	vadd.f32 v4, v5;
	v5 =	vor.u32 $0xB07, v1  }
0x3be: {  	v9 =	vld.idx.msk [tilespmem:v14+s15+$0x0], $0xffff  }
0x3bf: {  	v16 =	vor.u32 $0xB08, v1;
	v4 =	vadd.f32 v7, v4  }
0x3c0: {  	v6 =	vld.idx.msk [tilespmem:v15+s15+$0x0], $0xffff  }
0x3c1: {  	v17 =	vor.u32 $0xB09, v1;
	v4 =	vadd.f32 v8, v4  }
0x3c2: {  	v5 =	vld.idx.msk [tilespmem:v5+s15+$0x0], $0xffff  }
0x3c3: {  	v18 =	vor.u32 $0xB0A, v1;
	v4 =	vadd.f32 v9, v4  }
0x3c4: {  	v7 =	vld.idx.msk [tilespmem:v16+s15+$0x0], $0xffff  }
0x3c5: {  	v19 =	vor.u32 $0xB0B, v1;
	v4 =	vadd.f32 v6, v4  }
0x3c6: {  	v8 =	vld.idx.msk [tilespmem:v17+s15+$0x0], $0xffff  }
0x3c7: {  	v4 =	vadd.f32 v5, v4;
	v5 =	vor.u32 $0xB0C, v1  }
0x3c8: {  	v9 =	vld.idx.msk [tilespmem:v18+s15+$0x0], $0xffff  }
0x3c9: {  	v12 =	vor.u32 $0xB0D, v1;
	v4 =	vadd.f32 v7, v4  }
0x3ca: {  	v6 =	vld.idx.msk [tilespmem:v19+s15+$0x0], $0xffff  }
0x3cb: {  	v13 =	vor.u32 $0xB0E, v1;
	v4 =	vadd.f32 v8, v4  }
0x3cc: {  	v5 =	vld.idx.msk [tilespmem:v5+s15+$0x0], $0xffff  }
0x3cd: {  	v14 =	vor.u32 $0xB0F, v1;
	v4 =	vadd.f32 v9, v4  }
0x3ce: {  	v7 =	vld.idx.msk [tilespmem:v12+s15+$0x0], $0xffff  }
0x3cf: {  	v4 =	vadd.f32 v6, v4  }
0x3d0: {  	v15 =	vld.idx.msk [tilespmem:v13+s15+$0x0], $0xffff  }
0x3d1: {  	v4 =	vadd.f32 v5, v4  }
0x3d2: {  	v5 =	vld.idx.msk [tilespmem:v14+s15+$0x0], $0xffff  }
0x3d3: {  	v4 =	vadd.f32 v7, v4;
	_ =	sdelay $0x1  }
0x3d4: {  	v16 =	vor.u32 $0xC00, v1;
	v4 =	vadd.f32 v15, v4;
	_ =	sdelay $0x1  }
0x3d5: {  	v4 =	vadd.f32 v5, v4;
	v5 =	vor.u32 $0xC01, v1;
	_ =	sdelay $0x1  }
0x3d6: {  	[tilespmem:$0x100B0] =	vst v4;
	v4 =	vor.u32 $0xC02, v1  }
0x3d7: {  	v6 =	vld.idx.msk [tilespmem:v16+s15+$0x0], $0xffff  }
0x3d8: {  	v17 =	vor.u32 $0xC03, v1  }
0x3d9: {  	v5 =	vld.idx.msk [tilespmem:v5+s15+$0x0], $0xffff  }
0x3da: {  	v18 =	vor.u32 $0xC04, v1  }
0x3db: {  	v4 =	vld.idx.msk [tilespmem:v4+s15+$0x0], $0xffff  }
0x3dc: {  	v19 =	vor.u32 $0xC05, v1;
	v6 =	vadd.f32 $0.0e+00, v6  }
0x3dd: {  	v7 =	vld.idx.msk [tilespmem:v17+s15+$0x0], $0xffff  }
0x3de: {  	v12 =	vor.u32 $0xC06, v1;
	v5 =	vadd.f32 v5, v6  }
0x3df: {  	v8 =	vld.idx.msk [tilespmem:v18+s15+$0x0], $0xffff  }
0x3e0: {  	v4 =	vadd.f32 v4, v5;
	v5 =	vor.u32 $0xC07, v1  }
0x3e1: {  	v9 =	vld.idx.msk [tilespmem:v19+s15+$0x0], $0xffff  }
0x3e2: {  	v13 =	vor.u32 $0xC08, v1;
	v4 =	vadd.f32 v7, v4  }
0x3e3: {  	v6 =	vld.idx.msk [tilespmem:v12+s15+$0x0], $0xffff  }
0x3e4: {  	v14 =	vor.u32 $0xC09, v1;
	v4 =	vadd.f32 v8, v4  }
0x3e5: {  	v5 =	vld.idx.msk [tilespmem:v5+s15+$0x0], $0xffff  }
0x3e6: {  	v15 =	vor.u32 $0xC0A, v1;
	v4 =	vadd.f32 v9, v4  }
0x3e7: {  	v7 =	vld.idx.msk [tilespmem:v13+s15+$0x0], $0xffff  }
0x3e8: {  	v16 =	vor.u32 $0xC0B, v1;
	v4 =	vadd.f32 v6, v4  }
0x3e9: {  	v8 =	vld.idx.msk [tilespmem:v14+s15+$0x0], $0xffff  }
0x3ea: {  	v4 =	vadd.f32 v5, v4;
	v5 =	vor.u32 $0xC0C, v1  }
0x3eb: {  	v9 =	vld.idx.msk [tilespmem:v15+s15+$0x0], $0xffff  }
0x3ec: {  	v17 =	vor.u32 $0xC0D, v1;
	v4 =	vadd.f32 v7, v4  }
0x3ed: {  	v6 =	vld.idx.msk [tilespmem:v16+s15+$0x0], $0xffff  }
0x3ee: {  	v18 =	vor.u32 $0xC0E, v1;
	v4 =	vadd.f32 v8, v4  }
0x3ef: {  	v5 =	vld.idx.msk [tilespmem:v5+s15+$0x0], $0xffff  }
0x3f0: {  	v19 =	vor.u32 $0xC0F, v1;
	v4 =	vadd.f32 v9, v4  }
0x3f1: {  	v7 =	vld.idx.msk [tilespmem:v17+s15+$0x0], $0xffff  }
0x3f2: {  	v4 =	vadd.f32 v6, v4  }
0x3f3: {  	v12 =	vld.idx.msk [tilespmem:v18+s15+$0x0], $0xffff  }
0x3f4: {  	v4 =	vadd.f32 v5, v4  }
0x3f5: {  	v5 =	vld.idx.msk [tilespmem:v19+s15+$0x0], $0xffff  }
0x3f6: {  	v4 =	vadd.f32 v7, v4;
	_ =	sdelay $0x1  }
0x3f7: {  	v13 =	vor.u32 $0xD00, v1;
	v4 =	vadd.f32 v12, v4;
	_ =	sdelay $0x1  }
0x3f8: {  	v4 =	vadd.f32 v5, v4;
	v5 =	vor.u32 $0xD01, v1;
	_ =	sdelay $0x1  }
0x3f9: {  	[tilespmem:$0x100C0] =	vst v4;
	v4 =	vor.u32 $0xD02, v1  }
0x3fa: {  	v6 =	vld.idx.msk [tilespmem:v13+s15+$0x0], $0xffff  }
0x3fb: {  	v14 =	vor.u32 $0xD03, v1  }
0x3fc: {  	v5 =	vld.idx.msk [tilespmem:v5+s15+$0x0], $0xffff  }
0x3fd: {  	v15 =	vor.u32 $0xD04, v1  }
0x3fe: {  	v4 =	vld.idx.msk [tilespmem:v4+s15+$0x0], $0xffff  }
0x3ff: {  	v16 =	vor.u32 $0xD05, v1;
	v6 =	vadd.f32 $0.0e+00, v6  }
0x400: {  	v7 =	vld.idx.msk [tilespmem:v14+s15+$0x0], $0xffff  }
0x401: {  	v17 =	vor.u32 $0xD06, v1;
	v5 =	vadd.f32 v5, v6  }
0x402: {  	v8 =	vld.idx.msk [tilespmem:v15+s15+$0x0], $0xffff  }
0x403: {  	v4 =	vadd.f32 v4, v5;
	v5 =	vor.u32 $0xD07, v1  }
0x404: {  	v9 =	vld.idx.msk [tilespmem:v16+s15+$0x0], $0xffff  }
0x405: {  	v18 =	vor.u32 $0xD08, v1;
	v4 =	vadd.f32 v7, v4  }
0x406: {  	v6 =	vld.idx.msk [tilespmem:v17+s15+$0x0], $0xffff  }
0x407: {  	v19 =	vor.u32 $0xD09, v1;
	v4 =	vadd.f32 v8, v4  }
0x408: {  	v5 =	vld.idx.msk [tilespmem:v5+s15+$0x0], $0xffff  }
0x409: {  	v12 =	vor.u32 $0xD0A, v1;
	v4 =	vadd.f32 v9, v4  }
0x40a: {  	v7 =	vld.idx.msk [tilespmem:v18+s15+$0x0], $0xffff  }
0x40b: {  	v13 =	vor.u32 $0xD0B, v1;
	v4 =	vadd.f32 v6, v4  }
0x40c: {  	v8 =	vld.idx.msk [tilespmem:v19+s15+$0x0], $0xffff  }
0x40d: {  	v4 =	vadd.f32 v5, v4;
	v5 =	vor.u32 $0xD0C, v1  }
0x40e: {  	v9 =	vld.idx.msk [tilespmem:v12+s15+$0x0], $0xffff  }
0x40f: {  	v14 =	vor.u32 $0xD0D, v1;
	v4 =	vadd.f32 v7, v4  }
0x410: {  	v6 =	vld.idx.msk [tilespmem:v13+s15+$0x0], $0xffff  }
0x411: {  	v15 =	vor.u32 $0xD0E, v1;
	v4 =	vadd.f32 v8, v4  }
0x412: {  	v5 =	vld.idx.msk [tilespmem:v5+s15+$0x0], $0xffff  }
0x413: {  	v16 =	vor.u32 $0xD0F, v1;
	v4 =	vadd.f32 v9, v4  }
0x414: {  	v7 =	vld.idx.msk [tilespmem:v14+s15+$0x0], $0xffff  }
0x415: {  	v4 =	vadd.f32 v6, v4  }
0x416: {  	v17 =	vld.idx.msk [tilespmem:v15+s15+$0x0], $0xffff  }
0x417: {  	v4 =	vadd.f32 v5, v4  }
0x418: {  	v5 =	vld.idx.msk [tilespmem:v16+s15+$0x0], $0xffff  }
0x419: {  	v4 =	vadd.f32 v7, v4;
	_ =	sdelay $0x1  }
0x41a: {  	v18 =	vor.u32 $0xE00, v1;
	v4 =	vadd.f32 v17, v4;
	_ =	sdelay $0x1  }
0x41b: {  	v4 =	vadd.f32 v5, v4;
	v5 =	vor.u32 $0xE01, v1;
	_ =	sdelay $0x1  }
0x41c: {  	[tilespmem:$0x100D0] =	vst v4;
	v4 =	vor.u32 $0xE02, v1  }
0x41d: {  	v6 =	vld.idx.msk [tilespmem:v18+s15+$0x0], $0xffff  }
0x41e: {  	v19 =	vor.u32 $0xE03, v1  }
0x41f: {  	v5 =	vld.idx.msk [tilespmem:v5+s15+$0x0], $0xffff  }
0x420: {  	v12 =	vor.u32 $0xE04, v1  }
0x421: {  	v4 =	vld.idx.msk [tilespmem:v4+s15+$0x0], $0xffff  }
0x422: {  	v13 =	vor.u32 $0xE05, v1;
	v6 =	vadd.f32 $0.0e+00, v6  }
0x423: {  	v7 =	vld.idx.msk [tilespmem:v19+s15+$0x0], $0xffff  }
0x424: {  	v14 =	vor.u32 $0xE06, v1;
	v5 =	vadd.f32 v5, v6  }
0x425: {  	v8 =	vld.idx.msk [tilespmem:v12+s15+$0x0], $0xffff  }
0x426: {  	v4 =	vadd.f32 v4, v5;
	v5 =	vor.u32 $0xE07, v1  }
0x427: {  	v9 =	vld.idx.msk [tilespmem:v13+s15+$0x0], $0xffff  }
0x428: {  	v15 =	vor.u32 $0xE08, v1;
	v4 =	vadd.f32 v7, v4  }
0x429: {  	v6 =	vld.idx.msk [tilespmem:v14+s15+$0x0], $0xffff  }
0x42a: {  	v16 =	vor.u32 $0xE09, v1;
	v4 =	vadd.f32 v8, v4  }
0x42b: {  	v5 =	vld.idx.msk [tilespmem:v5+s15+$0x0], $0xffff  }
0x42c: {  	v17 =	vor.u32 $0xE0A, v1;
	v4 =	vadd.f32 v9, v4  }
0x42d: {  	v7 =	vld.idx.msk [tilespmem:v15+s15+$0x0], $0xffff  }
0x42e: {  	v18 =	vor.u32 $0xE0B, v1;
	v4 =	vadd.f32 v6, v4  }
0x42f: {  	v8 =	vld.idx.msk [tilespmem:v16+s15+$0x0], $0xffff  }
0x430: {  	v4 =	vadd.f32 v5, v4;
	v5 =	vor.u32 $0xE0C, v1  }
0x431: {  	v9 =	vld.idx.msk [tilespmem:v17+s15+$0x0], $0xffff  }
0x432: {  	v19 =	vor.u32 $0xE0D, v1;
	v4 =	vadd.f32 v7, v4  }
0x433: {  	v6 =	vld.idx.msk [tilespmem:v18+s15+$0x0], $0xffff  }
0x434: {  	v12 =	vor.u32 $0xE0E, v1;
	v4 =	vadd.f32 v8, v4  }
0x435: {  	v5 =	vld.idx.msk [tilespmem:v5+s15+$0x0], $0xffff  }
0x436: {  	v13 =	vor.u32 $0xE0F, v1;
	v4 =	vadd.f32 v9, v4  }
0x437: {  	v7 =	vld.idx.msk [tilespmem:v19+s15+$0x0], $0xffff  }
0x438: {  	v4 =	vadd.f32 v6, v4  }
0x439: {  	v14 =	vld.idx.msk [tilespmem:v12+s15+$0x0], $0xffff  }
0x43a: {  	v4 =	vadd.f32 v5, v4  }
0x43b: {  	v5 =	vld.idx.msk [tilespmem:v13+s15+$0x0], $0xffff  }
0x43c: {  	v4 =	vadd.f32 v7, v4;
	_ =	sdelay $0x1  }
0x43d: {  	v15 =	vor.u32 $0xF00, v1;
	v4 =	vadd.f32 v14, v4;
	_ =	sdelay $0x1  }
0x43e: {  	v4 =	vadd.f32 v5, v4;
	v5 =	vor.u32 $0xF01, v1;
	_ =	sdelay $0x1  }
0x43f: {  	[tilespmem:$0x100E0] =	vst v4;
	v4 =	vor.u32 $0xF02, v1  }
0x440: {  	v6 =	vld.idx.msk [tilespmem:v15+s15+$0x0], $0xffff  }
0x441: {  	v16 =	vor.u32 $0xF03, v1  }
0x442: {  	v5 =	vld.idx.msk [tilespmem:v5+s15+$0x0], $0xffff  }
0x443: {  	v17 =	vor.u32 $0xF04, v1  }
0x444: {  	v4 =	vld.idx.msk [tilespmem:v4+s15+$0x0], $0xffff  }
0x445: {  	v18 =	vor.u32 $0xF05, v1;
	v6 =	vadd.f32 $0.0e+00, v6  }
0x446: {  	v7 =	vld.idx.msk [tilespmem:v16+s15+$0x0], $0xffff  }
0x447: {  	v19 =	vor.u32 $0xF06, v1;
	v5 =	vadd.f32 v5, v6  }
0x448: {  	v8 =	vld.idx.msk [tilespmem:v17+s15+$0x0], $0xffff  }
0x449: {  	v4 =	vadd.f32 v4, v5;
	v5 =	vor.u32 $0xF07, v1  }
0x44a: {  	v9 =	vld.idx.msk [tilespmem:v18+s15+$0x0], $0xffff  }
0x44b: {  	v12 =	vor.u32 $0xF08, v1;
	v4 =	vadd.f32 v7, v4  }
0x44c: {  	v6 =	vld.idx.msk [tilespmem:v19+s15+$0x0], $0xffff  }
0x44d: {  	v13 =	vor.u32 $0xF09, v1;
	v4 =	vadd.f32 v8, v4  }
0x44e: {  	v5 =	vld.idx.msk [tilespmem:v5+s15+$0x0], $0xffff  }
0x44f: {  	v14 =	vor.u32 $0xF0A, v1;
	v4 =	vadd.f32 v9, v4  }
0x450: {  	v7 =	vld.idx.msk [tilespmem:v12+s15+$0x0], $0xffff  }
0x451: {  	v15 =	vor.u32 $0xF0B, v1;
	v4 =	vadd.f32 v6, v4  }
0x452: {  	v8 =	vld.idx.msk [tilespmem:v13+s15+$0x0], $0xffff  }
0x453: {  	v4 =	vadd.f32 v5, v4;
	v5 =	vor.u32 $0xF0C, v1  }
0x454: {  	v9 =	vld.idx.msk [tilespmem:v14+s15+$0x0], $0xffff  }
0x455: {  	v16 =	vor.u32 $0xF0D, v1;
	v4 =	vadd.f32 v7, v4  }
0x456: {  	v6 =	vld.idx.msk [tilespmem:v15+s15+$0x0], $0xffff  }
0x457: {  	v17 =	vor.u32 $0xF0E, v1;
	v4 =	vadd.f32 v8, v4  }
0x458: {  	v5 =	vld.idx.msk [tilespmem:v5+s15+$0x0], $0xffff  }
0x459: {  	v18 =	vor.u32 $0xF0F, v1;
	v4 =	vadd.f32 v9, v4  }
0x45a: {  	v7 =	vld.idx.msk [tilespmem:v16+s15+$0x0], $0xffff  }
0x45b: {  	v4 =	vadd.f32 v6, v4  }
0x45c: {  	v19 =	vld.idx.msk [tilespmem:v17+s15+$0x0], $0xffff  }
0x45d: {  	v4 =	vadd.f32 v5, v4  }
0x45e: {  	v5 =	vld.idx.msk [tilespmem:v18+s15+$0x0], $0xffff  }
0x45f: {  	v4 =	vadd.f32 v7, v4;
	_ =	sdelay $0x1  }
0x460: {  	v4 =	vadd.f32 v19, v4;
	_ =	sdelay $0x1  }
0x461: {  	s20 =	sadd.s32 $0x1, s20;
	v4 =	vadd.f32 v5, v4  }
0x462: {  	p0 =	sne.s32 s20, s10  }
.Ltmp10:
0x463: {  	[tilespmem:$0x100F0] =	vst v4;
	(pc) =	sbr.rel @p0 .LBB2_1-.Ltmp10, $4  }
0x464: {  	[hbm4b:s9+s3] =	stream.linear.scatter [tilespmem:s15], [sflag:$0x5], $0x100, $0x38;
	[tilespmem:$0x11000] =	vst v63  }
0x465: {  	_ =	swait.ge [sflag:s19], $0x100  }
0x466: {  	[sflag:s19] =	ssyncset.done $0x0  }
0x467: {  	[sflag:s19] =	ssyncadd.s32 $0xFFFFFF00  }
0x468: {  	_ =	sfence.sel $0x180000  }
0x469: {  	[bflag:$0x0] =	sbarrier.arrive $0xFFFF  }
0x46a: {  	_ =	strace $0x90000047  }
0x46b: {  	[bflag:$0x2] =	sbarrier.arrive $0xFFFF  }
0x46c: {  	p0 =	sne.s32 s1, $0x0;
	s0 =	rddreg [dreg:$0x2]  }
0x46d: {  	s0 =	sadd.s32 @!p0 $0x100000, s0  }
0x46e: {  	[sflag:s0] =	ssyncadd.tile.s32 @!p0 $0x1;
	_ =	shalt  }
.Lfunc_end2:
_tile_overlayer_lowered:
.L_overlay_start_2:
0x46f: {  	(tag) =	ssettag $0x2  }
0x470: {  	s0 =	rddreg [dreg:$0x0];
	s2 =	stileid.u32  }
0x471: {  	s1 =	rddreg [dreg:$0x1];
	p0 =	sne.s32 s2, $0x0  }
0x472: {  	s3 =	rddreg [dreg:$0x2];
	[bflag:$0x3] =	sbarrier.arrive $0xFFFF;
	s2 =	simm.s32 @!p0 $0x1C05  }
0x473: {  	[timem:s3], [sflag:s2] =	dma.local @!p0 [hbm:s0], s1  }
0x474: {  	s0 =	simm.s32 @!p0 $0x5  }
0x475: {  	_ =	swait.ge @!p0 [sflag:s0], s1  }
0x476: {  	s1 =	ssub.s32 @!p0 $0x0, s1;
	[sflag:s0] =	ssyncset.done @!p0 $0x0  }
0x477: {  	[sflag:s0] =	ssyncadd.s32 @!p0 s1  }
0x478: {  	[bflag:$0x3] =	sbarrier.arrive $0xFFFF  }
0x479: {  	_ =	shalt  }

</sc_bundles>
